<compile_context>
chip_gen: v7x
topology: tpu7x:2x2x1
jax: 0.10.2.dev20260603
libtpu: 0.0.44.dev20260713+nightly
codegen_flags: <defaults>
</compile_context>

<pallas_src>
import functools
import jax
import jax.numpy as jnp
from jax import lax
from jax.experimental import pallas as pl
from jax.experimental.pallas import tpu as pltpu
from jax.experimental.pallas import tpu_sc as plsc

B, L, D = 1024, 200, 64
NSEG = 3
NW = 32
ROWS = B * L
ROWS_PER_W = ROWS // NW
CHUNK = 400
NCHUNK = ROWS_PER_W // CHUNK
PIECE = 80
NPIECE = CHUNK // PIECE
LANES = 16
NGRP = CHUNK // LANES


def _sc_body(xf, segf, table, seg_table, pos, out,
             idxall, segall, rowbuf0, rowbuf1, posbuf,
             segtbuf, addbuf, gsem, osem):
    wid = lax.axis_index("s") * 2 + lax.axis_index("c")
    wbase = wid * ROWS_PER_W

    pltpu.sync_copy(xf.at[pl.ds(wbase, ROWS_PER_W)], idxall)
    pltpu.sync_copy(segf.at[pl.ds(wbase, ROWS_PER_W)], segall)

    def fire_gathers(c, buf):
        for p in range(NPIECE):
            pltpu.async_copy(
                table.at[idxall.at[pl.ds(c * CHUNK + p * PIECE, PIECE)]],
                buf.at[pl.ds(p * PIECE, PIECE)], gsem)

    def wait_gathers(c, buf):
        for p in range(NPIECE):
            pltpu.make_async_copy(
                table.at[idxall.at[pl.ds(c * CHUNK + p * PIECE, PIECE)]],
                buf.at[pl.ds(p * PIECE, PIECE)], gsem).wait()

    def fire_out(c, buf):
        pltpu.async_copy(buf, out.at[pl.ds(wbase + c * CHUNK, CHUNK)], osem)

    def wait_out(c, buf):
        pltpu.make_async_copy(
            buf, out.at[pl.ds(wbase + c * CHUNK, CHUNK)], osem).wait()

    fire_gathers(0, rowbuf0)

    pltpu.sync_copy(pos, posbuf)
    pltpu.sync_copy(seg_table, segtbuf)
    segrows = [[segtbuf[s, pl.ds(LANES * k, LANES)] for k in range(D // LANES)]
               for s in range(NSEG)]

    def addloop(l, carry):
        for k in range(D // LANES):
            pk = posbuf[l, pl.ds(LANES * k, LANES)]
            for s in range(NSEG):
                addbuf[pl.ds(s * (L * D) + l * D + LANES * k, LANES)] = (
                    pk + segrows[s][k])
        return carry

    lax.fori_loop(0, L, addloop, 0)

    iota = lax.iota(jnp.int32, LANES)
    iotas = [iota + LANES * k for k in range(D // LANES)]
    jfulls = [jnp.full((LANES,), j, dtype=jnp.int32) for j in range(LANES)]

    def compute(c, buf):
        coff = c * CHUNK

        def grp_body(g, carry2):
            segv = segall[pl.ds(coff + g * LANES, LANES)]
            lposv = lax.rem(g * LANES + iota, L)
            fbv = segv * (L * D) + lposv * D
            for j in range(LANES):
                fbs = fbv.at[jfulls[j]].get(mode="promise_in_bounds")
                r = g * LANES + j
                for k in range(D // LANES):
                    av = plsc.load_gather(addbuf, [fbs + iotas[k]])
                    plsc.addupdate(buf.at[r, pl.ds(LANES * k, LANES)], av)
            return carry2

        lax.fori_loop(0, NGRP, grp_body, 0)

    def pair_body(t, carry):
        c0 = 2 * t

        @pl.when(t >= 1)
        def _():
            wait_out(c0 - 1, rowbuf1)

        fire_gathers(c0 + 1, rowbuf1)
        wait_gathers(c0, rowbuf0)
        compute(c0, rowbuf0)
        fire_out(c0, rowbuf0)

        c1 = c0 + 1
        wait_out(c0, rowbuf0)

        @pl.when(t < NCHUNK // 2 - 1)
        def _():
            fire_gathers(c1 + 1, rowbuf0)

        wait_gathers(c1, rowbuf1)
        compute(c1, rowbuf1)
        fire_out(c1, rowbuf1)
        return carry

    lax.fori_loop(0, NCHUNK // 2, pair_body, 0)
    wait_out(NCHUNK - 1, rowbuf1)


_sc_kernel = functools.partial(
    pl.kernel,
    mesh=plsc.VectorSubcoreMesh(core_axis_name="c", subcore_axis_name="s"),
    out_type=jax.ShapeDtypeStruct((ROWS, D), jnp.float32),
    scratch_types=[
        pltpu.VMEM((ROWS_PER_W,), jnp.int32),
        pltpu.VMEM((ROWS_PER_W,), jnp.int32),
        pltpu.VMEM((CHUNK, D), jnp.float32),
        pltpu.VMEM((CHUNK, D), jnp.float32),
        pltpu.VMEM((L, D), jnp.float32),
        pltpu.VMEM((NSEG, D), jnp.float32),
        pltpu.VMEM((NSEG * L * D,), jnp.float32),
        pltpu.SemaphoreType.DMA,
        pltpu.SemaphoreType.DMA,
    ],
    compiler_params=pltpu.CompilerParams(
        needs_layout_passes=False, use_tc_tiling_on_sc=False),
)(_sc_body)


def kernel(x, segment_info, table, seg_table, pos):
    xf = x.astype(jnp.int32).reshape(ROWS)
    segf = segment_info.astype(jnp.int32).reshape(ROWS)
    pos_l = pos[:L]
    out = _sc_kernel(xf, segf, table, seg_table, pos_l)
    return out.reshape(B, L, D)

# --- scband reference (transcript-rebuilt; emitter-appended) ---
"""Pipeline reference for scband-bertembedding-block-6700148981783 (READ-ONLY COPY).

The authoritative reference and input builder live on the scoring server;
editing this copy changes nothing except your own understanding.
"""

import jax, jax.numpy as jnp
import numpy as np

B, L, V, D, M = 1024, 200, 1000000, 64, 512

def _make_pos(max_seq_len, dim):
    units = 10000.0 ** (2.0 * np.arange(dim // 2) / dim)
    p = np.arange(max_seq_len, dtype=np.float64)[:, None]
    pos = np.zeros((max_seq_len, dim), dtype=np.float32)
    pos[:, 0::2] = np.sin(p / units[None, :]).astype(np.float32)
    pos[:, 1::2] = np.cos(p / units[None, :]).astype(np.float32)
    return jnp.asarray(pos)

def setup_inputs(seed: int = 0) -> dict:
    key = jax.random.key(seed)
    k1, k2, k3, k4 = jax.random.split(key, 4)
    x = jax.random.randint(k1, (B, L), 0, V, dtype=jnp.int64)
    segment_info = jax.random.randint(k2, (B, L), 0, 3, dtype=jnp.int64)
    table = jax.random.normal(k3, (V, D), dtype=jnp.float32) * 0.02
    seg_table = jax.random.normal(k4, (3, D), dtype=jnp.float32) * 0.02
    pos = _make_pos(M, D)
    return {"x": x, "segment_info": segment_info, "table": table, "seg_table": seg_table, "pos": pos}

def reference(x, segment_info, table, seg_table, pos):
    out = jnp.take(table, x, axis=0)
    seq_len = x.shape[1]
    out = out + pos[:seq_len, :][None, :, :]
    out = out + jnp.take(seg_table, segment_info, axis=0)
    return out

if __name__ == "__main__":
    import jax
    _d = setup_inputs()
    print(jax.jit(kernel)(*tuple(_d.values())))

</pallas_src>

<mosaic_0001>
#map = affine_map<(d0, d1) -> (0)>
#map1 = affine_map<(d0, d1) -> (0, 0)>
module attributes {stable_mosaic.version = 14 : i64} {
  func.func @_sc_body(%arg0: i32, %arg1: i32, %arg2: memref<204800xi32, #tpu.memory_space<hbm>>, %arg3: memref<204800xi32, #tpu.memory_space<hbm>>, %arg4: memref<1000000x64xf32, #tpu.memory_space<hbm>>, %arg5: memref<3x64xf32, #tpu.memory_space<hbm>>, %arg6: memref<200x64xf32, #tpu.memory_space<hbm>>, %arg7: memref<204800x64xf32, #tpu.memory_space<hbm>>, %arg8: memref<6400xi32, #tpu.memory_space<vmem>>, %arg9: memref<6400xi32, #tpu.memory_space<vmem>>, %arg10: memref<400x64xf32, #tpu.memory_space<vmem>>, %arg11: memref<400x64xf32, #tpu.memory_space<vmem>>, %arg12: memref<200x64xf32, #tpu.memory_space<vmem>>, %arg13: memref<3x64xf32, #tpu.memory_space<vmem>>, %arg14: memref<38400xf32, #tpu.memory_space<vmem>>, %arg15: memref<!tpu.dma_semaphore, #tpu.memory_space<semaphore_mem>>, %arg16: memref<!tpu.dma_semaphore, #tpu.memory_space<semaphore_mem>>) attributes {dimension_semantics = [#tpu.dimension_semantics<core_parallel>, #tpu.dimension_semantics<subcore_parallel>], iteration_bounds = array<i64: 2, 16>, scalar_prefetch = 0 : i64, scratch_operands = 9 : i64, tpu.core_type = #tpu.core_type<sc_vector_subcore>, window_params = [{transform_indices = #map}, {transform_indices = #map}, {transform_indices = #map1}, {transform_indices = #map1}, {transform_indices = #map1}, {transform_indices = #map1}]} {
    %mul3A = arith.constant 2 : i32
    %mul3A_0 = arith.muli %arg1, %mul3A : i32
    %add3A = arith.addi %mul3A_0, %arg0 : i32
    %mul3A_1 = arith.constant 6400 : i32
    %mul3A_2 = arith.muli %add3A, %mul3A_1 : i32
    "tpu.region"() ({
      %run_scoped3A = tpu.sem_alloc : memref<!tpu.dma_semaphore, #tpu.memory_space<semaphore_mem>>
      %dma_start3A_148 = tpu.memref_slice %arg2[%mul3A_2] : memref<204800xi32, #tpu.memory_space<hbm>> -> memref<6400xi32, #tpu.memory_space<hbm>>
      %dma_start3A_149 = tpu.memref_slice %arg2[%mul3A_2] : memref<204800xi32, #tpu.memory_space<hbm>> -> memref<6400xi32, #tpu.memory_space<hbm>>
      tpu.enqueue_dma source(%dma_start3A_149 : memref<6400xi32, #tpu.memory_space<hbm>>) target(%arg8 : memref<6400xi32, #tpu.memory_space<vmem>>) target_semaphore(%run_scoped3A : memref<!tpu.dma_semaphore, #tpu.memory_space<semaphore_mem>>)
      %dma_wait3A_150 = tpu.memref_slice %arg2[%mul3A_2] : memref<204800xi32, #tpu.memory_space<hbm>> -> memref<6400xi32, #tpu.memory_space<hbm>>
      %dma_wait3A_151 = tpu.memref_slice %arg2[%mul3A_2] : memref<204800xi32, #tpu.memory_space<hbm>> -> memref<6400xi32, #tpu.memory_space<hbm>>
      tpu.wait_dma2 semaphore(%run_scoped3A : memref<!tpu.dma_semaphore, #tpu.memory_space<semaphore_mem>>) src(%dma_wait3A_151 : memref<6400xi32, #tpu.memory_space<hbm>>) dst(%arg8 : memref<6400xi32, #tpu.memory_space<vmem>>)
      tpu.yield
    }) : () -> ()
    "tpu.region"() ({
      %run_scoped3A = tpu.sem_alloc : memref<!tpu.dma_semaphore, #tpu.memory_space<semaphore_mem>>
      %dma_start3A_148 = tpu.memref_slice %arg3[%mul3A_2] : memref<204800xi32, #tpu.memory_space<hbm>> -> memref<6400xi32, #tpu.memory_space<hbm>>
      %dma_start3A_149 = tpu.memref_slice %arg3[%mul3A_2] : memref<204800xi32, #tpu.memory_space<hbm>> -> memref<6400xi32, #tpu.memory_space<hbm>>
      tpu.enqueue_dma source(%dma_start3A_149 : memref<6400xi32, #tpu.memory_space<hbm>>) target(%arg9 : memref<6400xi32, #tpu.memory_space<vmem>>) target_semaphore(%run_scoped3A : memref<!tpu.dma_semaphore, #tpu.memory_space<semaphore_mem>>)
      %dma_wait3A_150 = tpu.memref_slice %arg3[%mul3A_2] : memref<204800xi32, #tpu.memory_space<hbm>> -> memref<6400xi32, #tpu.memory_space<hbm>>
      %dma_wait3A_151 = tpu.memref_slice %arg3[%mul3A_2] : memref<204800xi32, #tpu.memory_space<hbm>> -> memref<6400xi32, #tpu.memory_space<hbm>>
      tpu.wait_dma2 semaphore(%run_scoped3A : memref<!tpu.dma_semaphore, #tpu.memory_space<semaphore_mem>>) src(%dma_wait3A_151 : memref<6400xi32, #tpu.memory_space<hbm>>) dst(%arg9 : memref<6400xi32, #tpu.memory_space<vmem>>)
      tpu.yield
    }) : () -> ()
    %dma_start3A = arith.constant 0 : i32
    %dma_start3A_3 = arith.constant 0 : i32
    %dma_start3A_4 = tpu.memref_slice %arg10[%dma_start3A, %dma_start3A_3] : memref<400x64xf32, #tpu.memory_space<vmem>> -> memref<80x64xf32, #tpu.memory_space<vmem>>
    %dma_start3A_5 = arith.constant 0 : i32
    %dma_start3A_6 = tpu.memref_slice %arg8[%dma_start3A_5] : memref<6400xi32, #tpu.memory_space<vmem>> -> memref<80xi32, #tpu.memory_space<vmem>>
    %dma_start3A_7 = arith.constant 0 : i32
    %dma_start3A_8 = arith.constant 0 : i32
    %dma_start3A_9 = tpu.memref_slice %arg4[%dma_start3A_7, %dma_start3A_8] : memref<1000000x64xf32, #tpu.memory_space<hbm>> -> memref<1000000x64xf32, #tpu.memory_space<hbm>>
    tpu.enqueue_indirect_dma source(%dma_start3A_9 : memref<1000000x64xf32, #tpu.memory_space<hbm>>) target(%dma_start3A_4 : memref<80x64xf32, #tpu.memory_space<vmem>>) offsets(%dma_start3A_6 : memref<80xi32, #tpu.memory_space<vmem>>) semaphore(%arg15 : memref<!tpu.dma_semaphore, #tpu.memory_space<semaphore_mem>>)
    %dma_start3A_10 = arith.constant 80 : i32
    %dma_start3A_11 = arith.constant 0 : i32
    %dma_start3A_12 = tpu.memref_slice %arg10[%dma_start3A_10, %dma_start3A_11] : memref<400x64xf32, #tpu.memory_space<vmem>> -> memref<80x64xf32, #tpu.memory_space<vmem>>
    %dma_start3A_13 = arith.constant 80 : i32
    %dma_start3A_14 = tpu.memref_slice %arg8[%dma_start3A_13] : memref<6400xi32, #tpu.memory_space<vmem>> -> memref<80xi32, #tpu.memory_space<vmem>>
    %dma_start3A_15 = arith.constant 0 : i32
    %dma_start3A_16 = arith.constant 0 : i32
    %dma_start3A_17 = tpu.memref_slice %arg4[%dma_start3A_15, %dma_start3A_16] : memref<1000000x64xf32, #tpu.memory_space<hbm>> -> memref<1000000x64xf32, #tpu.memory_space<hbm>>
    tpu.enqueue_indirect_dma source(%dma_start3A_17 : memref<1000000x64xf32, #tpu.memory_space<hbm>>) target(%dma_start3A_12 : memref<80x64xf32, #tpu.memory_space<vmem>>) offsets(%dma_start3A_14 : memref<80xi32, #tpu.memory_space<vmem>>) semaphore(%arg15 : memref<!tpu.dma_semaphore, #tpu.memory_space<semaphore_mem>>)
    %dma_start3A_18 = arith.constant 160 : i32
    %dma_start3A_19 = arith.constant 0 : i32
    %dma_start3A_20 = tpu.memref_slice %arg10[%dma_start3A_18, %dma_start3A_19] : memref<400x64xf32, #tpu.memory_space<vmem>> -> memref<80x64xf32, #tpu.memory_space<vmem>>
    %dma_start3A_21 = arith.constant 160 : i32
    %dma_start3A_22 = tpu.memref_slice %arg8[%dma_start3A_21] : memref<6400xi32, #tpu.memory_space<vmem>> -> memref<80xi32, #tpu.memory_space<vmem>>
    %dma_start3A_23 = arith.constant 0 : i32
    %dma_start3A_24 = arith.constant 0 : i32
    %dma_start3A_25 = tpu.memref_slice %arg4[%dma_start3A_23, %dma_start3A_24] : memref<1000000x64xf32, #tpu.memory_space<hbm>> -> memref<1000000x64xf32, #tpu.memory_space<hbm>>
    tpu.enqueue_indirect_dma source(%dma_start3A_25 : memref<1000000x64xf32, #tpu.memory_space<hbm>>) target(%dma_start3A_20 : memref<80x64xf32, #tpu.memory_space<vmem>>) offsets(%dma_start3A_22 : memref<80xi32, #tpu.memory_space<vmem>>) semaphore(%arg15 : memref<!tpu.dma_semaphore, #tpu.memory_space<semaphore_mem>>)
    %dma_start3A_26 = arith.constant 240 : i32
    %dma_start3A_27 = arith.constant 0 : i32
    %dma_start3A_28 = tpu.memref_slice %arg10[%dma_start3A_26, %dma_start3A_27] : memref<400x64xf32, #tpu.memory_space<vmem>> -> memref<80x64xf32, #tpu.memory_space<vmem>>
    %dma_start3A_29 = arith.constant 240 : i32
    %dma_start3A_30 = tpu.memref_slice %arg8[%dma_start3A_29] : memref<6400xi32, #tpu.memory_space<vmem>> -> memref<80xi32, #tpu.memory_space<vmem>>
    %dma_start3A_31 = arith.constant 0 : i32
    %dma_start3A_32 = arith.constant 0 : i32
    %dma_start3A_33 = tpu.memref_slice %arg4[%dma_start3A_31, %dma_start3A_32] : memref<1000000x64xf32, #tpu.memory_space<hbm>> -> memref<1000000x64xf32, #tpu.memory_space<hbm>>
    tpu.enqueue_indirect_dma source(%dma_start3A_33 : memref<1000000x64xf32, #tpu.memory_space<hbm>>) target(%dma_start3A_28 : memref<80x64xf32, #tpu.memory_space<vmem>>) offsets(%dma_start3A_30 : memref<80xi32, #tpu.memory_space<vmem>>) semaphore(%arg15 : memref<!tpu.dma_semaphore, #tpu.memory_space<semaphore_mem>>)
    %dma_start3A_34 = arith.constant 320 : i32
    %dma_start3A_35 = arith.constant 0 : i32
    %dma_start3A_36 = tpu.memref_slice %arg10[%dma_start3A_34, %dma_start3A_35] : memref<400x64xf32, #tpu.memory_space<vmem>> -> memref<80x64xf32, #tpu.memory_space<vmem>>
    %dma_start3A_37 = arith.constant 320 : i32
    %dma_start3A_38 = tpu.memref_slice %arg8[%dma_start3A_37] : memref<6400xi32, #tpu.memory_space<vmem>> -> memref<80xi32, #tpu.memory_space<vmem>>
    %dma_start3A_39 = arith.constant 0 : i32
    %dma_start3A_40 = arith.constant 0 : i32
    %dma_start3A_41 = tpu.memref_slice %arg4[%dma_start3A_39, %dma_start3A_40] : memref<1000000x64xf32, #tpu.memory_space<hbm>> -> memref<1000000x64xf32, #tpu.memory_space<hbm>>
    tpu.enqueue_indirect_dma source(%dma_start3A_41 : memref<1000000x64xf32, #tpu.memory_space<hbm>>) target(%dma_start3A_36 : memref<80x64xf32, #tpu.memory_space<vmem>>) offsets(%dma_start3A_38 : memref<80xi32, #tpu.memory_space<vmem>>) semaphore(%arg15 : memref<!tpu.dma_semaphore, #tpu.memory_space<semaphore_mem>>)
    "tpu.region"() ({
      %run_scoped3A = tpu.sem_alloc : memref<!tpu.dma_semaphore, #tpu.memory_space<semaphore_mem>>
      tpu.enqueue_dma source(%arg6 : memref<200x64xf32, #tpu.memory_space<hbm>>) target(%arg12 : memref<200x64xf32, #tpu.memory_space<vmem>>) target_semaphore(%run_scoped3A : memref<!tpu.dma_semaphore, #tpu.memory_space<semaphore_mem>>)
      tpu.wait_dma2 semaphore(%run_scoped3A : memref<!tpu.dma_semaphore, #tpu.memory_space<semaphore_mem>>) src(%arg6 : memref<200x64xf32, #tpu.memory_space<hbm>>) dst(%arg12 : memref<200x64xf32, #tpu.memory_space<vmem>>)
      tpu.yield
    }) : () -> ()
    "tpu.region"() ({
      %run_scoped3A = tpu.sem_alloc : memref<!tpu.dma_semaphore, #tpu.memory_space<semaphore_mem>>
      tpu.enqueue_dma source(%arg5 : memref<3x64xf32, #tpu.memory_space<hbm>>) target(%arg13 : memref<3x64xf32, #tpu.memory_space<vmem>>) target_semaphore(%run_scoped3A : memref<!tpu.dma_semaphore, #tpu.memory_space<semaphore_mem>>)
      tpu.wait_dma2 semaphore(%run_scoped3A : memref<!tpu.dma_semaphore, #tpu.memory_space<semaphore_mem>>) src(%arg5 : memref<3x64xf32, #tpu.memory_space<hbm>>) dst(%arg13 : memref<3x64xf32, #tpu.memory_space<vmem>>)
      tpu.yield
    }) : () -> ()
    %get3A = arith.constant 0 : i32
    %get3A_42 = arith.index_cast %get3A : i32 to index
    %get3A_43 = arith.constant 0 : index
    %get3A_44 = tpu.vector_load %arg13[%get3A_42, %get3A_43] {strides = array<i32>} : memref<3x64xf32, #tpu.memory_space<vmem>>, vector<16xf32>,
    %get3A_45 = arith.constant 0 : i32
    %get3A_46 = arith.index_cast %get3A_45 : i32 to index
    %get3A_47 = arith.constant 16 : index
    %get3A_48 = tpu.vector_load %arg13[%get3A_46, %get3A_47] {strides = array<i32>} : memref<3x64xf32, #tpu.memory_space<vmem>>, vector<16xf32>,
    %get3A_49 = arith.constant 0 : i32
    %get3A_50 = arith.index_cast %get3A_49 : i32 to index
    %get3A_51 = arith.constant 32 : index
    %get3A_52 = tpu.vector_load %arg13[%get3A_50, %get3A_51] {strides = array<i32>} : memref<3x64xf32, #tpu.memory_space<vmem>>, vector<16xf32>,
    %get3A_53 = arith.constant 0 : i32
    %get3A_54 = arith.index_cast %get3A_53 : i32 to index
    %get3A_55 = arith.constant 48 : index
    %get3A_56 = tpu.vector_load %arg13[%get3A_54, %get3A_55] {strides = array<i32>} : memref<3x64xf32, #tpu.memory_space<vmem>>, vector<16xf32>,
    %get3A_57 = arith.constant 1 : i32
    %get3A_58 = arith.index_cast %get3A_57 : i32 to index
    %get3A_59 = arith.constant 0 : index
    %get3A_60 = tpu.vector_load %arg13[%get3A_58, %get3A_59] {strides = array<i32>} : memref<3x64xf32, #tpu.memory_space<vmem>>, vector<16xf32>,
    %get3A_61 = arith.constant 1 : i32
    %get3A_62 = arith.index_cast %get3A_61 : i32 to index
    %get3A_63 = arith.constant 16 : index
    %get3A_64 = tpu.vector_load %arg13[%get3A_62, %get3A_63] {strides = array<i32>} : memref<3x64xf32, #tpu.memory_space<vmem>>, vector<16xf32>,
    %get3A_65 = arith.constant 1 : i32
    %get3A_66 = arith.index_cast %get3A_65 : i32 to index
    %get3A_67 = arith.constant 32 : index
    %get3A_68 = tpu.vector_load %arg13[%get3A_66, %get3A_67] {strides = array<i32>} : memref<3x64xf32, #tpu.memory_space<vmem>>, vector<16xf32>,
    %get3A_69 = arith.constant 1 : i32
    %get3A_70 = arith.index_cast %get3A_69 : i32 to index
    %get3A_71 = arith.constant 48 : index
    %get3A_72 = tpu.vector_load %arg13[%get3A_70, %get3A_71] {strides = array<i32>} : memref<3x64xf32, #tpu.memory_space<vmem>>, vector<16xf32>,
    %get3A_73 = arith.constant 2 : i32
    %get3A_74 = arith.index_cast %get3A_73 : i32 to index
    %get3A_75 = arith.constant 0 : index
    %get3A_76 = tpu.vector_load %arg13[%get3A_74, %get3A_75] {strides = array<i32>} : memref<3x64xf32, #tpu.memory_space<vmem>>, vector<16xf32>,
    %get3A_77 = arith.constant 2 : i32
    %get3A_78 = arith.index_cast %get3A_77 : i32 to index
    %get3A_79 = arith.constant 16 : index
    %get3A_80 = tpu.vector_load %arg13[%get3A_78, %get3A_79] {strides = array<i32>} : memref<3x64xf32, #tpu.memory_space<vmem>>, vector<16xf32>,
    %get3A_81 = arith.constant 2 : i32
    %get3A_82 = arith.index_cast %get3A_81 : i32 to index
    %get3A_83 = arith.constant 32 : index
    %get3A_84 = tpu.vector_load %arg13[%get3A_82, %get3A_83] {strides = array<i32>} : memref<3x64xf32, #tpu.memory_space<vmem>>, vector<16xf32>,
    %get3A_85 = arith.constant 2 : i32
    %get3A_86 = arith.index_cast %get3A_85 : i32 to index
    %get3A_87 = arith.constant 48 : index
    %get3A_88 = tpu.vector_load %arg13[%get3A_86, %get3A_87] {strides = array<i32>} : memref<3x64xf32, #tpu.memory_space<vmem>>, vector<16xf32>,
    %scan3A = arith.constant 0 : i32
    %scan3A_89 = arith.constant 0 : i32
    %scan3A_90 = arith.constant 200 : i32
    %scan3A_91 = arith.addi %scan3A_89, %scan3A_90 : i32
    %scan3A_92 = arith.constant 1 : i32
    scf.for %scan3A_148 = %scan3A_89 to %scan3A_91 step %scan3A_92  : i32 {
      %get3A_149 = arith.index_cast %scan3A_148 : i32 to index
      %get3A_150 = arith.constant 0 : index
      %get3A_151 = tpu.vector_load %arg12[%get3A_149, %get3A_150] {strides = array<i32>} : memref<200x64xf32, #tpu.memory_space<vmem>>, vector<16xf32>,
      %add3A_152 = arith.addf %get3A_151, %get3A_44 : vector<16xf32>
      %mul3A_153 = arith.constant 64 : i32
      %mul3A_154 = arith.muli %scan3A_148, %mul3A_153 : i32
      %add3A_155 = arith.constant 0 : i32
      %add3A_156 = arith.addi %add3A_155, %mul3A_154 : i32
      %add3A_157 = arith.constant 0 : i32
      %add3A_158 = arith.addi %add3A_156, %add3A_157 : i32
      %swap3A = arith.index_cast %add3A_158 : i32 to index
      %swap3A_159 = tpu.vector_load %arg14[%swap3A] {strides = array<i32>} : memref<38400xf32, #tpu.memory_space<vmem>>, vector<16xf32>,
      tpu.vector_store %arg14[%swap3A], %add3A_152 {strides = array<i32>} : memref<38400xf32, #tpu.memory_space<vmem>>, vector<16xf32>,
      %add3A_160 = arith.addf %get3A_151, %get3A_60 : vector<16xf32>
      %mul3A_161 = arith.constant 64 : i32
      %mul3A_162 = arith.muli %scan3A_148, %mul3A_161 : i32
      %add3A_163 = arith.constant 12800 : i32
      %add3A_164 = arith.addi %add3A_163, %mul3A_162 : i32
      %add3A_165 = arith.constant 0 : i32
      %add3A_166 = arith.addi %add3A_164, %add3A_165 : i32
      %swap3A_167 = arith.index_cast %add3A_166 : i32 to index
      %swap3A_168 = tpu.vector_load %arg14[%swap3A_167] {strides = array<i32>} : memref<38400xf32, #tpu.memory_space<vmem>>, vector<16xf32>,
      tpu.vector_store %arg14[%swap3A_167], %add3A_160 {strides = array<i32>} : memref<38400xf32, #tpu.memory_space<vmem>>, vector<16xf32>,
      %add3A_169 = arith.addf %get3A_151, %get3A_76 : vector<16xf32>
      %mul3A_170 = arith.constant 64 : i32
      %mul3A_171 = arith.muli %scan3A_148, %mul3A_170 : i32
      %add3A_172 = arith.constant 25600 : i32
      %add3A_173 = arith.addi %add3A_172, %mul3A_171 : i32
      %add3A_174 = arith.constant 0 : i32
      %add3A_175 = arith.addi %add3A_173, %add3A_174 : i32
      %swap3A_176 = arith.index_cast %add3A_175 : i32 to index
      %swap3A_177 = tpu.vector_load %arg14[%swap3A_176] {strides = array<i32>} : memref<38400xf32, #tpu.memory_space<vmem>>, vector<16xf32>,
      tpu.vector_store %arg14[%swap3A_176], %add3A_169 {strides = array<i32>} : memref<38400xf32, #tpu.memory_space<vmem>>, vector<16xf32>,
      %get3A_178 = arith.index_cast %scan3A_148 : i32 to index
      %get3A_179 = arith.constant 16 : index
      %get3A_180 = tpu.vector_load %arg12[%get3A_178, %get3A_179] {strides = array<i32>} : memref<200x64xf32, #tpu.memory_space<vmem>>, vector<16xf32>,
      %add3A_181 = arith.addf %get3A_180, %get3A_48 : vector<16xf32>
      %mul3A_182 = arith.constant 64 : i32
      %mul3A_183 = arith.muli %scan3A_148, %mul3A_182 : i32
      %add3A_184 = arith.constant 0 : i32
      %add3A_185 = arith.addi %add3A_184, %mul3A_183 : i32
      %add3A_186 = arith.constant 16 : i32
      %add3A_187 = arith.addi %add3A_185, %add3A_186 : i32
      %swap3A_188 = arith.index_cast %add3A_187 : i32 to index
      %swap3A_189 = tpu.vector_load %arg14[%swap3A_188] {strides = array<i32>} : memref<38400xf32, #tpu.memory_space<vmem>>, vector<16xf32>,
      tpu.vector_store %arg14[%swap3A_188], %add3A_181 {strides = array<i32>} : memref<38400xf32, #tpu.memory_space<vmem>>, vector<16xf32>,
      %add3A_190 = arith.addf %get3A_180, %get3A_64 : vector<16xf32>
      %mul3A_191 = arith.constant 64 : i32
      %mul3A_192 = arith.muli %scan3A_148, %mul3A_191 : i32
      %add3A_193 = arith.constant 12800 : i32
      %add3A_194 = arith.addi %add3A_193, %mul3A_192 : i32
      %add3A_195 = arith.constant 16 : i32
      %add3A_196 = arith.addi %add3A_194, %add3A_195 : i32
      %swap3A_197 = arith.index_cast %add3A_196 : i32 to index
      %swap3A_198 = tpu.vector_load %arg14[%swap3A_197] {strides = array<i32>} : memref<38400xf32, #tpu.memory_space<vmem>>, vector<16xf32>,
      tpu.vector_store %arg14[%swap3A_197], %add3A_190 {strides = array<i32>} : memref<38400xf32, #tpu.memory_space<vmem>>, vector<16xf32>,
      %add3A_199 = arith.addf %get3A_180, %get3A_80 : vector<16xf32>
      %mul3A_200 = arith.constant 64 : i32
      %mul3A_201 = arith.muli %scan3A_148, %mul3A_200 : i32
      %add3A_202 = arith.constant 25600 : i32
      %add3A_203 = arith.addi %add3A_202, %mul3A_201 : i32
      %add3A_204 = arith.constant 16 : i32
      %add3A_205 = arith.addi %add3A_203, %add3A_204 : i32
      %swap3A_206 = arith.index_cast %add3A_205 : i32 to index
      %swap3A_207 = tpu.vector_load %arg14[%swap3A_206] {strides = array<i32>} : memref<38400xf32, #tpu.memory_space<vmem>>, vector<16xf32>,
      tpu.vector_store %arg14[%swap3A_206], %add3A_199 {strides = array<i32>} : memref<38400xf32, #tpu.memory_space<vmem>>, vector<16xf32>,
      %get3A_208 = arith.index_cast %scan3A_148 : i32 to index
      %get3A_209 = arith.constant 32 : index
      %get3A_210 = tpu.vector_load %arg12[%get3A_208, %get3A_209] {strides = array<i32>} : memref<200x64xf32, #tpu.memory_space<vmem>>, vector<16xf32>,
      %add3A_211 = arith.addf %get3A_210, %get3A_52 : vector<16xf32>
      %mul3A_212 = arith.constant 64 : i32
      %mul3A_213 = arith.muli %scan3A_148, %mul3A_212 : i32
      %add3A_214 = arith.constant 0 : i32
      %add3A_215 = arith.addi %add3A_214, %mul3A_213 : i32
      %add3A_216 = arith.constant 32 : i32
      %add3A_217 = arith.addi %add3A_215, %add3A_216 : i32
      %swap3A_218 = arith.index_cast %add3A_217 : i32 to index
      %swap3A_219 = tpu.vector_load %arg14[%swap3A_218] {strides = array<i32>} : memref<38400xf32, #tpu.memory_space<vmem>>, vector<16xf32>,
      tpu.vector_store %arg14[%swap3A_218], %add3A_211 {strides = array<i32>} : memref<38400xf32, #tpu.memory_space<vmem>>, vector<16xf32>,
      %add3A_220 = arith.addf %get3A_210, %get3A_68 : vector<16xf32>
      %mul3A_221 = arith.constant 64 : i32
      %mul3A_222 = arith.muli %scan3A_148, %mul3A_221 : i32
      %add3A_223 = arith.constant 12800 : i32
      %add3A_224 = arith.addi %add3A_223, %mul3A_222 : i32
      %add3A_225 = arith.constant 32 : i32
      %add3A_226 = arith.addi %add3A_224, %add3A_225 : i32
      %swap3A_227 = arith.index_cast %add3A_226 : i32 to index
      %swap3A_228 = tpu.vector_load %arg14[%swap3A_227] {strides = array<i32>} : memref<38400xf32, #tpu.memory_space<vmem>>, vector<16xf32>,
      tpu.vector_store %arg14[%swap3A_227], %add3A_220 {strides = array<i32>} : memref<38400xf32, #tpu.memory_space<vmem>>, vector<16xf32>,
      %add3A_229 = arith.addf %get3A_210, %get3A_84 : vector<16xf32>
      %mul3A_230 = arith.constant 64 : i32
      %mul3A_231 = arith.muli %scan3A_148, %mul3A_230 : i32
      %add3A_232 = arith.constant 25600 : i32
      %add3A_233 = arith.addi %add3A_232, %mul3A_231 : i32
      %add3A_234 = arith.constant 32 : i32
      %add3A_235 = arith.addi %add3A_233, %add3A_234 : i32
      %swap3A_236 = arith.index_cast %add3A_235 : i32 to index
      %swap3A_237 = tpu.vector_load %arg14[%swap3A_236] {strides = array<i32>} : memref<38400xf32, #tpu.memory_space<vmem>>, vector<16xf32>,
      tpu.vector_store %arg14[%swap3A_236], %add3A_229 {strides = array<i32>} : memref<38400xf32, #tpu.memory_space<vmem>>, vector<16xf32>,
      %get3A_238 = arith.index_cast %scan3A_148 : i32 to index
      %get3A_239 = arith.constant 48 : index
      %get3A_240 = tpu.vector_load %arg12[%get3A_238, %get3A_239] {strides = array<i32>} : memref<200x64xf32, #tpu.memory_space<vmem>>, vector<16xf32>,
      %add3A_241 = arith.addf %get3A_240, %get3A_56 : vector<16xf32>
      %mul3A_242 = arith.constant 64 : i32
      %mul3A_243 = arith.muli %scan3A_148, %mul3A_242 : i32
      %add3A_244 = arith.constant 0 : i32
      %add3A_245 = arith.addi %add3A_244, %mul3A_243 : i32
      %add3A_246 = arith.constant 48 : i32
      %add3A_247 = arith.addi %add3A_245, %add3A_246 : i32
      %swap3A_248 = arith.index_cast %add3A_247 : i32 to index
      %swap3A_249 = tpu.vector_load %arg14[%swap3A_248] {strides = array<i32>} : memref<38400xf32, #tpu.memory_space<vmem>>, vector<16xf32>,
      tpu.vector_store %arg14[%swap3A_248], %add3A_241 {strides = array<i32>} : memref<38400xf32, #tpu.memory_space<vmem>>, vector<16xf32>,
      %add3A_250 = arith.addf %get3A_240, %get3A_72 : vector<16xf32>
      %mul3A_251 = arith.constant 64 : i32
      %mul3A_252 = arith.muli %scan3A_148, %mul3A_251 : i32
      %add3A_253 = arith.constant 12800 : i32
      %add3A_254 = arith.addi %add3A_253, %mul3A_252 : i32
      %add3A_255 = arith.constant 48 : i32
      %add3A_256 = arith.addi %add3A_254, %add3A_255 : i32
      %swap3A_257 = arith.index_cast %add3A_256 : i32 to index
      %swap3A_258 = tpu.vector_load %arg14[%swap3A_257] {strides = array<i32>} : memref<38400xf32, #tpu.memory_space<vmem>>, vector<16xf32>,
      tpu.vector_store %arg14[%swap3A_257], %add3A_250 {strides = array<i32>} : memref<38400xf32, #tpu.memory_space<vmem>>, vector<16xf32>,
      %add3A_259 = arith.addf %get3A_240, %get3A_88 : vector<16xf32>
      %mul3A_260 = arith.constant 64 : i32
      %mul3A_261 = arith.muli %scan3A_148, %mul3A_260 : i32
      %add3A_262 = arith.constant 25600 : i32
      %add3A_263 = arith.addi %add3A_262, %mul3A_261 : i32
      %add3A_264 = arith.constant 48 : i32
      %add3A_265 = arith.addi %add3A_263, %add3A_264 : i32
      %swap3A_266 = arith.index_cast %add3A_265 : i32 to index
      %swap3A_267 = tpu.vector_load %arg14[%swap3A_266] {strides = array<i32>} : memref<38400xf32, #tpu.memory_space<vmem>>, vector<16xf32>,
      tpu.vector_store %arg14[%swap3A_266], %add3A_259 {strides = array<i32>} : memref<38400xf32, #tpu.memory_space<vmem>>, vector<16xf32>,
    }
    %scan3A_93 = arith.constant 200 : i32
    %iota3A = tpu.iota {dimensions = array<i32: 0>} : vector<16xi32>
    %add3A_94 = arith.constant 0 : i32
    %add3A_95 = vector.broadcast %add3A_94 : i32 to vector<16xi32>
    %add3A_96 = arith.addi %iota3A, %add3A_95 : vector<16xi32>
    %add3A_97 = arith.constant 16 : i32
    %add3A_98 = vector.broadcast %add3A_97 : i32 to vector<16xi32>
    %add3A_99 = arith.addi %iota3A, %add3A_98 : vector<16xi32>
    %add3A_100 = arith.constant 32 : i32
    %add3A_101 = vector.broadcast %add3A_100 : i32 to vector<16xi32>
    %add3A_102 = arith.addi %iota3A, %add3A_101 : vector<16xi32>
    %add3A_103 = arith.constant 48 : i32
    %add3A_104 = vector.broadcast %add3A_103 : i32 to vector<16xi32>
    %add3A_105 = arith.addi %iota3A, %add3A_104 : vector<16xi32>
    %broadcast_in_dim3A = arith.constant 0 : i32
    %broadcast_in_dim3A_106 = vector.broadcast %broadcast_in_dim3A : i32 to vector<16xi32>
    %broadcast_in_dim3A_107 = arith.constant 1 : i32
    %broadcast_in_dim3A_108 = vector.broadcast %broadcast_in_dim3A_107 : i32 to vector<16xi32>
    %broadcast_in_dim3A_109 = arith.constant 2 : i32
    %broadcast_in_dim3A_110 = vector.broadcast %broadcast_in_dim3A_109 : i32 to vector<16xi32>
    %broadcast_in_dim3A_111 = arith.constant 3 : i32
    %broadcast_in_dim3A_112 = vector.broadcast %broadcast_in_dim3A_111 : i32 to vector<16xi32>
    %broadcast_in_dim3A_113 = arith.constant 4 : i32
    %broadcast_in_dim3A_114 = vector.broadcast %broadcast_in_dim3A_113 : i32 to vector<16xi32>
    %broadcast_in_dim3A_115 = arith.constant 5 : i32
    %broadcast_in_dim3A_116 = vector.broadcast %broadcast_in_dim3A_115 : i32 to vector<16xi32>
    %broadcast_in_dim3A_117 = arith.constant 6 : i32
    %broadcast_in_dim3A_118 = vector.broadcast %broadcast_in_dim3A_117 : i32 to vector<16xi32>
    %broadcast_in_dim3A_119 = arith.constant 7 : i32
    %broadcast_in_dim3A_120 = vector.broadcast %broadcast_in_dim3A_119 : i32 to vector<16xi32>
    %broadcast_in_dim3A_121 = arith.constant 8 : i32
    %broadcast_in_dim3A_122 = vector.broadcast %broadcast_in_dim3A_121 : i32 to vector<16xi32>
    %broadcast_in_dim3A_123 = arith.constant 9 : i32
    %broadcast_in_dim3A_124 = vector.broadcast %broadcast_in_dim3A_123 : i32 to vector<16xi32>
    %broadcast_in_dim3A_125 = arith.constant 10 : i32
    %broadcast_in_dim3A_126 = vector.broadcast %broadcast_in_dim3A_125 : i32 to vector<16xi32>
    %broadcast_in_dim3A_127 = arith.constant 11 : i32
    %broadcast_in_dim3A_128 = vector.broadcast %broadcast_in_dim3A_127 : i32 to vector<16xi32>
    %broadcast_in_dim3A_129 = arith.constant 12 : i32
    %broadcast_in_dim3A_130 = vector.broadcast %broadcast_in_dim3A_129 : i32 to vector<16xi32>
    %broadcast_in_dim3A_131 = arith.constant 13 : i32
    %broadcast_in_dim3A_132 = vector.broadcast %broadcast_in_dim3A_131 : i32 to vector<16xi32>
    %broadcast_in_dim3A_133 = arith.constant 14 : i32
    %broadcast_in_dim3A_134 = vector.broadcast %broadcast_in_dim3A_133 : i32 to vector<16xi32>
    %broadcast_in_dim3A_135 = arith.constant 15 : i32
    %broadcast_in_dim3A_136 = vector.broadcast %broadcast_in_dim3A_135 : i32 to vector<16xi32>
    %scan3A_137 = arith.constant 0 : i32
    %scan3A_138 = arith.constant 0 : i32
    %scan3A_139 = arith.constant 8 : i32
    %scan3A_140 = arith.addi %scan3A_138, %scan3A_139 : i32
    %scan3A_141 = arith.constant 1 : i32
    scf.for %scan3A_148 = %scan3A_138 to %scan3A_140 step %scan3A_141  : i32 {
      %mul3A_149 = arith.constant 2 : i32
      %mul3A_150 = arith.muli %mul3A_149, %scan3A_148 : i32
      %ge3A = arith.constant 1 : i32
      %ge3A_151 = arith.cmpi sge, %scan3A_148, %ge3A : i32
      %convert_element_type3A = arith.extui %ge3A_151 : i1 to i32
      %cond3A = arith.constant 0 : i32
      %cond3A_152 = arith.cmpi ne, %convert_element_type3A, %cond3A : i32
      scf.if %cond3A_152 {
        %sub3A = arith.constant 1 : i32
        %sub3A_363 = arith.subi %mul3A_150, %sub3A : i32
        %mul3A_364 = arith.constant 400 : i32
        %mul3A_365 = arith.muli %sub3A_363, %mul3A_364 : i32
        %add3A_366 = arith.addi %mul3A_2, %mul3A_365 : i32
        %dma_wait3A_367 = arith.constant 0 : i32
        %dma_wait3A_368 = tpu.memref_slice %arg7[%add3A_366, %dma_wait3A_367] : memref<204800x64xf32, #tpu.memory_space<hbm>> -> memref<400x64xf32, #tpu.memory_space<hbm>>
        %dma_wait3A_369 = arith.constant 0 : i32
        %dma_wait3A_370 = tpu.memref_slice %arg7[%add3A_366, %dma_wait3A_369] : memref<204800x64xf32, #tpu.memory_space<hbm>> -> memref<400x64xf32, #tpu.memory_space<hbm>>
        tpu.wait_dma2 semaphore(%arg16 : memref<!tpu.dma_semaphore, #tpu.memory_space<semaphore_mem>>) src(%arg11 : memref<400x64xf32, #tpu.memory_space<vmem>>) dst(%dma_wait3A_370 : memref<400x64xf32, #tpu.memory_space<hbm>>)
      } else {
      }
      %add3A_153 = arith.constant 1 : i32
      %add3A_154 = arith.addi %mul3A_150, %add3A_153 : i32
      %mul3A_155 = arith.constant 400 : i32
      %mul3A_156 = arith.muli %add3A_154, %mul3A_155 : i32
      %add3A_157 = arith.constant 0 : i32
      %add3A_158 = arith.addi %mul3A_156, %add3A_157 : i32
      %dma_start3A_159 = arith.constant 0 : i32
      %dma_start3A_160 = arith.constant 0 : i32
      %dma_start3A_161 = tpu.memref_slice %arg11[%dma_start3A_159, %dma_start3A_160] : memref<400x64xf32, #tpu.memory_space<vmem>> -> memref<80x64xf32, #tpu.memory_space<vmem>>
      %dma_start3A_162 = tpu.memref_slice %arg8[%add3A_158] : memref<6400xi32, #tpu.memory_space<vmem>> -> memref<80xi32, #tpu.memory_space<vmem>>
      %dma_start3A_163 = arith.constant 0 : i32
      %dma_start3A_164 = arith.constant 0 : i32
      %dma_start3A_165 = tpu.memref_slice %arg4[%dma_start3A_163, %dma_start3A_164] : memref<1000000x64xf32, #tpu.memory_space<hbm>> -> memref<1000000x64xf32, #tpu.memory_space<hbm>>
      tpu.enqueue_indirect_dma source(%dma_start3A_165 : memref<1000000x64xf32, #tpu.memory_space<hbm>>) target(%dma_start3A_161 : memref<80x64xf32, #tpu.memory_space<vmem>>) offsets(%dma_start3A_162 : memref<80xi32, #tpu.memory_space<vmem>>) semaphore(%arg15 : memref<!tpu.dma_semaphore, #tpu.memory_space<semaphore_mem>>)
      %mul3A_166 = arith.constant 400 : i32
      %mul3A_167 = arith.muli %add3A_154, %mul3A_166 : i32
      %add3A_168 = arith.constant 80 : i32
      %add3A_169 = arith.addi %mul3A_167, %add3A_168 : i32
      %dma_start3A_170 = arith.constant 80 : i32
      %dma_start3A_171 = arith.constant 0 : i32
      %dma_start3A_172 = tpu.memref_slice %arg11[%dma_start3A_170, %dma_start3A_171] : memref<400x64xf32, #tpu.memory_space<vmem>> -> memref<80x64xf32, #tpu.memory_space<vmem>>
      %dma_start3A_173 = tpu.memref_slice %arg8[%add3A_169] : memref<6400xi32, #tpu.memory_space<vmem>> -> memref<80xi32, #tpu.memory_space<vmem>>
      %dma_start3A_174 = arith.constant 0 : i32
      %dma_start3A_175 = arith.constant 0 : i32
      %dma_start3A_176 = tpu.memref_slice %arg4[%dma_start3A_174, %dma_start3A_175] : memref<1000000x64xf32, #tpu.memory_space<hbm>> -> memref<1000000x64xf32, #tpu.memory_space<hbm>>
      tpu.enqueue_indirect_dma source(%dma_start3A_176 : memref<1000000x64xf32, #tpu.memory_space<hbm>>) target(%dma_start3A_172 : memref<80x64xf32, #tpu.memory_space<vmem>>) offsets(%dma_start3A_173 : memref<80xi32, #tpu.memory_space<vmem>>) semaphore(%arg15 : memref<!tpu.dma_semaphore, #tpu.memory_space<semaphore_mem>>)
      %mul3A_177 = arith.constant 400 : i32
      %mul3A_178 = arith.muli %add3A_154, %mul3A_177 : i32
      %add3A_179 = arith.constant 160 : i32
      %add3A_180 = arith.addi %mul3A_178, %add3A_179 : i32
      %dma_start3A_181 = arith.constant 160 : i32
      %dma_start3A_182 = arith.constant 0 : i32
      %dma_start3A_183 = tpu.memref_slice %arg11[%dma_start3A_181, %dma_start3A_182] : memref<400x64xf32, #tpu.memory_space<vmem>> -> memref<80x64xf32, #tpu.memory_space<vmem>>
      %dma_start3A_184 = tpu.memref_slice %arg8[%add3A_180] : memref<6400xi32, #tpu.memory_space<vmem>> -> memref<80xi32, #tpu.memory_space<vmem>>
      %dma_start3A_185 = arith.constant 0 : i32
      %dma_start3A_186 = arith.constant 0 : i32
      %dma_start3A_187 = tpu.memref_slice %arg4[%dma_start3A_185, %dma_start3A_186] : memref<1000000x64xf32, #tpu.memory_space<hbm>> -> memref<1000000x64xf32, #tpu.memory_space<hbm>>
      tpu.enqueue_indirect_dma source(%dma_start3A_187 : memref<1000000x64xf32, #tpu.memory_space<hbm>>) target(%dma_start3A_183 : memref<80x64xf32, #tpu.memory_space<vmem>>) offsets(%dma_start3A_184 : memref<80xi32, #tpu.memory_space<vmem>>) semaphore(%arg15 : memref<!tpu.dma_semaphore, #tpu.memory_space<semaphore_mem>>)
      %mul3A_188 = arith.constant 400 : i32
      %mul3A_189 = arith.muli %add3A_154, %mul3A_188 : i32
      %add3A_190 = arith.constant 240 : i32
      %add3A_191 = arith.addi %mul3A_189, %add3A_190 : i32
      %dma_start3A_192 = arith.constant 240 : i32
      %dma_start3A_193 = arith.constant 0 : i32
      %dma_start3A_194 = tpu.memref_slice %arg11[%dma_start3A_192, %dma_start3A_193] : memref<400x64xf32, #tpu.memory_space<vmem>> -> memref<80x64xf32, #tpu.memory_space<vmem>>
      %dma_start3A_195 = tpu.memref_slice %arg8[%add3A_191] : memref<6400xi32, #tpu.memory_space<vmem>> -> memref<80xi32, #tpu.memory_space<vmem>>
      %dma_start3A_196 = arith.constant 0 : i32
      %dma_start3A_197 = arith.constant 0 : i32
      %dma_start3A_198 = tpu.memref_slice %arg4[%dma_start3A_196, %dma_start3A_197] : memref<1000000x64xf32, #tpu.memory_space<hbm>> -> memref<1000000x64xf32, #tpu.memory_space<hbm>>
      tpu.enqueue_indirect_dma source(%dma_start3A_198 : memref<1000000x64xf32, #tpu.memory_space<hbm>>) target(%dma_start3A_194 : memref<80x64xf32, #tpu.memory_space<vmem>>) offsets(%dma_start3A_195 : memref<80xi32, #tpu.memory_space<vmem>>) semaphore(%arg15 : memref<!tpu.dma_semaphore, #tpu.memory_space<semaphore_mem>>)
      %mul3A_199 = arith.constant 400 : i32
      %mul3A_200 = arith.muli %add3A_154, %mul3A_199 : i32
      %add3A_201 = arith.constant 320 : i32
      %add3A_202 = arith.addi %mul3A_200, %add3A_201 : i32
      %dma_start3A_203 = arith.constant 320 : i32
      %dma_start3A_204 = arith.constant 0 : i32
      %dma_start3A_205 = tpu.memref_slice %arg11[%dma_start3A_203, %dma_start3A_204] : memref<400x64xf32, #tpu.memory_space<vmem>> -> memref<80x64xf32, #tpu.memory_space<vmem>>
      %dma_start3A_206 = tpu.memref_slice %arg8[%add3A_202] : memref<6400xi32, #tpu.memory_space<vmem>> -> memref<80xi32, #tpu.memory_space<vmem>>
      %dma_start3A_207 = arith.constant 0 : i32
      %dma_start3A_208 = arith.constant 0 : i32
      %dma_start3A_209 = tpu.memref_slice %arg4[%dma_start3A_207, %dma_start3A_208] : memref<1000000x64xf32, #tpu.memory_space<hbm>> -> memref<1000000x64xf32, #tpu.memory_space<hbm>>
      tpu.enqueue_indirect_dma source(%dma_start3A_209 : memref<1000000x64xf32, #tpu.memory_space<hbm>>) target(%dma_start3A_205 : memref<80x64xf32, #tpu.memory_space<vmem>>) offsets(%dma_start3A_206 : memref<80xi32, #tpu.memory_space<vmem>>) semaphore(%arg15 : memref<!tpu.dma_semaphore, #tpu.memory_space<semaphore_mem>>)
      %mul3A_210 = arith.constant 400 : i32
      %mul3A_211 = arith.muli %mul3A_150, %mul3A_210 : i32
      %add3A_212 = arith.constant 0 : i32
      %add3A_213 = arith.addi %mul3A_211, %add3A_212 : i32
      %dma_wait3A_214 = arith.constant 0 : i32
      %dma_wait3A_215 = arith.constant 0 : i32
      %dma_wait3A_216 = tpu.memref_slice %arg10[%dma_wait3A_214, %dma_wait3A_215] : memref<400x64xf32, #tpu.memory_space<vmem>> -> memref<80x64xf32, #tpu.memory_space<vmem>>
      %dma_wait3A_217 = tpu.memref_slice %arg8[%add3A_213] : memref<6400xi32, #tpu.memory_space<vmem>> -> memref<80xi32, #tpu.memory_space<vmem>>
      %dma_wait3A_218 = arith.constant 0 : i32
      %dma_wait3A_219 = arith.constant 0 : i32
      %dma_wait3A_220 = tpu.memref_slice %arg4[%dma_wait3A_218, %dma_wait3A_219] : memref<1000000x64xf32, #tpu.memory_space<hbm>> -> memref<1000000x64xf32, #tpu.memory_space<hbm>>
      tpu.wait_indirect_dma semaphore(%arg15 : memref<!tpu.dma_semaphore, #tpu.memory_space<semaphore_mem>>) src(%dma_wait3A_220 : memref<1000000x64xf32, #tpu.memory_space<hbm>>) dst(%dma_wait3A_216 : memref<80x64xf32, #tpu.memory_space<vmem>>)
      %mul3A_221 = arith.constant 400 : i32
      %mul3A_222 = arith.muli %mul3A_150, %mul3A_221 : i32
      %add3A_223 = arith.constant 80 : i32
      %add3A_224 = arith.addi %mul3A_222, %add3A_223 : i32
      %dma_wait3A_225 = arith.constant 80 : i32
      %dma_wait3A_226 = arith.constant 0 : i32
      %dma_wait3A_227 = tpu.memref_slice %arg10[%dma_wait3A_225, %dma_wait3A_226] : memref<400x64xf32, #tpu.memory_space<vmem>> -> memref<80x64xf32, #tpu.memory_space<vmem>>
      %dma_wait3A_228 = tpu.memref_slice %arg8[%add3A_224] : memref<6400xi32, #tpu.memory_space<vmem>> -> memref<80xi32, #tpu.memory_space<vmem>>
      %dma_wait3A_229 = arith.constant 0 : i32
      %dma_wait3A_230 = arith.constant 0 : i32
      %dma_wait3A_231 = tpu.memref_slice %arg4[%dma_wait3A_229, %dma_wait3A_230] : memref<1000000x64xf32, #tpu.memory_space<hbm>> -> memref<1000000x64xf32, #tpu.memory_space<hbm>>
      tpu.wait_indirect_dma semaphore(%arg15 : memref<!tpu.dma_semaphore, #tpu.memory_space<semaphore_mem>>) src(%dma_wait3A_231 : memref<1000000x64xf32, #tpu.memory_space<hbm>>) dst(%dma_wait3A_227 : memref<80x64xf32, #tpu.memory_space<vmem>>)
      %mul3A_232 = arith.constant 400 : i32
      %mul3A_233 = arith.muli %mul3A_150, %mul3A_232 : i32
      %add3A_234 = arith.constant 160 : i32
      %add3A_235 = arith.addi %mul3A_233, %add3A_234 : i32
      %dma_wait3A_236 = arith.constant 160 : i32
      %dma_wait3A_237 = arith.constant 0 : i32
      %dma_wait3A_238 = tpu.memref_slice %arg10[%dma_wait3A_236, %dma_wait3A_237] : memref<400x64xf32, #tpu.memory_space<vmem>> -> memref<80x64xf32, #tpu.memory_space<vmem>>
      %dma_wait3A_239 = tpu.memref_slice %arg8[%add3A_235] : memref<6400xi32, #tpu.memory_space<vmem>> -> memref<80xi32, #tpu.memory_space<vmem>>
      %dma_wait3A_240 = arith.constant 0 : i32
      %dma_wait3A_241 = arith.constant 0 : i32
      %dma_wait3A_242 = tpu.memref_slice %arg4[%dma_wait3A_240, %dma_wait3A_241] : memref<1000000x64xf32, #tpu.memory_space<hbm>> -> memref<1000000x64xf32, #tpu.memory_space<hbm>>
      tpu.wait_indirect_dma semaphore(%arg15 : memref<!tpu.dma_semaphore, #tpu.memory_space<semaphore_mem>>) src(%dma_wait3A_242 : memref<1000000x64xf32, #tpu.memory_space<hbm>>) dst(%dma_wait3A_238 : memref<80x64xf32, #tpu.memory_space<vmem>>)
      %mul3A_243 = arith.constant 400 : i32
      %mul3A_244 = arith.muli %mul3A_150, %mul3A_243 : i32
      %add3A_245 = arith.constant 240 : i32
      %add3A_246 = arith.addi %mul3A_244, %add3A_245 : i32
      %dma_wait3A_247 = arith.constant 240 : i32
      %dma_wait3A_248 = arith.constant 0 : i32
      %dma_wait3A_249 = tpu.memref_slice %arg10[%dma_wait3A_247, %dma_wait3A_248] : memref<400x64xf32, #tpu.memory_space<vmem>> -> memref<80x64xf32, #tpu.memory_space<vmem>>
      %dma_wait3A_250 = tpu.memref_slice %arg8[%add3A_246] : memref<6400xi32, #tpu.memory_space<vmem>> -> memref<80xi32, #tpu.memory_space<vmem>>
      %dma_wait3A_251 = arith.constant 0 : i32
      %dma_wait3A_252 = arith.constant 0 : i32
      %dma_wait3A_253 = tpu.memref_slice %arg4[%dma_wait3A_251, %dma_wait3A_252] : memref<1000000x64xf32, #tpu.memory_space<hbm>> -> memref<1000000x64xf32, #tpu.memory_space<hbm>>
      tpu.wait_indirect_dma semaphore(%arg15 : memref<!tpu.dma_semaphore, #tpu.memory_space<semaphore_mem>>) src(%dma_wait3A_253 : memref<1000000x64xf32, #tpu.memory_space<hbm>>) dst(%dma_wait3A_249 : memref<80x64xf32, #tpu.memory_space<vmem>>)
      %mul3A_254 = arith.constant 400 : i32
      %mul3A_255 = arith.muli %mul3A_150, %mul3A_254 : i32
      %add3A_256 = arith.constant 320 : i32
      %add3A_257 = arith.addi %mul3A_255, %add3A_256 : i32
      %dma_wait3A_258 = arith.constant 320 : i32
      %dma_wait3A_259 = arith.constant 0 : i32
      %dma_wait3A_260 = tpu.memref_slice %arg10[%dma_wait3A_258, %dma_wait3A_259] : memref<400x64xf32, #tpu.memory_space<vmem>> -> memref<80x64xf32, #tpu.memory_space<vmem>>
      %dma_wait3A_261 = tpu.memref_slice %arg8[%add3A_257] : memref<6400xi32, #tpu.memory_space<vmem>> -> memref<80xi32, #tpu.memory_space<vmem>>
      %dma_wait3A_262 = arith.constant 0 : i32
      %dma_wait3A_263 = arith.constant 0 : i32
      %dma_wait3A_264 = tpu.memref_slice %arg4[%dma_wait3A_262, %dma_wait3A_263] : memref<1000000x64xf32, #tpu.memory_space<hbm>> -> memref<1000000x64xf32, #tpu.memory_space<hbm>>
      tpu.wait_indirect_dma semaphore(%arg15 : memref<!tpu.dma_semaphore, #tpu.memory_space<semaphore_mem>>) src(%dma_wait3A_264 : memref<1000000x64xf32, #tpu.memory_space<hbm>>) dst(%dma_wait3A_260 : memref<80x64xf32, #tpu.memory_space<vmem>>)
      %mul3A_265 = arith.constant 400 : i32
      %mul3A_266 = arith.muli %mul3A_150, %mul3A_265 : i32
      %scan3A_267 = arith.constant 0 : i32
      %scan3A_268 = arith.constant 0 : i32
      %scan3A_269 = arith.constant 25 : i32
      %scan3A_270 = arith.addi %scan3A_268, %scan3A_269 : i32
      %scan3A_271 = arith.constant 1 : i32
      scf.for %scan3A_363 = %scan3A_268 to %scan3A_270 step %scan3A_271  : i32 {
        %mul3A_364 = arith.constant 16 : i32
        %mul3A_365 = arith.muli %scan3A_363, %mul3A_364 : i32
        %add3A_366 = arith.addi %mul3A_266, %mul3A_365 : i32
        %get3A_367 = arith.index_cast %add3A_366 : i32 to index
        %get3A_368 = tpu.vector_load %arg9[%get3A_367] {strides = array<i32>} : memref<6400xi32, #tpu.memory_space<vmem>>, vector<16xi32>,
        %mul3A_369 = arith.constant 16 : i32
        %mul3A_370 = arith.muli %scan3A_363, %mul3A_369 : i32
        %add3A_371 = vector.broadcast %mul3A_370 : i32 to vector<16xi32>
        %add3A_372 = arith.addi %add3A_371, %iota3A : vector<16xi32>
        %rem3A = arith.constant 200 : i32
        %rem3A_373 = vector.broadcast %rem3A : i32 to vector<16xi32>
        %rem3A_374 = arith.remsi %add3A_372, %rem3A_373 : vector<16xi32>
        %mul3A_375 = arith.constant 12800 : i32
        %mul3A_376 = vector.broadcast %mul3A_375 : i32 to vector<16xi32>
        %mul3A_377 = arith.muli %get3A_368, %mul3A_376 : vector<16xi32>
        %mul3A_378 = arith.constant 64 : i32
        %mul3A_379 = vector.broadcast %mul3A_378 : i32 to vector<16xi32>
        %mul3A_380 = arith.muli %rem3A_374, %mul3A_379 : vector<16xi32>
        %add3A_381 = arith.addi %mul3A_377, %mul3A_380 : vector<16xi32>
        %lt3A_382 = arith.constant 0 : i32
        %lt3A_383 = vector.broadcast %lt3A_382 : i32 to vector<16xi32>
        %lt3A_384 = arith.cmpi slt, %broadcast_in_dim3A_106, %lt3A_383 : vector<16xi32>
        %add3A_385 = arith.constant 16 : i32
        %add3A_386 = vector.broadcast %add3A_385 : i32 to vector<16xi32>
        %add3A_387 = arith.addi %broadcast_in_dim3A_106, %add3A_386 : vector<16xi32>
        %select_n3A = arith.select %lt3A_384, %add3A_387, %broadcast_in_dim3A_106 : vector<16xi1>, vector<16xi32>
        %broadcast_in_dim3A_388 = vector.shape_cast %select_n3A : vector<16xi32> to vector<16x1xi32>
        %gather3A = vector.shape_cast %broadcast_in_dim3A_388 : vector<16x1xi32> to vector<16xi32>
        %gather3A_389 = tpu.dynamic_gather %add3A_381[%gather3A] in [0] : vector<16xi32>, vector<16xi32> -> vector<16xi32>
        %mul3A_390 = arith.constant 16 : i32
        %mul3A_391 = arith.muli %scan3A_363, %mul3A_390 : i32
        %add3A_392 = arith.constant 0 : i32
        %add3A_393 = arith.addi %mul3A_391, %add3A_392 : i32
        %add3A_394 = arith.addi %gather3A_389, %add3A_96 : vector<16xi32>
        %gather3A_395 = tpu.vector_load_idx %arg14[%add3A_394] : memref<38400xf32, #tpu.memory_space<vmem>>[vector<16xi32>], vector<16xf32>,
        %swap3A = arith.index_cast %add3A_393 : i32 to index
        %swap3A_396 = arith.constant 0 : index
        %swap3A_397 = tpu.vector_load %arg10[%swap3A, %swap3A_396] {strides = array<i32>} : memref<400x64xf32, #tpu.memory_space<vmem>>, vector<16xf32>,
        tpu.vector_store %arg10[%swap3A, %swap3A_396], %gather3A_395 {add = true, strides = array<i32>} : memref<400x64xf32, #tpu.memory_space<vmem>>, vector<16xf32>,
        %add3A_398 = arith.addi %gather3A_389, %add3A_99 : vector<16xi32>
        %gather3A_399 = tpu.vector_load_idx %arg14[%add3A_398] : memref<38400xf32, #tpu.memory_space<vmem>>[vector<16xi32>], vector<16xf32>,
        %swap3A_400 = arith.index_cast %add3A_393 : i32 to index
        %swap3A_401 = arith.constant 16 : index
        %swap3A_402 = tpu.vector_load %arg10[%swap3A_400, %swap3A_401] {strides = array<i32>} : memref<400x64xf32, #tpu.memory_space<vmem>>, vector<16xf32>,
        tpu.vector_store %arg10[%swap3A_400, %swap3A_401], %gather3A_399 {add = true, strides = array<i32>} : memref<400x64xf32, #tpu.memory_space<vmem>>, vector<16xf32>,
        %add3A_403 = arith.addi %gather3A_389, %add3A_102 : vector<16xi32>
        %gather3A_404 = tpu.vector_load_idx %arg14[%add3A_403] : memref<38400xf32, #tpu.memory_space<vmem>>[vector<16xi32>], vector<16xf32>,
        %swap3A_405 = arith.index_cast %add3A_393 : i32 to index
        %swap3A_406 = arith.constant 32 : index
        %swap3A_407 = tpu.vector_load %arg10[%swap3A_405, %swap3A_406] {strides = array<i32>} : memref<400x64xf32, #tpu.memory_space<vmem>>, vector<16xf32>,
        tpu.vector_store %arg10[%swap3A_405, %swap3A_406], %gather3A_404 {add = true, strides = array<i32>} : memref<400x64xf32, #tpu.memory_space<vmem>>, vector<16xf32>,
        %add3A_408 = arith.addi %gather3A_389, %add3A_105 : vector<16xi32>
        %gather3A_409 = tpu.vector_load_idx %arg14[%add3A_408] : memref<38400xf32, #tpu.memory_space<vmem>>[vector<16xi32>], vector<16xf32>,
        %swap3A_410 = arith.index_cast %add3A_393 : i32 to index
        %swap3A_411 = arith.constant 48 : index
        %swap3A_412 = tpu.vector_load %arg10[%swap3A_410, %swap3A_411] {strides = array<i32>} : memref<400x64xf32, #tpu.memory_space<vmem>>, vector<16xf32>,
        tpu.vector_store %arg10[%swap3A_410, %swap3A_411], %gather3A_409 {add = true, strides = array<i32>} : memref<400x64xf32, #tpu.memory_space<vmem>>, vector<16xf32>,
        %lt3A_413 = arith.constant 0 : i32
        %lt3A_414 = vector.broadcast %lt3A_413 : i32 to vector<16xi32>
        %lt3A_415 = arith.cmpi slt, %broadcast_in_dim3A_108, %lt3A_414 : vector<16xi32>
        %add3A_416 = arith.constant 16 : i32
        %add3A_417 = vector.broadcast %add3A_416 : i32 to vector<16xi32>
        %add3A_418 = arith.addi %broadcast_in_dim3A_108, %add3A_417 : vector<16xi32>
        %select_n3A_419 = arith.select %lt3A_415, %add3A_418, %broadcast_in_dim3A_108 : vector<16xi1>, vector<16xi32>
        %broadcast_in_dim3A_420 = vector.shape_cast %select_n3A_419 : vector<16xi32> to vector<16x1xi32>
        %gather3A_421 = vector.shape_cast %broadcast_in_dim3A_420 : vector<16x1xi32> to vector<16xi32>
        %gather3A_422 = tpu.dynamic_gather %add3A_381[%gather3A_421] in [0] : vector<16xi32>, vector<16xi32> -> vector<16xi32>
        %mul3A_423 = arith.constant 16 : i32
        %mul3A_424 = arith.muli %scan3A_363, %mul3A_423 : i32
        %add3A_425 = arith.constant 1 : i32
        %add3A_426 = arith.addi %mul3A_424, %add3A_425 : i32
        %add3A_427 = arith.addi %gather3A_422, %add3A_96 : vector<16xi32>
        %gather3A_428 = tpu.vector_load_idx %arg14[%add3A_427] : memref<38400xf32, #tpu.memory_space<vmem>>[vector<16xi32>], vector<16xf32>,
        %swap3A_429 = arith.index_cast %add3A_426 : i32 to index
        %swap3A_430 = arith.constant 0 : index
        %swap3A_431 = tpu.vector_load %arg10[%swap3A_429, %swap3A_430] {strides = array<i32>} : memref<400x64xf32, #tpu.memory_space<vmem>>, vector<16xf32>,
        tpu.vector_store %arg10[%swap3A_429, %swap3A_430], %gather3A_428 {add = true, strides = array<i32>} : memref<400x64xf32, #tpu.memory_space<vmem>>, vector<16xf32>,
        %add3A_432 = arith.addi %gather3A_422, %add3A_99 : vector<16xi32>
        %gather3A_433 = tpu.vector_load_idx %arg14[%add3A_432] : memref<38400xf32, #tpu.memory_space<vmem>>[vector<16xi32>], vector<16xf32>,
        %swap3A_434 = arith.index_cast %add3A_426 : i32 to index
        %swap3A_435 = arith.constant 16 : index
        %swap3A_436 = tpu.vector_load %arg10[%swap3A_434, %swap3A_435] {strides = array<i32>} : memref<400x64xf32, #tpu.memory_space<vmem>>, vector<16xf32>,
        tpu.vector_store %arg10[%swap3A_434, %swap3A_435], %gather3A_433 {add = true, strides = array<i32>} : memref<400x64xf32, #tpu.memory_space<vmem>>, vector<16xf32>,
        %add3A_437 = arith.addi %gather3A_422, %add3A_102 : vector<16xi32>
        %gather3A_438 = tpu.vector_load_idx %arg14[%add3A_437] : memref<38400xf32, #tpu.memory_space<vmem>>[vector<16xi32>], vector<16xf32>,
        %swap3A_439 = arith.index_cast %add3A_426 : i32 to index
        %swap3A_440 = arith.constant 32 : index
        %swap3A_441 = tpu.vector_load %arg10[%swap3A_439, %swap3A_440] {strides = array<i32>} : memref<400x64xf32, #tpu.memory_space<vmem>>, vector<16xf32>,
        tpu.vector_store %arg10[%swap3A_439, %swap3A_440], %gather3A_438 {add = true, strides = array<i32>} : memref<400x64xf32, #tpu.memory_space<vmem>>, vector<16xf32>,
        %add3A_442 = arith.addi %gather3A_422, %add3A_105 : vector<16xi32>
        %gather3A_443 = tpu.vector_load_idx %arg14[%add3A_442] : memref<38400xf32, #tpu.memory_space<vmem>>[vector<16xi32>], vector<16xf32>,
        %swap3A_444 = arith.index_cast %add3A_426 : i32 to index
        %swap3A_445 = arith.constant 48 : index
        %swap3A_446 = tpu.vector_load %arg10[%swap3A_444, %swap3A_445] {strides = array<i32>} : memref<400x64xf32, #tpu.memory_space<vmem>>, vector<16xf32>,
        tpu.vector_store %arg10[%swap3A_444, %swap3A_445], %gather3A_443 {add = true, strides = array<i32>} : memref<400x64xf32, #tpu.memory_space<vmem>>, vector<16xf32>,
        %lt3A_447 = arith.constant 0 : i32
        %lt3A_448 = vector.broadcast %lt3A_447 : i32 to vector<16xi32>
        %lt3A_449 = arith.cmpi slt, %broadcast_in_dim3A_110, %lt3A_448 : vector<16xi32>
        %add3A_450 = arith.constant 16 : i32
        %add3A_451 = vector.broadcast %add3A_450 : i32 to vector<16xi32>
        %add3A_452 = arith.addi %broadcast_in_dim3A_110, %add3A_451 : vector<16xi32>
        %select_n3A_453 = arith.select %lt3A_449, %add3A_452, %broadcast_in_dim3A_110 : vector<16xi1>, vector<16xi32>
        %broadcast_in_dim3A_454 = vector.shape_cast %select_n3A_453 : vector<16xi32> to vector<16x1xi32>
        %gather3A_455 = vector.shape_cast %broadcast_in_dim3A_454 : vector<16x1xi32> to vector<16xi32>
        %gather3A_456 = tpu.dynamic_gather %add3A_381[%gather3A_455] in [0] : vector<16xi32>, vector<16xi32> -> vector<16xi32>
        %mul3A_457 = arith.constant 16 : i32
        %mul3A_458 = arith.muli %scan3A_363, %mul3A_457 : i32
        %add3A_459 = arith.constant 2 : i32
        %add3A_460 = arith.addi %mul3A_458, %add3A_459 : i32
        %add3A_461 = arith.addi %gather3A_456, %add3A_96 : vector<16xi32>
        %gather3A_462 = tpu.vector_load_idx %arg14[%add3A_461] : memref<38400xf32, #tpu.memory_space<vmem>>[vector<16xi32>], vector<16xf32>,
        %swap3A_463 = arith.index_cast %add3A_460 : i32 to index
        %swap3A_464 = arith.constant 0 : index
        %swap3A_465 = tpu.vector_load %arg10[%swap3A_463, %swap3A_464] {strides = array<i32>} : memref<400x64xf32, #tpu.memory_space<vmem>>, vector<16xf32>,
        tpu.vector_store %arg10[%swap3A_463, %swap3A_464], %gather3A_462 {add = true, strides = array<i32>} : memref<400x64xf32, #tpu.memory_space<vmem>>, vector<16xf32>,
        %add3A_466 = arith.addi %gather3A_456, %add3A_99 : vector<16xi32>
        %gather3A_467 = tpu.vector_load_idx %arg14[%add3A_466] : memref<38400xf32, #tpu.memory_space<vmem>>[vector<16xi32>], vector<16xf32>,
        %swap3A_468 = arith.index_cast %add3A_460 : i32 to index
        %swap3A_469 = arith.constant 16 : index
        %swap3A_470 = tpu.vector_load %arg10[%swap3A_468, %swap3A_469] {strides = array<i32>} : memref<400x64xf32, #tpu.memory_space<vmem>>, vector<16xf32>,
        tpu.vector_store %arg10[%swap3A_468, %swap3A_469], %gather3A_467 {add = true, strides = array<i32>} : memref<400x64xf32, #tpu.memory_space<vmem>>, vector<16xf32>,
        %add3A_471 = arith.addi %gather3A_456, %add3A_102 : vector<16xi32>
        %gather3A_472 = tpu.vector_load_idx %arg14[%add3A_471] : memref<38400xf32, #tpu.memory_space<vmem>>[vector<16xi32>], vector<16xf32>,
        %swap3A_473 = arith.index_cast %add3A_460 : i32 to index
        %swap3A_474 = arith.constant 32 : index
        %swap3A_475 = tpu.vector_load %arg10[%swap3A_473, %swap3A_474] {strides = array<i32>} : memref<400x64xf32, #tpu.memory_space<vmem>>, vector<16xf32>,
        tpu.vector_store %arg10[%swap3A_473, %swap3A_474], %gather3A_472 {add = true, strides = array<i32>} : memref<400x64xf32, #tpu.memory_space<vmem>>, vector<16xf32>,
        %add3A_476 = arith.addi %gather3A_456, %add3A_105 : vector<16xi32>
        %gather3A_477 = tpu.vector_load_idx %arg14[%add3A_476] : memref<38400xf32, #tpu.memory_space<vmem>>[vector<16xi32>], vector<16xf32>,
        %swap3A_478 = arith.index_cast %add3A_460 : i32 to index
        %swap3A_479 = arith.constant 48 : index
        %swap3A_480 = tpu.vector_load %arg10[%swap3A_478, %swap3A_479] {strides = array<i32>} : memref<400x64xf32, #tpu.memory_space<vmem>>, vector<16xf32>,
        tpu.vector_store %arg10[%swap3A_478, %swap3A_479], %gather3A_477 {add = true, strides = array<i32>} : memref<400x64xf32, #tpu.memory_space<vmem>>, vector<16xf32>,
        %lt3A_481 = arith.constant 0 : i32
        %lt3A_482 = vector.broadcast %lt3A_481 : i32 to vector<16xi32>
        %lt3A_483 = arith.cmpi slt, %broadcast_in_dim3A_112, %lt3A_482 : vector<16xi32>
        %add3A_484 = arith.constant 16 : i32
        %add3A_485 = vector.broadcast %add3A_484 : i32 to vector<16xi32>
        %add3A_486 = arith.addi %broadcast_in_dim3A_112, %add3A_485 : vector<16xi32>
        %select_n3A_487 = arith.select %lt3A_483, %add3A_486, %broadcast_in_dim3A_112 : vector<16xi1>, vector<16xi32>
        %broadcast_in_dim3A_488 = vector.shape_cast %select_n3A_487 : vector<16xi32> to vector<16x1xi32>
        %gather3A_489 = vector.shape_cast %broadcast_in_dim3A_488 : vector<16x1xi32> to vector<16xi32>
        %gather3A_490 = tpu.dynamic_gather %add3A_381[%gather3A_489] in [0] : vector<16xi32>, vector<16xi32> -> vector<16xi32>
        %mul3A_491 = arith.constant 16 : i32
        %mul3A_492 = arith.muli %scan3A_363, %mul3A_491 : i32
        %add3A_493 = arith.constant 3 : i32
        %add3A_494 = arith.addi %mul3A_492, %add3A_493 : i32
        %add3A_495 = arith.addi %gather3A_490, %add3A_96 : vector<16xi32>
        %gather3A_496 = tpu.vector_load_idx %arg14[%add3A_495] : memref<38400xf32, #tpu.memory_space<vmem>>[vector<16xi32>], vector<16xf32>,
        %swap3A_497 = arith.index_cast %add3A_494 : i32 to index
        %swap3A_498 = arith.constant 0 : index
        %swap3A_499 = tpu.vector_load %arg10[%swap3A_497, %swap3A_498] {strides = array<i32>} : memref<400x64xf32, #tpu.memory_space<vmem>>, vector<16xf32>,
        tpu.vector_store %arg10[%swap3A_497, %swap3A_498], %gather3A_496 {add = true, strides = array<i32>} : memref<400x64xf32, #tpu.memory_space<vmem>>, vector<16xf32>,
        %add3A_500 = arith.addi %gather3A_490, %add3A_99 : vector<16xi32>
        %gather3A_501 = tpu.vector_load_idx %arg14[%add3A_500] : memref<38400xf32, #tpu.memory_space<vmem>>[vector<16xi32>], vector<16xf32>,
        %swap3A_502 = arith.index_cast %add3A_494 : i32 to index
        %swap3A_503 = arith.constant 16 : index
        %swap3A_504 = tpu.vector_load %arg10[%swap3A_502, %swap3A_503] {strides = array<i32>} : memref<400x64xf32, #tpu.memory_space<vmem>>, vector<16xf32>,
        tpu.vector_store %arg10[%swap3A_502, %swap3A_503], %gather3A_501 {add = true, strides = array<i32>} : memref<400x64xf32, #tpu.memory_space<vmem>>, vector<16xf32>,
        %add3A_505 = arith.addi %gather3A_490, %add3A_102 : vector<16xi32>
        %gather3A_506 = tpu.vector_load_idx %arg14[%add3A_505] : memref<38400xf32, #tpu.memory_space<vmem>>[vector<16xi32>], vector<16xf32>,
        %swap3A_507 = arith.index_cast %add3A_494 : i32 to index
        %swap3A_508 = arith.constant 32 : index
        %swap3A_509 = tpu.vector_load %arg10[%swap3A_507, %swap3A_508] {strides = array<i32>} : memref<400x64xf32, #tpu.memory_space<vmem>>, vector<16xf32>,
        tpu.vector_store %arg10[%swap3A_507, %swap3A_508], %gather3A_506 {add = true, strides = array<i32>} : memref<400x64xf32, #tpu.memory_space<vmem>>, vector<16xf32>,
        %add3A_510 = arith.addi %gather3A_490, %add3A_105 : vector<16xi32>
        %gather3A_511 = tpu.vector_load_idx %arg14[%add3A_510] : memref<38400xf32, #tpu.memory_space<vmem>>[vector<16xi32>], vector<16xf32>,
        %swap3A_512 = arith.index_cast %add3A_494 : i32 to index
        %swap3A_513 = arith.constant 48 : index
        %swap3A_514 = tpu.vector_load %arg10[%swap3A_512, %swap3A_513] {strides = array<i32>} : memref<400x64xf32, #tpu.memory_space<vmem>>, vector<16xf32>,
        tpu.vector_store %arg10[%swap3A_512, %swap3A_513], %gather3A_511 {add = true, strides = array<i32>} : memref<400x64xf32, #tpu.memory_space<vmem>>, vector<16xf32>,
        %lt3A_515 = arith.constant 0 : i32
        %lt3A_516 = vector.broadcast %lt3A_515 : i32 to vector<16xi32>
        %lt3A_517 = arith.cmpi slt, %broadcast_in_dim3A_114, %lt3A_516 : vector<16xi32>
        %add3A_518 = arith.constant 16 : i32
        %add3A_519 = vector.broadcast %add3A_518 : i32 to vector<16xi32>
        %add3A_520 = arith.addi %broadcast_in_dim3A_114, %add3A_519 : vector<16xi32>
        %select_n3A_521 = arith.select %lt3A_517, %add3A_520, %broadcast_in_dim3A_114 : vector<16xi1>, vector<16xi32>
        %broadcast_in_dim3A_522 = vector.shape_cast %select_n3A_521 : vector<16xi32> to vector<16x1xi32>
        %gather3A_523 = vector.shape_cast %broadcast_in_dim3A_522 : vector<16x1xi32> to vector<16xi32>
        %gather3A_524 = tpu.dynamic_gather %add3A_381[%gather3A_523] in [0] : vector<16xi32>, vector<16xi32> -> vector<16xi32>
        %mul3A_525 = arith.constant 16 : i32
        %mul3A_526 = arith.muli %scan3A_363, %mul3A_525 : i32
        %add3A_527 = arith.constant 4 : i32
        %add3A_528 = arith.addi %mul3A_526, %add3A_527 : i32
        %add3A_529 = arith.addi %gather3A_524, %add3A_96 : vector<16xi32>
        %gather3A_530 = tpu.vector_load_idx %arg14[%add3A_529] : memref<38400xf32, #tpu.memory_space<vmem>>[vector<16xi32>], vector<16xf32>,
        %swap3A_531 = arith.index_cast %add3A_528 : i32 to index
        %swap3A_532 = arith.constant 0 : index
        %swap3A_533 = tpu.vector_load %arg10[%swap3A_531, %swap3A_532] {strides = array<i32>} : memref<400x64xf32, #tpu.memory_space<vmem>>, vector<16xf32>,
        tpu.vector_store %arg10[%swap3A_531, %swap3A_532], %gather3A_530 {add = true, strides = array<i32>} : memref<400x64xf32, #tpu.memory_space<vmem>>, vector<16xf32>,
        %add3A_534 = arith.addi %gather3A_524, %add3A_99 : vector<16xi32>
        %gather3A_535 = tpu.vector_load_idx %arg14[%add3A_534] : memref<38400xf32, #tpu.memory_space<vmem>>[vector<16xi32>], vector<16xf32>,
        %swap3A_536 = arith.index_cast %add3A_528 : i32 to index
        %swap3A_537 = arith.constant 16 : index
        %swap3A_538 = tpu.vector_load %arg10[%swap3A_536, %swap3A_537] {strides = array<i32>} : memref<400x64xf32, #tpu.memory_space<vmem>>, vector<16xf32>,
        tpu.vector_store %arg10[%swap3A_536, %swap3A_537], %gather3A_535 {add = true, strides = array<i32>} : memref<400x64xf32, #tpu.memory_space<vmem>>, vector<16xf32>,
        %add3A_539 = arith.addi %gather3A_524, %add3A_102 : vector<16xi32>
        %gather3A_540 = tpu.vector_load_idx %arg14[%add3A_539] : memref<38400xf32, #tpu.memory_space<vmem>>[vector<16xi32>], vector<16xf32>,
        %swap3A_541 = arith.index_cast %add3A_528 : i32 to index
        %swap3A_542 = arith.constant 32 : index
        %swap3A_543 = tpu.vector_load %arg10[%swap3A_541, %swap3A_542] {strides = array<i32>} : memref<400x64xf32, #tpu.memory_space<vmem>>, vector<16xf32>,
        tpu.vector_store %arg10[%swap3A_541, %swap3A_542], %gather3A_540 {add = true, strides = array<i32>} : memref<400x64xf32, #tpu.memory_space<vmem>>, vector<16xf32>,
        %add3A_544 = arith.addi %gather3A_524, %add3A_105 : vector<16xi32>
        %gather3A_545 = tpu.vector_load_idx %arg14[%add3A_544] : memref<38400xf32, #tpu.memory_space<vmem>>[vector<16xi32>], vector<16xf32>,
        %swap3A_546 = arith.index_cast %add3A_528 : i32 to index
        %swap3A_547 = arith.constant 48 : index
        %swap3A_548 = tpu.vector_load %arg10[%swap3A_546, %swap3A_547] {strides = array<i32>} : memref<400x64xf32, #tpu.memory_space<vmem>>, vector<16xf32>,
        tpu.vector_store %arg10[%swap3A_546, %swap3A_547], %gather3A_545 {add = true, strides = array<i32>} : memref<400x64xf32, #tpu.memory_space<vmem>>, vector<16xf32>,
        %lt3A_549 = arith.constant 0 : i32
        %lt3A_550 = vector.broadcast %lt3A_549 : i32 to vector<16xi32>
        %lt3A_551 = arith.cmpi slt, %broadcast_in_dim3A_116, %lt3A_550 : vector<16xi32>
        %add3A_552 = arith.constant 16 : i32
        %add3A_553 = vector.broadcast %add3A_552 : i32 to vector<16xi32>
        %add3A_554 = arith.addi %broadcast_in_dim3A_116, %add3A_553 : vector<16xi32>
        %select_n3A_555 = arith.select %lt3A_551, %add3A_554, %broadcast_in_dim3A_116 : vector<16xi1>, vector<16xi32>
        %broadcast_in_dim3A_556 = vector.shape_cast %select_n3A_555 : vector<16xi32> to vector<16x1xi32>
        %gather3A_557 = vector.shape_cast %broadcast_in_dim3A_556 : vector<16x1xi32> to vector<16xi32>
        %gather3A_558 = tpu.dynamic_gather %add3A_381[%gather3A_557] in [0] : vector<16xi32>, vector<16xi32> -> vector<16xi32>
        %mul3A_559 = arith.constant 16 : i32
        %mul3A_560 = arith.muli %scan3A_363, %mul3A_559 : i32
        %add3A_561 = arith.constant 5 : i32
        %add3A_562 = arith.addi %mul3A_560, %add3A_561 : i32
        %add3A_563 = arith.addi %gather3A_558, %add3A_96 : vector<16xi32>
        %gather3A_564 = tpu.vector_load_idx %arg14[%add3A_563] : memref<38400xf32, #tpu.memory_space<vmem>>[vector<16xi32>], vector<16xf32>,
        %swap3A_565 = arith.index_cast %add3A_562 : i32 to index
        %swap3A_566 = arith.constant 0 : index
        %swap3A_567 = tpu.vector_load %arg10[%swap3A_565, %swap3A_566] {strides = array<i32>} : memref<400x64xf32, #tpu.memory_space<vmem>>, vector<16xf32>,
        tpu.vector_store %arg10[%swap3A_565, %swap3A_566], %gather3A_564 {add = true, strides = array<i32>} : memref<400x64xf32, #tpu.memory_space<vmem>>, vector<16xf32>,
        %add3A_568 = arith.addi %gather3A_558, %add3A_99 : vector<16xi32>
        %gather3A_569 = tpu.vector_load_idx %arg14[%add3A_568] : memref<38400xf32, #tpu.memory_space<vmem>>[vector<16xi32>], vector<16xf32>,
        %swap3A_570 = arith.index_cast %add3A_562 : i32 to index
        %swap3A_571 = arith.constant 16 : index
        %swap3A_572 = tpu.vector_load %arg10[%swap3A_570, %swap3A_571] {strides = array<i32>} : memref<400x64xf32, #tpu.memory_space<vmem>>, vector<16xf32>,
        tpu.vector_store %arg10[%swap3A_570, %swap3A_571], %gather3A_569 {add = true, strides = array<i32>} : memref<400x64xf32, #tpu.memory_space<vmem>>, vector<16xf32>,
        %add3A_573 = arith.addi %gather3A_558, %add3A_102 : vector<16xi32>
        %gather3A_574 = tpu.vector_load_idx %arg14[%add3A_573] : memref<38400xf32, #tpu.memory_space<vmem>>[vector<16xi32>], vector<16xf32>,
        %swap3A_575 = arith.index_cast %add3A_562 : i32 to index
        %swap3A_576 = arith.constant 32 : index
        %swap3A_577 = tpu.vector_load %arg10[%swap3A_575, %swap3A_576] {strides = array<i32>} : memref<400x64xf32, #tpu.memory_space<vmem>>, vector<16xf32>,
        tpu.vector_store %arg10[%swap3A_575, %swap3A_576], %gather3A_574 {add = true, strides = array<i32>} : memref<400x64xf32, #tpu.memory_space<vmem>>, vector<16xf32>,
        %add3A_578 = arith.addi %gather3A_558, %add3A_105 : vector<16xi32>
        %gather3A_579 = tpu.vector_load_idx %arg14[%add3A_578] : memref<38400xf32, #tpu.memory_space<vmem>>[vector<16xi32>], vector<16xf32>,
        %swap3A_580 = arith.index_cast %add3A_562 : i32 to index
        %swap3A_581 = arith.constant 48 : index
        %swap3A_582 = tpu.vector_load %arg10[%swap3A_580, %swap3A_581] {strides = array<i32>} : memref<400x64xf32, #tpu.memory_space<vmem>>, vector<16xf32>,
        tpu.vector_store %arg10[%swap3A_580, %swap3A_581], %gather3A_579 {add = true, strides = array<i32>} : memref<400x64xf32, #tpu.memory_space<vmem>>, vector<16xf32>,
        %lt3A_583 = arith.constant 0 : i32
        %lt3A_584 = vector.broadcast %lt3A_583 : i32 to vector<16xi32>
        %lt3A_585 = arith.cmpi slt, %broadcast_in_dim3A_118, %lt3A_584 : vector<16xi32>
        %add3A_586 = arith.constant 16 : i32
        %add3A_587 = vector.broadcast %add3A_586 : i32 to vector<16xi32>
        %add3A_588 = arith.addi %broadcast_in_dim3A_118, %add3A_587 : vector<16xi32>
        %select_n3A_589 = arith.select %lt3A_585, %add3A_588, %broadcast_in_dim3A_118 : vector<16xi1>, vector<16xi32>
        %broadcast_in_dim3A_590 = vector.shape_cast %select_n3A_589 : vector<16xi32> to vector<16x1xi32>
        %gather3A_591 = vector.shape_cast %broadcast_in_dim3A_590 : vector<16x1xi32> to vector<16xi32>
        %gather3A_592 = tpu.dynamic_gather %add3A_381[%gather3A_591] in [0] : vector<16xi32>, vector<16xi32> -> vector<16xi32>
        %mul3A_593 = arith.constant 16 : i32
        %mul3A_594 = arith.muli %scan3A_363, %mul3A_593 : i32
        %add3A_595 = arith.constant 6 : i32
        %add3A_596 = arith.addi %mul3A_594, %add3A_595 : i32
        %add3A_597 = arith.addi %gather3A_592, %add3A_96 : vector<16xi32>
        %gather3A_598 = tpu.vector_load_idx %arg14[%add3A_597] : memref<38400xf32, #tpu.memory_space<vmem>>[vector<16xi32>], vector<16xf32>,
        %swap3A_599 = arith.index_cast %add3A_596 : i32 to index
        %swap3A_600 = arith.constant 0 : index
        %swap3A_601 = tpu.vector_load %arg10[%swap3A_599, %swap3A_600] {strides = array<i32>} : memref<400x64xf32, #tpu.memory_space<vmem>>, vector<16xf32>,
        tpu.vector_store %arg10[%swap3A_599, %swap3A_600], %gather3A_598 {add = true, strides = array<i32>} : memref<400x64xf32, #tpu.memory_space<vmem>>, vector<16xf32>,
        %add3A_602 = arith.addi %gather3A_592, %add3A_99 : vector<16xi32>
        %gather3A_603 = tpu.vector_load_idx %arg14[%add3A_602] : memref<38400xf32, #tpu.memory_space<vmem>>[vector<16xi32>], vector<16xf32>,
        %swap3A_604 = arith.index_cast %add3A_596 : i32 to index
        %swap3A_605 = arith.constant 16 : index
        %swap3A_606 = tpu.vector_load %arg10[%swap3A_604, %swap3A_605] {strides = array<i32>} : memref<400x64xf32, #tpu.memory_space<vmem>>, vector<16xf32>,
        tpu.vector_store %arg10[%swap3A_604, %swap3A_605], %gather3A_603 {add = true, strides = array<i32>} : memref<400x64xf32, #tpu.memory_space<vmem>>, vector<16xf32>,
        %add3A_607 = arith.addi %gather3A_592, %add3A_102 : vector<16xi32>
        %gather3A_608 = tpu.vector_load_idx %arg14[%add3A_607] : memref<38400xf32, #tpu.memory_space<vmem>>[vector<16xi32>], vector<16xf32>,
        %swap3A_609 = arith.index_cast %add3A_596 : i32 to index
        %swap3A_610 = arith.constant 32 : index
        %swap3A_611 = tpu.vector_load %arg10[%swap3A_609, %swap3A_610] {strides = array<i32>} : memref<400x64xf32, #tpu.memory_space<vmem>>, vector<16xf32>,
        tpu.vector_store %arg10[%swap3A_609, %swap3A_610], %gather3A_608 {add = true, strides = array<i32>} : memref<400x64xf32, #tpu.memory_space<vmem>>, vector<16xf32>,
        %add3A_612 = arith.addi %gather3A_592, %add3A_105 : vector<16xi32>
        %gather3A_613 = tpu.vector_load_idx %arg14[%add3A_612] : memref<38400xf32, #tpu.memory_space<vmem>>[vector<16xi32>], vector<16xf32>,
        %swap3A_614 = arith.index_cast %add3A_596 : i32 to index
        %swap3A_615 = arith.constant 48 : index
        %swap3A_616 = tpu.vector_load %arg10[%swap3A_614, %swap3A_615] {strides = array<i32>} : memref<400x64xf32, #tpu.memory_space<vmem>>, vector<16xf32>,
        tpu.vector_store %arg10[%swap3A_614, %swap3A_615], %gather3A_613 {add = true, strides = array<i32>} : memref<400x64xf32, #tpu.memory_space<vmem>>, vector<16xf32>,
        %lt3A_617 = arith.constant 0 : i32
        %lt3A_618 = vector.broadcast %lt3A_617 : i32 to vector<16xi32>
        %lt3A_619 = arith.cmpi slt, %broadcast_in_dim3A_120, %lt3A_618 : vector<16xi32>
        %add3A_620 = arith.constant 16 : i32
        %add3A_621 = vector.broadcast %add3A_620 : i32 to vector<16xi32>
        %add3A_622 = arith.addi %broadcast_in_dim3A_120, %add3A_621 : vector<16xi32>
        %select_n3A_623 = arith.select %lt3A_619, %add3A_622, %broadcast_in_dim3A_120 : vector<16xi1>, vector<16xi32>
        %broadcast_in_dim3A_624 = vector.shape_cast %select_n3A_623 : vector<16xi32> to vector<16x1xi32>
        %gather3A_625 = vector.shape_cast %broadcast_in_dim3A_624 : vector<16x1xi32> to vector<16xi32>
        %gather3A_626 = tpu.dynamic_gather %add3A_381[%gather3A_625] in [0] : vector<16xi32>, vector<16xi32> -> vector<16xi32>
        %mul3A_627 = arith.constant 16 : i32
        %mul3A_628 = arith.muli %scan3A_363, %mul3A_627 : i32
        %add3A_629 = arith.constant 7 : i32
        %add3A_630 = arith.addi %mul3A_628, %add3A_629 : i32
        %add3A_631 = arith.addi %gather3A_626, %add3A_96 : vector<16xi32>
        %gather3A_632 = tpu.vector_load_idx %arg14[%add3A_631] : memref<38400xf32, #tpu.memory_space<vmem>>[vector<16xi32>], vector<16xf32>,
        %swap3A_633 = arith.index_cast %add3A_630 : i32 to index
        %swap3A_634 = arith.constant 0 : index
        %swap3A_635 = tpu.vector_load %arg10[%swap3A_633, %swap3A_634] {strides = array<i32>} : memref<400x64xf32, #tpu.memory_space<vmem>>, vector<16xf32>,
        tpu.vector_store %arg10[%swap3A_633, %swap3A_634], %gather3A_632 {add = true, strides = array<i32>} : memref<400x64xf32, #tpu.memory_space<vmem>>, vector<16xf32>,
        %add3A_636 = arith.addi %gather3A_626, %add3A_99 : vector<16xi32>
        %gather3A_637 = tpu.vector_load_idx %arg14[%add3A_636] : memref<38400xf32, #tpu.memory_space<vmem>>[vector<16xi32>], vector<16xf32>,
        %swap3A_638 = arith.index_cast %add3A_630 : i32 to index
        %swap3A_639 = arith.constant 16 : index
        %swap3A_640 = tpu.vector_load %arg10[%swap3A_638, %swap3A_639] {strides = array<i32>} : memref<400x64xf32, #tpu.memory_space<vmem>>, vector<16xf32>,
        tpu.vector_store %arg10[%swap3A_638, %swap3A_639], %gather3A_637 {add = true, strides = array<i32>} : memref<400x64xf32, #tpu.memory_space<vmem>>, vector<16xf32>,
        %add3A_641 = arith.addi %gather3A_626, %add3A_102 : vector<16xi32>
        %gather3A_642 = tpu.vector_load_idx %arg14[%add3A_641] : memref<38400xf32, #tpu.memory_space<vmem>>[vector<16xi32>], vector<16xf32>,
        %swap3A_643 = arith.index_cast %add3A_630 : i32 to index
        %swap3A_644 = arith.constant 32 : index
        %swap3A_645 = tpu.vector_load %arg10[%swap3A_643, %swap3A_644] {strides = array<i32>} : memref<400x64xf32, #tpu.memory_space<vmem>>, vector<16xf32>,
        tpu.vector_store %arg10[%swap3A_643, %swap3A_644], %gather3A_642 {add = true, strides = array<i32>} : memref<400x64xf32, #tpu.memory_space<vmem>>, vector<16xf32>,
        %add3A_646 = arith.addi %gather3A_626, %add3A_105 : vector<16xi32>
        %gather3A_647 = tpu.vector_load_idx %arg14[%add3A_646] : memref<38400xf32, #tpu.memory_space<vmem>>[vector<16xi32>], vector<16xf32>,
        %swap3A_648 = arith.index_cast %add3A_630 : i32 to index
        %swap3A_649 = arith.constant 48 : index
        %swap3A_650 = tpu.vector_load %arg10[%swap3A_648, %swap3A_649] {strides = array<i32>} : memref<400x64xf32, #tpu.memory_space<vmem>>, vector<16xf32>,
        tpu.vector_store %arg10[%swap3A_648, %swap3A_649], %gather3A_647 {add = true, strides = array<i32>} : memref<400x64xf32, #tpu.memory_space<vmem>>, vector<16xf32>,
        %lt3A_651 = arith.constant 0 : i32
        %lt3A_652 = vector.broadcast %lt3A_651 : i32 to vector<16xi32>
        %lt3A_653 = arith.cmpi slt, %broadcast_in_dim3A_122, %lt3A_652 : vector<16xi32>
        %add3A_654 = arith.constant 16 : i32
        %add3A_655 = vector.broadcast %add3A_654 : i32 to vector<16xi32>
        %add3A_656 = arith.addi %broadcast_in_dim3A_122, %add3A_655 : vector<16xi32>
        %select_n3A_657 = arith.select %lt3A_653, %add3A_656, %broadcast_in_dim3A_122 : vector<16xi1>, vector<16xi32>
        %broadcast_in_dim3A_658 = vector.shape_cast %select_n3A_657 : vector<16xi32> to vector<16x1xi32>
        %gather3A_659 = vector.shape_cast %broadcast_in_dim3A_658 : vector<16x1xi32> to vector<16xi32>
        %gather3A_660 = tpu.dynamic_gather %add3A_381[%gather3A_659] in [0] : vector<16xi32>, vector<16xi32> -> vector<16xi32>
        %mul3A_661 = arith.constant 16 : i32
        %mul3A_662 = arith.muli %scan3A_363, %mul3A_661 : i32
        %add3A_663 = arith.constant 8 : i32
        %add3A_664 = arith.addi %mul3A_662, %add3A_663 : i32
        %add3A_665 = arith.addi %gather3A_660, %add3A_96 : vector<16xi32>
        %gather3A_666 = tpu.vector_load_idx %arg14[%add3A_665] : memref<38400xf32, #tpu.memory_space<vmem>>[vector<16xi32>], vector<16xf32>,
        %swap3A_667 = arith.index_cast %add3A_664 : i32 to index
        %swap3A_668 = arith.constant 0 : index
        %swap3A_669 = tpu.vector_load %arg10[%swap3A_667, %swap3A_668] {strides = array<i32>} : memref<400x64xf32, #tpu.memory_space<vmem>>, vector<16xf32>,
        tpu.vector_store %arg10[%swap3A_667, %swap3A_668], %gather3A_666 {add = true, strides = array<i32>} : memref<400x64xf32, #tpu.memory_space<vmem>>, vector<16xf32>,
        %add3A_670 = arith.addi %gather3A_660, %add3A_99 : vector<16xi32>
        %gather3A_671 = tpu.vector_load_idx %arg14[%add3A_670] : memref<38400xf32, #tpu.memory_space<vmem>>[vector<16xi32>], vector<16xf32>,
        %swap3A_672 = arith.index_cast %add3A_664 : i32 to index
        %swap3A_673 = arith.constant 16 : index
        %swap3A_674 = tpu.vector_load %arg10[%swap3A_672, %swap3A_673] {strides = array<i32>} : memref<400x64xf32, #tpu.memory_space<vmem>>, vector<16xf32>,
        tpu.vector_store %arg10[%swap3A_672, %swap3A_673], %gather3A_671 {add = true, strides = array<i32>} : memref<400x64xf32, #tpu.memory_space<vmem>>, vector<16xf32>,
        %add3A_675 = arith.addi %gather3A_660, %add3A_102 : vector<16xi32>
        %gather3A_676 = tpu.vector_load_idx %arg14[%add3A_675] : memref<38400xf32, #tpu.memory_space<vmem>>[vector<16xi32>], vector<16xf32>,
        %swap3A_677 = arith.index_cast %add3A_664 : i32 to index
        %swap3A_678 = arith.constant 32 : index
        %swap3A_679 = tpu.vector_load %arg10[%swap3A_677, %swap3A_678] {strides = array<i32>} : memref<400x64xf32, #tpu.memory_space<vmem>>, vector<16xf32>,
        tpu.vector_store %arg10[%swap3A_677, %swap3A_678], %gather3A_676 {add = true, strides = array<i32>} : memref<400x64xf32, #tpu.memory_space<vmem>>, vector<16xf32>,
        %add3A_680 = arith.addi %gather3A_660, %add3A_105 : vector<16xi32>
        %gather3A_681 = tpu.vector_load_idx %arg14[%add3A_680] : memref<38400xf32, #tpu.memory_space<vmem>>[vector<16xi32>], vector<16xf32>,
        %swap3A_682 = arith.index_cast %add3A_664 : i32 to index
        %swap3A_683 = arith.constant 48 : index
        %swap3A_684 = tpu.vector_load %arg10[%swap3A_682, %swap3A_683] {strides = array<i32>} : memref<400x64xf32, #tpu.memory_space<vmem>>, vector<16xf32>,
        tpu.vector_store %arg10[%swap3A_682, %swap3A_683], %gather3A_681 {add = true, strides = array<i32>} : memref<400x64xf32, #tpu.memory_space<vmem>>, vector<16xf32>,
        %lt3A_685 = arith.constant 0 : i32
        %lt3A_686 = vector.broadcast %lt3A_685 : i32 to vector<16xi32>
        %lt3A_687 = arith.cmpi slt, %broadcast_in_dim3A_124, %lt3A_686 : vector<16xi32>
        %add3A_688 = arith.constant 16 : i32
        %add3A_689 = vector.broadcast %add3A_688 : i32 to vector<16xi32>
        %add3A_690 = arith.addi %broadcast_in_dim3A_124, %add3A_689 : vector<16xi32>
        %select_n3A_691 = arith.select %lt3A_687, %add3A_690, %broadcast_in_dim3A_124 : vector<16xi1>, vector<16xi32>
        %broadcast_in_dim3A_692 = vector.shape_cast %select_n3A_691 : vector<16xi32> to vector<16x1xi32>
        %gather3A_693 = vector.shape_cast %broadcast_in_dim3A_692 : vector<16x1xi32> to vector<16xi32>
        %gather3A_694 = tpu.dynamic_gather %add3A_381[%gather3A_693] in [0] : vector<16xi32>, vector<16xi32> -> vector<16xi32>
        %mul3A_695 = arith.constant 16 : i32
        %mul3A_696 = arith.muli %scan3A_363, %mul3A_695 : i32
        %add3A_697 = arith.constant 9 : i32
        %add3A_698 = arith.addi %mul3A_696, %add3A_697 : i32
        %add3A_699 = arith.addi %gather3A_694, %add3A_96 : vector<16xi32>
        %gather3A_700 = tpu.vector_load_idx %arg14[%add3A_699] : memref<38400xf32, #tpu.memory_space<vmem>>[vector<16xi32>], vector<16xf32>,
        %swap3A_701 = arith.index_cast %add3A_698 : i32 to index
        %swap3A_702 = arith.constant 0 : index
        %swap3A_703 = tpu.vector_load %arg10[%swap3A_701, %swap3A_702] {strides = array<i32>} : memref<400x64xf32, #tpu.memory_space<vmem>>, vector<16xf32>,
        tpu.vector_store %arg10[%swap3A_701, %swap3A_702], %gather3A_700 {add = true, strides = array<i32>} : memref<400x64xf32, #tpu.memory_space<vmem>>, vector<16xf32>,
        %add3A_704 = arith.addi %gather3A_694, %add3A_99 : vector<16xi32>
        %gather3A_705 = tpu.vector_load_idx %arg14[%add3A_704] : memref<38400xf32, #tpu.memory_space<vmem>>[vector<16xi32>], vector<16xf32>,
        %swap3A_706 = arith.index_cast %add3A_698 : i32 to index
        %swap3A_707 = arith.constant 16 : index
        %swap3A_708 = tpu.vector_load %arg10[%swap3A_706, %swap3A_707] {strides = array<i32>} : memref<400x64xf32, #tpu.memory_space<vmem>>, vector<16xf32>,
        tpu.vector_store %arg10[%swap3A_706, %swap3A_707], %gather3A_705 {add = true, strides = array<i32>} : memref<400x64xf32, #tpu.memory_space<vmem>>, vector<16xf32>,
        %add3A_709 = arith.addi %gather3A_694, %add3A_102 : vector<16xi32>
        %gather3A_710 = tpu.vector_load_idx %arg14[%add3A_709] : memref<38400xf32, #tpu.memory_space<vmem>>[vector<16xi32>], vector<16xf32>,
        %swap3A_711 = arith.index_cast %add3A_698 : i32 to index
        %swap3A_712 = arith.constant 32 : index
        %swap3A_713 = tpu.vector_load %arg10[%swap3A_711, %swap3A_712] {strides = array<i32>} : memref<400x64xf32, #tpu.memory_space<vmem>>, vector<16xf32>,
        tpu.vector_store %arg10[%swap3A_711, %swap3A_712], %gather3A_710 {add = true, strides = array<i32>} : memref<400x64xf32, #tpu.memory_space<vmem>>, vector<16xf32>,
        %add3A_714 = arith.addi %gather3A_694, %add3A_105 : vector<16xi32>
        %gather3A_715 = tpu.vector_load_idx %arg14[%add3A_714] : memref<38400xf32, #tpu.memory_space<vmem>>[vector<16xi32>], vector<16xf32>,
        %swap3A_716 = arith.index_cast %add3A_698 : i32 to index
        %swap3A_717 = arith.constant 48 : index
        %swap3A_718 = tpu.vector_load %arg10[%swap3A_716, %swap3A_717] {strides = array<i32>} : memref<400x64xf32, #tpu.memory_space<vmem>>, vector<16xf32>,
        tpu.vector_store %arg10[%swap3A_716, %swap3A_717], %gather3A_715 {add = true, strides = array<i32>} : memref<400x64xf32, #tpu.memory_space<vmem>>, vector<16xf32>,
        %lt3A_719 = arith.constant 0 : i32
        %lt3A_720 = vector.broadcast %lt3A_719 : i32 to vector<16xi32>
        %lt3A_721 = arith.cmpi slt, %broadcast_in_dim3A_126, %lt3A_720 : vector<16xi32>
        %add3A_722 = arith.constant 16 : i32
        %add3A_723 = vector.broadcast %add3A_722 : i32 to vector<16xi32>
        %add3A_724 = arith.addi %broadcast_in_dim3A_126, %add3A_723 : vector<16xi32>
        %select_n3A_725 = arith.select %lt3A_721, %add3A_724, %broadcast_in_dim3A_126 : vector<16xi1>, vector<16xi32>
        %broadcast_in_dim3A_726 = vector.shape_cast %select_n3A_725 : vector<16xi32> to vector<16x1xi32>
        %gather3A_727 = vector.shape_cast %broadcast_in_dim3A_726 : vector<16x1xi32> to vector<16xi32>
        %gather3A_728 = tpu.dynamic_gather %add3A_381[%gather3A_727] in [0] : vector<16xi32>, vector<16xi32> -> vector<16xi32>
        %mul3A_729 = arith.constant 16 : i32
        %mul3A_730 = arith.muli %scan3A_363, %mul3A_729 : i32
        %add3A_731 = arith.constant 10 : i32
        %add3A_732 = arith.addi %mul3A_730, %add3A_731 : i32
        %add3A_733 = arith.addi %gather3A_728, %add3A_96 : vector<16xi32>
        %gather3A_734 = tpu.vector_load_idx %arg14[%add3A_733] : memref<38400xf32, #tpu.memory_space<vmem>>[vector<16xi32>], vector<16xf32>,
        %swap3A_735 = arith.index_cast %add3A_732 : i32 to index
        %swap3A_736 = arith.constant 0 : index
        %swap3A_737 = tpu.vector_load %arg10[%swap3A_735, %swap3A_736] {strides = array<i32>} : memref<400x64xf32, #tpu.memory_space<vmem>>, vector<16xf32>,
        tpu.vector_store %arg10[%swap3A_735, %swap3A_736], %gather3A_734 {add = true, strides = array<i32>} : memref<400x64xf32, #tpu.memory_space<vmem>>, vector<16xf32>,
        %add3A_738 = arith.addi %gather3A_728, %add3A_99 : vector<16xi32>
        %gather3A_739 = tpu.vector_load_idx %arg14[%add3A_738] : memref<38400xf32, #tpu.memory_space<vmem>>[vector<16xi32>], vector<16xf32>,
        %swap3A_740 = arith.index_cast %add3A_732 : i32 to index
        %swap3A_741 = arith.constant 16 : index
        %swap3A_742 = tpu.vector_load %arg10[%swap3A_740, %swap3A_741] {strides = array<i32>} : memref<400x64xf32, #tpu.memory_space<vmem>>, vector<16xf32>,
        tpu.vector_store %arg10[%swap3A_740, %swap3A_741], %gather3A_739 {add = true, strides = array<i32>} : memref<400x64xf32, #tpu.memory_space<vmem>>, vector<16xf32>,
        %add3A_743 = arith.addi %gather3A_728, %add3A_102 : vector<16xi32>
        %gather3A_744 = tpu.vector_load_idx %arg14[%add3A_743] : memref<38400xf32, #tpu.memory_space<vmem>>[vector<16xi32>], vector<16xf32>,
        %swap3A_745 = arith.index_cast %add3A_732 : i32 to index
        %swap3A_746 = arith.constant 32 : index
        %swap3A_747 = tpu.vector_load %arg10[%swap3A_745, %swap3A_746] {strides = array<i32>} : memref<400x64xf32, #tpu.memory_space<vmem>>, vector<16xf32>,
        tpu.vector_store %arg10[%swap3A_745, %swap3A_746], %gather3A_744 {add = true, strides = array<i32>} : memref<400x64xf32, #tpu.memory_space<vmem>>, vector<16xf32>,
        %add3A_748 = arith.addi %gather3A_728, %add3A_105 : vector<16xi32>
        %gather3A_749 = tpu.vector_load_idx %arg14[%add3A_748] : memref<38400xf32, #tpu.memory_space<vmem>>[vector<16xi32>], vector<16xf32>,
        %swap3A_750 = arith.index_cast %add3A_732 : i32 to index
        %swap3A_751 = arith.constant 48 : index
        %swap3A_752 = tpu.vector_load %arg10[%swap3A_750, %swap3A_751] {strides = array<i32>} : memref<400x64xf32, #tpu.memory_space<vmem>>, vector<16xf32>,
        tpu.vector_store %arg10[%swap3A_750, %swap3A_751], %gather3A_749 {add = true, strides = array<i32>} : memref<400x64xf32, #tpu.memory_space<vmem>>, vector<16xf32>,
        %lt3A_753 = arith.constant 0 : i32
        %lt3A_754 = vector.broadcast %lt3A_753 : i32 to vector<16xi32>
        %lt3A_755 = arith.cmpi slt, %broadcast_in_dim3A_128, %lt3A_754 : vector<16xi32>
        %add3A_756 = arith.constant 16 : i32
        %add3A_757 = vector.broadcast %add3A_756 : i32 to vector<16xi32>
        %add3A_758 = arith.addi %broadcast_in_dim3A_128, %add3A_757 : vector<16xi32>
        %select_n3A_759 = arith.select %lt3A_755, %add3A_758, %broadcast_in_dim3A_128 : vector<16xi1>, vector<16xi32>
        %broadcast_in_dim3A_760 = vector.shape_cast %select_n3A_759 : vector<16xi32> to vector<16x1xi32>
        %gather3A_761 = vector.shape_cast %broadcast_in_dim3A_760 : vector<16x1xi32> to vector<16xi32>
        %gather3A_762 = tpu.dynamic_gather %add3A_381[%gather3A_761] in [0] : vector<16xi32>, vector<16xi32> -> vector<16xi32>
        %mul3A_763 = arith.constant 16 : i32
        %mul3A_764 = arith.muli %scan3A_363, %mul3A_763 : i32
        %add3A_765 = arith.constant 11 : i32
        %add3A_766 = arith.addi %mul3A_764, %add3A_765 : i32
        %add3A_767 = arith.addi %gather3A_762, %add3A_96 : vector<16xi32>
        %gather3A_768 = tpu.vector_load_idx %arg14[%add3A_767] : memref<38400xf32, #tpu.memory_space<vmem>>[vector<16xi32>], vector<16xf32>,
        %swap3A_769 = arith.index_cast %add3A_766 : i32 to index
        %swap3A_770 = arith.constant 0 : index
        %swap3A_771 = tpu.vector_load %arg10[%swap3A_769, %swap3A_770] {strides = array<i32>} : memref<400x64xf32, #tpu.memory_space<vmem>>, vector<16xf32>,
        tpu.vector_store %arg10[%swap3A_769, %swap3A_770], %gather3A_768 {add = true, strides = array<i32>} : memref<400x64xf32, #tpu.memory_space<vmem>>, vector<16xf32>,
        %add3A_772 = arith.addi %gather3A_762, %add3A_99 : vector<16xi32>
        %gather3A_773 = tpu.vector_load_idx %arg14[%add3A_772] : memref<38400xf32, #tpu.memory_space<vmem>>[vector<16xi32>], vector<16xf32>,
        %swap3A_774 = arith.index_cast %add3A_766 : i32 to index
        %swap3A_775 = arith.constant 16 : index
        %swap3A_776 = tpu.vector_load %arg10[%swap3A_774, %swap3A_775] {strides = array<i32>} : memref<400x64xf32, #tpu.memory_space<vmem>>, vector<16xf32>,
        tpu.vector_store %arg10[%swap3A_774, %swap3A_775], %gather3A_773 {add = true, strides = array<i32>} : memref<400x64xf32, #tpu.memory_space<vmem>>, vector<16xf32>,
        %add3A_777 = arith.addi %gather3A_762, %add3A_102 : vector<16xi32>
        %gather3A_778 = tpu.vector_load_idx %arg14[%add3A_777] : memref<38400xf32, #tpu.memory_space<vmem>>[vector<16xi32>], vector<16xf32>,
        %swap3A_779 = arith.index_cast %add3A_766 : i32 to index
        %swap3A_780 = arith.constant 32 : index
        %swap3A_781 = tpu.vector_load %arg10[%swap3A_779, %swap3A_780] {strides = array<i32>} : memref<400x64xf32, #tpu.memory_space<vmem>>, vector<16xf32>,
        tpu.vector_store %arg10[%swap3A_779, %swap3A_780], %gather3A_778 {add = true, strides = array<i32>} : memref<400x64xf32, #tpu.memory_space<vmem>>, vector<16xf32>,
        %add3A_782 = arith.addi %gather3A_762, %add3A_105 : vector<16xi32>
        %gather3A_783 = tpu.vector_load_idx %arg14[%add3A_782] : memref<38400xf32, #tpu.memory_space<vmem>>[vector<16xi32>], vector<16xf32>,
        %swap3A_784 = arith.index_cast %add3A_766 : i32 to index
        %swap3A_785 = arith.constant 48 : index
        %swap3A_786 = tpu.vector_load %arg10[%swap3A_784, %swap3A_785] {strides = array<i32>} : memref<400x64xf32, #tpu.memory_space<vmem>>, vector<16xf32>,
        tpu.vector_store %arg10[%swap3A_784, %swap3A_785], %gather3A_783 {add = true, strides = array<i32>} : memref<400x64xf32, #tpu.memory_space<vmem>>, vector<16xf32>,
        %lt3A_787 = arith.constant 0 : i32
        %lt3A_788 = vector.broadcast %lt3A_787 : i32 to vector<16xi32>
        %lt3A_789 = arith.cmpi slt, %broadcast_in_dim3A_130, %lt3A_788 : vector<16xi32>
        %add3A_790 = arith.constant 16 : i32
        %add3A_791 = vector.broadcast %add3A_790 : i32 to vector<16xi32>
        %add3A_792 = arith.addi %broadcast_in_dim3A_130, %add3A_791 : vector<16xi32>
        %select_n3A_793 = arith.select %lt3A_789, %add3A_792, %broadcast_in_dim3A_130 : vector<16xi1>, vector<16xi32>
        %broadcast_in_dim3A_794 = vector.shape_cast %select_n3A_793 : vector<16xi32> to vector<16x1xi32>
        %gather3A_795 = vector.shape_cast %broadcast_in_dim3A_794 : vector<16x1xi32> to vector<16xi32>
        %gather3A_796 = tpu.dynamic_gather %add3A_381[%gather3A_795] in [0] : vector<16xi32>, vector<16xi32> -> vector<16xi32>
        %mul3A_797 = arith.constant 16 : i32
        %mul3A_798 = arith.muli %scan3A_363, %mul3A_797 : i32
        %add3A_799 = arith.constant 12 : i32
        %add3A_800 = arith.addi %mul3A_798, %add3A_799 : i32
        %add3A_801 = arith.addi %gather3A_796, %add3A_96 : vector<16xi32>
        %gather3A_802 = tpu.vector_load_idx %arg14[%add3A_801] : memref<38400xf32, #tpu.memory_space<vmem>>[vector<16xi32>], vector<16xf32>,
        %swap3A_803 = arith.index_cast %add3A_800 : i32 to index
        %swap3A_804 = arith.constant 0 : index
        %swap3A_805 = tpu.vector_load %arg10[%swap3A_803, %swap3A_804] {strides = array<i32>} : memref<400x64xf32, #tpu.memory_space<vmem>>, vector<16xf32>,
        tpu.vector_store %arg10[%swap3A_803, %swap3A_804], %gather3A_802 {add = true, strides = array<i32>} : memref<400x64xf32, #tpu.memory_space<vmem>>, vector<16xf32>,
        %add3A_806 = arith.addi %gather3A_796, %add3A_99 : vector<16xi32>
        %gather3A_807 = tpu.vector_load_idx %arg14[%add3A_806] : memref<38400xf32, #tpu.memory_space<vmem>>[vector<16xi32>], vector<16xf32>,
        %swap3A_808 = arith.index_cast %add3A_800 : i32 to index
        %swap3A_809 = arith.constant 16 : index
        %swap3A_810 = tpu.vector_load %arg10[%swap3A_808, %swap3A_809] {strides = array<i32>} : memref<400x64xf32, #tpu.memory_space<vmem>>, vector<16xf32>,
        tpu.vector_store %arg10[%swap3A_808, %swap3A_809], %gather3A_807 {add = true, strides = array<i32>} : memref<400x64xf32, #tpu.memory_space<vmem>>, vector<16xf32>,
        %add3A_811 = arith.addi %gather3A_796, %add3A_102 : vector<16xi32>
        %gather3A_812 = tpu.vector_load_idx %arg14[%add3A_811] : memref<38400xf32, #tpu.memory_space<vmem>>[vector<16xi32>], vector<16xf32>,
        %swap3A_813 = arith.index_cast %add3A_800 : i32 to index
        %swap3A_814 = arith.constant 32 : index
        %swap3A_815 = tpu.vector_load %arg10[%swap3A_813, %swap3A_814] {strides = array<i32>} : memref<400x64xf32, #tpu.memory_space<vmem>>, vector<16xf32>,
        tpu.vector_store %arg10[%swap3A_813, %swap3A_814], %gather3A_812 {add = true, strides = array<i32>} : memref<400x64xf32, #tpu.memory_space<vmem>>, vector<16xf32>,
        %add3A_816 = arith.addi %gather3A_796, %add3A_105 : vector<16xi32>
        %gather3A_817 = tpu.vector_load_idx %arg14[%add3A_816] : memref<38400xf32, #tpu.memory_space<vmem>>[vector<16xi32>], vector<16xf32>,
        %swap3A_818 = arith.index_cast %add3A_800 : i32 to index
        %swap3A_819 = arith.constant 48 : index
        %swap3A_820 = tpu.vector_load %arg10[%swap3A_818, %swap3A_819] {strides = array<i32>} : memref<400x64xf32, #tpu.memory_space<vmem>>, vector<16xf32>,
        tpu.vector_store %arg10[%swap3A_818, %swap3A_819], %gather3A_817 {add = true, strides = array<i32>} : memref<400x64xf32, #tpu.memory_space<vmem>>, vector<16xf32>,
        %lt3A_821 = arith.constant 0 : i32
        %lt3A_822 = vector.broadcast %lt3A_821 : i32 to vector<16xi32>
        %lt3A_823 = arith.cmpi slt, %broadcast_in_dim3A_132, %lt3A_822 : vector<16xi32>
        %add3A_824 = arith.constant 16 : i32
        %add3A_825 = vector.broadcast %add3A_824 : i32 to vector<16xi32>
        %add3A_826 = arith.addi %broadcast_in_dim3A_132, %add3A_825 : vector<16xi32>
        %select_n3A_827 = arith.select %lt3A_823, %add3A_826, %broadcast_in_dim3A_132 : vector<16xi1>, vector<16xi32>
        %broadcast_in_dim3A_828 = vector.shape_cast %select_n3A_827 : vector<16xi32> to vector<16x1xi32>
        %gather3A_829 = vector.shape_cast %broadcast_in_dim3A_828 : vector<16x1xi32> to vector<16xi32>
        %gather3A_830 = tpu.dynamic_gather %add3A_381[%gather3A_829] in [0] : vector<16xi32>, vector<16xi32> -> vector<16xi32>
        %mul3A_831 = arith.constant 16 : i32
        %mul3A_832 = arith.muli %scan3A_363, %mul3A_831 : i32
        %add3A_833 = arith.constant 13 : i32
        %add3A_834 = arith.addi %mul3A_832, %add3A_833 : i32
        %add3A_835 = arith.addi %gather3A_830, %add3A_96 : vector<16xi32>
        %gather3A_836 = tpu.vector_load_idx %arg14[%add3A_835] : memref<38400xf32, #tpu.memory_space<vmem>>[vector<16xi32>], vector<16xf32>,
        %swap3A_837 = arith.index_cast %add3A_834 : i32 to index
        %swap3A_838 = arith.constant 0 : index
        %swap3A_839 = tpu.vector_load %arg10[%swap3A_837, %swap3A_838] {strides = array<i32>} : memref<400x64xf32, #tpu.memory_space<vmem>>, vector<16xf32>,
        tpu.vector_store %arg10[%swap3A_837, %swap3A_838], %gather3A_836 {add = true, strides = array<i32>} : memref<400x64xf32, #tpu.memory_space<vmem>>, vector<16xf32>,
        %add3A_840 = arith.addi %gather3A_830, %add3A_99 : vector<16xi32>
        %gather3A_841 = tpu.vector_load_idx %arg14[%add3A_840] : memref<38400xf32, #tpu.memory_space<vmem>>[vector<16xi32>], vector<16xf32>,
        %swap3A_842 = arith.index_cast %add3A_834 : i32 to index
        %swap3A_843 = arith.constant 16 : index
        %swap3A_844 = tpu.vector_load %arg10[%swap3A_842, %swap3A_843] {strides = array<i32>} : memref<400x64xf32, #tpu.memory_space<vmem>>, vector<16xf32>,
        tpu.vector_store %arg10[%swap3A_842, %swap3A_843], %gather3A_841 {add = true, strides = array<i32>} : memref<400x64xf32, #tpu.memory_space<vmem>>, vector<16xf32>,
        %add3A_845 = arith.addi %gather3A_830, %add3A_102 : vector<16xi32>
        %gather3A_846 = tpu.vector_load_idx %arg14[%add3A_845] : memref<38400xf32, #tpu.memory_space<vmem>>[vector<16xi32>], vector<16xf32>,
        %swap3A_847 = arith.index_cast %add3A_834 : i32 to index
        %swap3A_848 = arith.constant 32 : index
        %swap3A_849 = tpu.vector_load %arg10[%swap3A_847, %swap3A_848] {strides = array<i32>} : memref<400x64xf32, #tpu.memory_space<vmem>>, vector<16xf32>,
        tpu.vector_store %arg10[%swap3A_847, %swap3A_848], %gather3A_846 {add = true, strides = array<i32>} : memref<400x64xf32, #tpu.memory_space<vmem>>, vector<16xf32>,
        %add3A_850 = arith.addi %gather3A_830, %add3A_105 : vector<16xi32>
        %gather3A_851 = tpu.vector_load_idx %arg14[%add3A_850] : memref<38400xf32, #tpu.memory_space<vmem>>[vector<16xi32>], vector<16xf32>,
        %swap3A_852 = arith.index_cast %add3A_834 : i32 to index
        %swap3A_853 = arith.constant 48 : index
        %swap3A_854 = tpu.vector_load %arg10[%swap3A_852, %swap3A_853] {strides = array<i32>} : memref<400x64xf32, #tpu.memory_space<vmem>>, vector<16xf32>,
        tpu.vector_store %arg10[%swap3A_852, %swap3A_853], %gather3A_851 {add = true, strides = array<i32>} : memref<400x64xf32, #tpu.memory_space<vmem>>, vector<16xf32>,
        %lt3A_855 = arith.constant 0 : i32
        %lt3A_856 = vector.broadcast %lt3A_855 : i32 to vector<16xi32>
        %lt3A_857 = arith.cmpi slt, %broadcast_in_dim3A_134, %lt3A_856 : vector<16xi32>
        %add3A_858 = arith.constant 16 : i32
        %add3A_859 = vector.broadcast %add3A_858 : i32 to vector<16xi32>
        %add3A_860 = arith.addi %broadcast_in_dim3A_134, %add3A_859 : vector<16xi32>
        %select_n3A_861 = arith.select %lt3A_857, %add3A_860, %broadcast_in_dim3A_134 : vector<16xi1>, vector<16xi32>
        %broadcast_in_dim3A_862 = vector.shape_cast %select_n3A_861 : vector<16xi32> to vector<16x1xi32>
        %gather3A_863 = vector.shape_cast %broadcast_in_dim3A_862 : vector<16x1xi32> to vector<16xi32>
        %gather3A_864 = tpu.dynamic_gather %add3A_381[%gather3A_863] in [0] : vector<16xi32>, vector<16xi32> -> vector<16xi32>
        %mul3A_865 = arith.constant 16 : i32
        %mul3A_866 = arith.muli %scan3A_363, %mul3A_865 : i32
        %add3A_867 = arith.constant 14 : i32
        %add3A_868 = arith.addi %mul3A_866, %add3A_867 : i32
        %add3A_869 = arith.addi %gather3A_864, %add3A_96 : vector<16xi32>
        %gather3A_870 = tpu.vector_load_idx %arg14[%add3A_869] : memref<38400xf32, #tpu.memory_space<vmem>>[vector<16xi32>], vector<16xf32>,
        %swap3A_871 = arith.index_cast %add3A_868 : i32 to index
        %swap3A_872 = arith.constant 0 : index
        %swap3A_873 = tpu.vector_load %arg10[%swap3A_871, %swap3A_872] {strides = array<i32>} : memref<400x64xf32, #tpu.memory_space<vmem>>, vector<16xf32>,
        tpu.vector_store %arg10[%swap3A_871, %swap3A_872], %gather3A_870 {add = true, strides = array<i32>} : memref<400x64xf32, #tpu.memory_space<vmem>>, vector<16xf32>,
        %add3A_874 = arith.addi %gather3A_864, %add3A_99 : vector<16xi32>
        %gather3A_875 = tpu.vector_load_idx %arg14[%add3A_874] : memref<38400xf32, #tpu.memory_space<vmem>>[vector<16xi32>], vector<16xf32>,
        %swap3A_876 = arith.index_cast %add3A_868 : i32 to index
        %swap3A_877 = arith.constant 16 : index
        %swap3A_878 = tpu.vector_load %arg10[%swap3A_876, %swap3A_877] {strides = array<i32>} : memref<400x64xf32, #tpu.memory_space<vmem>>, vector<16xf32>,
        tpu.vector_store %arg10[%swap3A_876, %swap3A_877], %gather3A_875 {add = true, strides = array<i32>} : memref<400x64xf32, #tpu.memory_space<vmem>>, vector<16xf32>,
        %add3A_879 = arith.addi %gather3A_864, %add3A_102 : vector<16xi32>
        %gather3A_880 = tpu.vector_load_idx %arg14[%add3A_879] : memref<38400xf32, #tpu.memory_space<vmem>>[vector<16xi32>], vector<16xf32>,
        %swap3A_881 = arith.index_cast %add3A_868 : i32 to index
        %swap3A_882 = arith.constant 32 : index
        %swap3A_883 = tpu.vector_load %arg10[%swap3A_881, %swap3A_882] {strides = array<i32>} : memref<400x64xf32, #tpu.memory_space<vmem>>, vector<16xf32>,
        tpu.vector_store %arg10[%swap3A_881, %swap3A_882], %gather3A_880 {add = true, strides = array<i32>} : memref<400x64xf32, #tpu.memory_space<vmem>>, vector<16xf32>,
        %add3A_884 = arith.addi %gather3A_864, %add3A_105 : vector<16xi32>
        %gather3A_885 = tpu.vector_load_idx %arg14[%add3A_884] : memref<38400xf32, #tpu.memory_space<vmem>>[vector<16xi32>], vector<16xf32>,
        %swap3A_886 = arith.index_cast %add3A_868 : i32 to index
        %swap3A_887 = arith.constant 48 : index
        %swap3A_888 = tpu.vector_load %arg10[%swap3A_886, %swap3A_887] {strides = array<i32>} : memref<400x64xf32, #tpu.memory_space<vmem>>, vector<16xf32>,
        tpu.vector_store %arg10[%swap3A_886, %swap3A_887], %gather3A_885 {add = true, strides = array<i32>} : memref<400x64xf32, #tpu.memory_space<vmem>>, vector<16xf32>,
        %lt3A_889 = arith.constant 0 : i32
        %lt3A_890 = vector.broadcast %lt3A_889 : i32 to vector<16xi32>
        %lt3A_891 = arith.cmpi slt, %broadcast_in_dim3A_136, %lt3A_890 : vector<16xi32>
        %add3A_892 = arith.constant 16 : i32
        %add3A_893 = vector.broadcast %add3A_892 : i32 to vector<16xi32>
        %add3A_894 = arith.addi %broadcast_in_dim3A_136, %add3A_893 : vector<16xi32>
        %select_n3A_895 = arith.select %lt3A_891, %add3A_894, %broadcast_in_dim3A_136 : vector<16xi1>, vector<16xi32>
        %broadcast_in_dim3A_896 = vector.shape_cast %select_n3A_895 : vector<16xi32> to vector<16x1xi32>
        %gather3A_897 = vector.shape_cast %broadcast_in_dim3A_896 : vector<16x1xi32> to vector<16xi32>
        %gather3A_898 = tpu.dynamic_gather %add3A_381[%gather3A_897] in [0] : vector<16xi32>, vector<16xi32> -> vector<16xi32>
        %mul3A_899 = arith.constant 16 : i32
        %mul3A_900 = arith.muli %scan3A_363, %mul3A_899 : i32
        %add3A_901 = arith.constant 15 : i32
        %add3A_902 = arith.addi %mul3A_900, %add3A_901 : i32
        %add3A_903 = arith.addi %gather3A_898, %add3A_96 : vector<16xi32>
        %gather3A_904 = tpu.vector_load_idx %arg14[%add3A_903] : memref<38400xf32, #tpu.memory_space<vmem>>[vector<16xi32>], vector<16xf32>,
        %swap3A_905 = arith.index_cast %add3A_902 : i32 to index
        %swap3A_906 = arith.constant 0 : index
        %swap3A_907 = tpu.vector_load %arg10[%swap3A_905, %swap3A_906] {strides = array<i32>} : memref<400x64xf32, #tpu.memory_space<vmem>>, vector<16xf32>,
        tpu.vector_store %arg10[%swap3A_905, %swap3A_906], %gather3A_904 {add = true, strides = array<i32>} : memref<400x64xf32, #tpu.memory_space<vmem>>, vector<16xf32>,
        %add3A_908 = arith.addi %gather3A_898, %add3A_99 : vector<16xi32>
        %gather3A_909 = tpu.vector_load_idx %arg14[%add3A_908] : memref<38400xf32, #tpu.memory_space<vmem>>[vector<16xi32>], vector<16xf32>,
        %swap3A_910 = arith.index_cast %add3A_902 : i32 to index
        %swap3A_911 = arith.constant 16 : index
        %swap3A_912 = tpu.vector_load %arg10[%swap3A_910, %swap3A_911] {strides = array<i32>} : memref<400x64xf32, #tpu.memory_space<vmem>>, vector<16xf32>,
        tpu.vector_store %arg10[%swap3A_910, %swap3A_911], %gather3A_909 {add = true, strides = array<i32>} : memref<400x64xf32, #tpu.memory_space<vmem>>, vector<16xf32>,
        %add3A_913 = arith.addi %gather3A_898, %add3A_102 : vector<16xi32>
        %gather3A_914 = tpu.vector_load_idx %arg14[%add3A_913] : memref<38400xf32, #tpu.memory_space<vmem>>[vector<16xi32>], vector<16xf32>,
        %swap3A_915 = arith.index_cast %add3A_902 : i32 to index
        %swap3A_916 = arith.constant 32 : index
        %swap3A_917 = tpu.vector_load %arg10[%swap3A_915, %swap3A_916] {strides = array<i32>} : memref<400x64xf32, #tpu.memory_space<vmem>>, vector<16xf32>,
        tpu.vector_store %arg10[%swap3A_915, %swap3A_916], %gather3A_914 {add = true, strides = array<i32>} : memref<400x64xf32, #tpu.memory_space<vmem>>, vector<16xf32>,
        %add3A_918 = arith.addi %gather3A_898, %add3A_105 : vector<16xi32>
        %gather3A_919 = tpu.vector_load_idx %arg14[%add3A_918] : memref<38400xf32, #tpu.memory_space<vmem>>[vector<16xi32>], vector<16xf32>,
        %swap3A_920 = arith.index_cast %add3A_902 : i32 to index
        %swap3A_921 = arith.constant 48 : index
        %swap3A_922 = tpu.vector_load %arg10[%swap3A_920, %swap3A_921] {strides = array<i32>} : memref<400x64xf32, #tpu.memory_space<vmem>>, vector<16xf32>,
        tpu.vector_store %arg10[%swap3A_920, %swap3A_921], %gather3A_919 {add = true, strides = array<i32>} : memref<400x64xf32, #tpu.memory_space<vmem>>, vector<16xf32>,
      }
      %scan3A_272 = arith.constant 25 : i32
      %mul3A_273 = arith.constant 400 : i32
      %mul3A_274 = arith.muli %mul3A_150, %mul3A_273 : i32
      %add3A_275 = arith.addi %mul3A_2, %mul3A_274 : i32
      %dma_start3A_276 = arith.constant 0 : i32
      %dma_start3A_277 = tpu.memref_slice %arg7[%add3A_275, %dma_start3A_276] : memref<204800x64xf32, #tpu.memory_space<hbm>> -> memref<400x64xf32, #tpu.memory_space<hbm>>
      %dma_start3A_278 = arith.constant 0 : i32
      %dma_start3A_279 = tpu.memref_slice %arg7[%add3A_275, %dma_start3A_278] : memref<204800x64xf32, #tpu.memory_space<hbm>> -> memref<400x64xf32, #tpu.memory_space<hbm>>
      tpu.enqueue_dma source(%arg10 : memref<400x64xf32, #tpu.memory_space<vmem>>) target(%dma_start3A_279 : memref<400x64xf32, #tpu.memory_space<hbm>>) target_semaphore(%arg16 : memref<!tpu.dma_semaphore, #tpu.memory_space<semaphore_mem>>)
      %add3A_280 = arith.constant 1 : i32
      %add3A_281 = arith.addi %mul3A_150, %add3A_280 : i32
      %mul3A_282 = arith.constant 400 : i32
      %mul3A_283 = arith.muli %mul3A_150, %mul3A_282 : i32
      %add3A_284 = arith.addi %mul3A_2, %mul3A_283 : i32
      %dma_wait3A_285 = arith.constant 0 : i32
      %dma_wait3A_286 = tpu.memref_slice %arg7[%add3A_284, %dma_wait3A_285] : memref<204800x64xf32, #tpu.memory_space<hbm>> -> memref<400x64xf32, #tpu.memory_space<hbm>>
      %dma_wait3A_287 = arith.constant 0 : i32
      %dma_wait3A_288 = tpu.memref_slice %arg7[%add3A_284, %dma_wait3A_287] : memref<204800x64xf32, #tpu.memory_space<hbm>> -> memref<400x64xf32, #tpu.memory_space<hbm>>
      tpu.wait_dma2 semaphore(%arg16 : memref<!tpu.dma_semaphore, #tpu.memory_space<semaphore_mem>>) src(%arg10 : memref<400x64xf32, #tpu.memory_space<vmem>>) dst(%dma_wait3A_288 : memref<400x64xf32, #tpu.memory_space<hbm>>)
      %lt3A = arith.constant 7 : i32
      %lt3A_289 = arith.cmpi slt, %scan3A_148, %lt3A : i32
      %convert_element_type3A_290 = arith.extui %lt3A_289 : i1 to i32
      %cond3A_291 = arith.constant 0 : i32
      %cond3A_292 = arith.cmpi ne, %convert_element_type3A_290, %cond3A_291 : i32
      scf.if %cond3A_292 {
        %add3A_363 = arith.constant 1 : i32
        %add3A_364 = arith.addi %add3A_281, %add3A_363 : i32
        %mul3A_365 = arith.constant 400 : i32
        %mul3A_366 = arith.muli %add3A_364, %mul3A_365 : i32
        %add3A_367 = arith.constant 0 : i32
        %add3A_368 = arith.addi %mul3A_366, %add3A_367 : i32
        %dma_start3A_369 = arith.constant 0 : i32
        %dma_start3A_370 = arith.constant 0 : i32
        %dma_start3A_371 = tpu.memref_slice %arg10[%dma_start3A_369, %dma_start3A_370] : memref<400x64xf32, #tpu.memory_space<vmem>> -> memref<80x64xf32, #tpu.memory_space<vmem>>
        %dma_start3A_372 = tpu.memref_slice %arg8[%add3A_368] : memref<6400xi32, #tpu.memory_space<vmem>> -> memref<80xi32, #tpu.memory_space<vmem>>
        %dma_start3A_373 = arith.constant 0 : i32
        %dma_start3A_374 = arith.constant 0 : i32
        %dma_start3A_375 = tpu.memref_slice %arg4[%dma_start3A_373, %dma_start3A_374] : memref<1000000x64xf32, #tpu.memory_space<hbm>> -> memref<1000000x64xf32, #tpu.memory_space<hbm>>
        tpu.enqueue_indirect_dma source(%dma_start3A_375 : memref<1000000x64xf32, #tpu.memory_space<hbm>>) target(%dma_start3A_371 : memref<80x64xf32, #tpu.memory_space<vmem>>) offsets(%dma_start3A_372 : memref<80xi32, #tpu.memory_space<vmem>>) semaphore(%arg15 : memref<!tpu.dma_semaphore, #tpu.memory_space<semaphore_mem>>)
        %mul3A_376 = arith.constant 400 : i32
        %mul3A_377 = arith.muli %add3A_364, %mul3A_376 : i32
        %add3A_378 = arith.constant 80 : i32
        %add3A_379 = arith.addi %mul3A_377, %add3A_378 : i32
        %dma_start3A_380 = arith.constant 80 : i32
        %dma_start3A_381 = arith.constant 0 : i32
        %dma_start3A_382 = tpu.memref_slice %arg10[%dma_start3A_380, %dma_start3A_381] : memref<400x64xf32, #tpu.memory_space<vmem>> -> memref<80x64xf32, #tpu.memory_space<vmem>>
        %dma_start3A_383 = tpu.memref_slice %arg8[%add3A_379] : memref<6400xi32, #tpu.memory_space<vmem>> -> memref<80xi32, #tpu.memory_space<vmem>>
        %dma_start3A_384 = arith.constant 0 : i32
        %dma_start3A_385 = arith.constant 0 : i32
        %dma_start3A_386 = tpu.memref_slice %arg4[%dma_start3A_384, %dma_start3A_385] : memref<1000000x64xf32, #tpu.memory_space<hbm>> -> memref<1000000x64xf32, #tpu.memory_space<hbm>>
        tpu.enqueue_indirect_dma source(%dma_start3A_386 : memref<1000000x64xf32, #tpu.memory_space<hbm>>) target(%dma_start3A_382 : memref<80x64xf32, #tpu.memory_space<vmem>>) offsets(%dma_start3A_383 : memref<80xi32, #tpu.memory_space<vmem>>) semaphore(%arg15 : memref<!tpu.dma_semaphore, #tpu.memory_space<semaphore_mem>>)
        %mul3A_387 = arith.constant 400 : i32
        %mul3A_388 = arith.muli %add3A_364, %mul3A_387 : i32
        %add3A_389 = arith.constant 160 : i32
        %add3A_390 = arith.addi %mul3A_388, %add3A_389 : i32
        %dma_start3A_391 = arith.constant 160 : i32
        %dma_start3A_392 = arith.constant 0 : i32
        %dma_start3A_393 = tpu.memref_slice %arg10[%dma_start3A_391, %dma_start3A_392] : memref<400x64xf32, #tpu.memory_space<vmem>> -> memref<80x64xf32, #tpu.memory_space<vmem>>
        %dma_start3A_394 = tpu.memref_slice %arg8[%add3A_390] : memref<6400xi32, #tpu.memory_space<vmem>> -> memref<80xi32, #tpu.memory_space<vmem>>
        %dma_start3A_395 = arith.constant 0 : i32
        %dma_start3A_396 = arith.constant 0 : i32
        %dma_start3A_397 = tpu.memref_slice %arg4[%dma_start3A_395, %dma_start3A_396] : memref<1000000x64xf32, #tpu.memory_space<hbm>> -> memref<1000000x64xf32, #tpu.memory_space<hbm>>
        tpu.enqueue_indirect_dma source(%dma_start3A_397 : memref<1000000x64xf32, #tpu.memory_space<hbm>>) target(%dma_start3A_393 : memref<80x64xf32, #tpu.memory_space<vmem>>) offsets(%dma_start3A_394 : memref<80xi32, #tpu.memory_space<vmem>>) semaphore(%arg15 : memref<!tpu.dma_semaphore, #tpu.memory_space<semaphore_mem>>)
        %mul3A_398 = arith.constant 400 : i32
        %mul3A_399 = arith.muli %add3A_364, %mul3A_398 : i32
        %add3A_400 = arith.constant 240 : i32
        %add3A_401 = arith.addi %mul3A_399, %add3A_400 : i32
        %dma_start3A_402 = arith.constant 240 : i32
        %dma_start3A_403 = arith.constant 0 : i32
        %dma_start3A_404 = tpu.memref_slice %arg10[%dma_start3A_402, %dma_start3A_403] : memref<400x64xf32, #tpu.memory_space<vmem>> -> memref<80x64xf32, #tpu.memory_space<vmem>>
        %dma_start3A_405 = tpu.memref_slice %arg8[%add3A_401] : memref<6400xi32, #tpu.memory_space<vmem>> -> memref<80xi32, #tpu.memory_space<vmem>>
        %dma_start3A_406 = arith.constant 0 : i32
        %dma_start3A_407 = arith.constant 0 : i32
        %dma_start3A_408 = tpu.memref_slice %arg4[%dma_start3A_406, %dma_start3A_407] : memref<1000000x64xf32, #tpu.memory_space<hbm>> -> memref<1000000x64xf32, #tpu.memory_space<hbm>>
        tpu.enqueue_indirect_dma source(%dma_start3A_408 : memref<1000000x64xf32, #tpu.memory_space<hbm>>) target(%dma_start3A_404 : memref<80x64xf32, #tpu.memory_space<vmem>>) offsets(%dma_start3A_405 : memref<80xi32, #tpu.memory_space<vmem>>) semaphore(%arg15 : memref<!tpu.dma_semaphore, #tpu.memory_space<semaphore_mem>>)
        %mul3A_409 = arith.constant 400 : i32
        %mul3A_410 = arith.muli %add3A_364, %mul3A_409 : i32
        %add3A_411 = arith.constant 320 : i32
        %add3A_412 = arith.addi %mul3A_410, %add3A_411 : i32
        %dma_start3A_413 = arith.constant 320 : i32
        %dma_start3A_414 = arith.constant 0 : i32
        %dma_start3A_415 = tpu.memref_slice %arg10[%dma_start3A_413, %dma_start3A_414] : memref<400x64xf32, #tpu.memory_space<vmem>> -> memref<80x64xf32, #tpu.memory_space<vmem>>
        %dma_start3A_416 = tpu.memref_slice %arg8[%add3A_412] : memref<6400xi32, #tpu.memory_space<vmem>> -> memref<80xi32, #tpu.memory_space<vmem>>
        %dma_start3A_417 = arith.constant 0 : i32
        %dma_start3A_418 = arith.constant 0 : i32
        %dma_start3A_419 = tpu.memref_slice %arg4[%dma_start3A_417, %dma_start3A_418] : memref<1000000x64xf32, #tpu.memory_space<hbm>> -> memref<1000000x64xf32, #tpu.memory_space<hbm>>
        tpu.enqueue_indirect_dma source(%dma_start3A_419 : memref<1000000x64xf32, #tpu.memory_space<hbm>>) target(%dma_start3A_415 : memref<80x64xf32, #tpu.memory_space<vmem>>) offsets(%dma_start3A_416 : memref<80xi32, #tpu.memory_space<vmem>>) semaphore(%arg15 : memref<!tpu.dma_semaphore, #tpu.memory_space<semaphore_mem>>)
      } else {
      }
      %mul3A_293 = arith.constant 400 : i32
      %mul3A_294 = arith.muli %add3A_281, %mul3A_293 : i32
      %add3A_295 = arith.constant 0 : i32
      %add3A_296 = arith.addi %mul3A_294, %add3A_295 : i32
      %dma_wait3A_297 = arith.constant 0 : i32
      %dma_wait3A_298 = arith.constant 0 : i32
      %dma_wait3A_299 = tpu.memref_slice %arg11[%dma_wait3A_297, %dma_wait3A_298] : memref<400x64xf32, #tpu.memory_space<vmem>> -> memref<80x64xf32, #tpu.memory_space<vmem>>
      %dma_wait3A_300 = tpu.memref_slice %arg8[%add3A_296] : memref<6400xi32, #tpu.memory_space<vmem>> -> memref<80xi32, #tpu.memory_space<vmem>>
      %dma_wait3A_301 = arith.constant 0 : i32
      %dma_wait3A_302 = arith.constant 0 : i32
      %dma_wait3A_303 = tpu.memref_slice %arg4[%dma_wait3A_301, %dma_wait3A_302] : memref<1000000x64xf32, #tpu.memory_space<hbm>> -> memref<1000000x64xf32, #tpu.memory_space<hbm>>
      tpu.wait_indirect_dma semaphore(%arg15 : memref<!tpu.dma_semaphore, #tpu.memory_space<semaphore_mem>>) src(%dma_wait3A_303 : memref<1000000x64xf32, #tpu.memory_space<hbm>>) dst(%dma_wait3A_299 : memref<80x64xf32, #tpu.memory_space<vmem>>)
      %mul3A_304 = arith.constant 400 : i32
      %mul3A_305 = arith.muli %add3A_281, %mul3A_304 : i32
      %add3A_306 = arith.constant 80 : i32
      %add3A_307 = arith.addi %mul3A_305, %add3A_306 : i32
      %dma_wait3A_308 = arith.constant 80 : i32
      %dma_wait3A_309 = arith.constant 0 : i32
      %dma_wait3A_310 = tpu.memref_slice %arg11[%dma_wait3A_308, %dma_wait3A_309] : memref<400x64xf32, #tpu.memory_space<vmem>> -> memref<80x64xf32, #tpu.memory_space<vmem>>
      %dma_wait3A_311 = tpu.memref_slice %arg8[%add3A_307] : memref<6400xi32, #tpu.memory_space<vmem>> -> memref<80xi32, #tpu.memory_space<vmem>>
      %dma_wait3A_312 = arith.constant 0 : i32
      %dma_wait3A_313 = arith.constant 0 : i32
      %dma_wait3A_314 = tpu.memref_slice %arg4[%dma_wait3A_312, %dma_wait3A_313] : memref<1000000x64xf32, #tpu.memory_space<hbm>> -> memref<1000000x64xf32, #tpu.memory_space<hbm>>
      tpu.wait_indirect_dma semaphore(%arg15 : memref<!tpu.dma_semaphore, #tpu.memory_space<semaphore_mem>>) src(%dma_wait3A_314 : memref<1000000x64xf32, #tpu.memory_space<hbm>>) dst(%dma_wait3A_310 : memref<80x64xf32, #tpu.memory_space<vmem>>)
      %mul3A_315 = arith.constant 400 : i32
      %mul3A_316 = arith.muli %add3A_281, %mul3A_315 : i32
      %add3A_317 = arith.constant 160 : i32
      %add3A_318 = arith.addi %mul3A_316, %add3A_317 : i32
      %dma_wait3A_319 = arith.constant 160 : i32
      %dma_wait3A_320 = arith.constant 0 : i32
      %dma_wait3A_321 = tpu.memref_slice %arg11[%dma_wait3A_319, %dma_wait3A_320] : memref<400x64xf32, #tpu.memory_space<vmem>> -> memref<80x64xf32, #tpu.memory_space<vmem>>
      %dma_wait3A_322 = tpu.memref_slice %arg8[%add3A_318] : memref<6400xi32, #tpu.memory_space<vmem>> -> memref<80xi32, #tpu.memory_space<vmem>>
      %dma_wait3A_323 = arith.constant 0 : i32
      %dma_wait3A_324 = arith.constant 0 : i32
      %dma_wait3A_325 = tpu.memref_slice %arg4[%dma_wait3A_323, %dma_wait3A_324] : memref<1000000x64xf32, #tpu.memory_space<hbm>> -> memref<1000000x64xf32, #tpu.memory_space<hbm>>
      tpu.wait_indirect_dma semaphore(%arg15 : memref<!tpu.dma_semaphore, #tpu.memory_space<semaphore_mem>>) src(%dma_wait3A_325 : memref<1000000x64xf32, #tpu.memory_space<hbm>>) dst(%dma_wait3A_321 : memref<80x64xf32, #tpu.memory_space<vmem>>)
      %mul3A_326 = arith.constant 400 : i32
      %mul3A_327 = arith.muli %add3A_281, %mul3A_326 : i32
      %add3A_328 = arith.constant 240 : i32
      %add3A_329 = arith.addi %mul3A_327, %add3A_328 : i32
      %dma_wait3A_330 = arith.constant 240 : i32
      %dma_wait3A_331 = arith.constant 0 : i32
      %dma_wait3A_332 = tpu.memref_slice %arg11[%dma_wait3A_330, %dma_wait3A_331] : memref<400x64xf32, #tpu.memory_space<vmem>> -> memref<80x64xf32, #tpu.memory_space<vmem>>
      %dma_wait3A_333 = tpu.memref_slice %arg8[%add3A_329] : memref<6400xi32, #tpu.memory_space<vmem>> -> memref<80xi32, #tpu.memory_space<vmem>>
      %dma_wait3A_334 = arith.constant 0 : i32
      %dma_wait3A_335 = arith.constant 0 : i32
      %dma_wait3A_336 = tpu.memref_slice %arg4[%dma_wait3A_334, %dma_wait3A_335] : memref<1000000x64xf32, #tpu.memory_space<hbm>> -> memref<1000000x64xf32, #tpu.memory_space<hbm>>
      tpu.wait_indirect_dma semaphore(%arg15 : memref<!tpu.dma_semaphore, #tpu.memory_space<semaphore_mem>>) src(%dma_wait3A_336 : memref<1000000x64xf32, #tpu.memory_space<hbm>>) dst(%dma_wait3A_332 : memref<80x64xf32, #tpu.memory_space<vmem>>)
      %mul3A_337 = arith.constant 400 : i32
      %mul3A_338 = arith.muli %add3A_281, %mul3A_337 : i32
      %add3A_339 = arith.constant 320 : i32
      %add3A_340 = arith.addi %mul3A_338, %add3A_339 : i32
      %dma_wait3A_341 = arith.constant 320 : i32
      %dma_wait3A_342 = arith.constant 0 : i32
      %dma_wait3A_343 = tpu.memref_slice %arg11[%dma_wait3A_341, %dma_wait3A_342] : memref<400x64xf32, #tpu.memory_space<vmem>> -> memref<80x64xf32, #tpu.memory_space<vmem>>
      %dma_wait3A_344 = tpu.memref_slice %arg8[%add3A_340] : memref<6400xi32, #tpu.memory_space<vmem>> -> memref<80xi32, #tpu.memory_space<vmem>>
      %dma_wait3A_345 = arith.constant 0 : i32
      %dma_wait3A_346 = arith.constant 0 : i32
      %dma_wait3A_347 = tpu.memref_slice %arg4[%dma_wait3A_345, %dma_wait3A_346] : memref<1000000x64xf32, #tpu.memory_space<hbm>> -> memref<1000000x64xf32, #tpu.memory_space<hbm>>
      tpu.wait_indirect_dma semaphore(%arg15 : memref<!tpu.dma_semaphore, #tpu.memory_space<semaphore_mem>>) src(%dma_wait3A_347 : memref<1000000x64xf32, #tpu.memory_space<hbm>>) dst(%dma_wait3A_343 : memref<80x64xf32, #tpu.memory_space<vmem>>)
      %mul3A_348 = arith.constant 400 : i32
      %mul3A_349 = arith.muli %add3A_281, %mul3A_348 : i32
      %scan3A_350 = arith.constant 0 : i32
      %scan3A_351 = arith.constant 0 : i32
      %scan3A_352 = arith.constant 25 : i32
      %scan3A_353 = arith.addi %scan3A_351, %scan3A_352 : i32
      %scan3A_354 = arith.constant 1 : i32
      scf.for %scan3A_363 = %scan3A_351 to %scan3A_353 step %scan3A_354  : i32 {
        %mul3A_364 = arith.constant 16 : i32
        %mul3A_365 = arith.muli %scan3A_363, %mul3A_364 : i32
        %add3A_366 = arith.addi %mul3A_349, %mul3A_365 : i32
        %get3A_367 = arith.index_cast %add3A_366 : i32 to index
        %get3A_368 = tpu.vector_load %arg9[%get3A_367] {strides = array<i32>} : memref<6400xi32, #tpu.memory_space<vmem>>, vector<16xi32>,
        %mul3A_369 = arith.constant 16 : i32
        %mul3A_370 = arith.muli %scan3A_363, %mul3A_369 : i32
        %add3A_371 = vector.broadcast %mul3A_370 : i32 to vector<16xi32>
        %add3A_372 = arith.addi %add3A_371, %iota3A : vector<16xi32>
        %rem3A = arith.constant 200 : i32
        %rem3A_373 = vector.broadcast %rem3A : i32 to vector<16xi32>
        %rem3A_374 = arith.remsi %add3A_372, %rem3A_373 : vector<16xi32>
        %mul3A_375 = arith.constant 12800 : i32
        %mul3A_376 = vector.broadcast %mul3A_375 : i32 to vector<16xi32>
        %mul3A_377 = arith.muli %get3A_368, %mul3A_376 : vector<16xi32>
        %mul3A_378 = arith.constant 64 : i32
        %mul3A_379 = vector.broadcast %mul3A_378 : i32 to vector<16xi32>
        %mul3A_380 = arith.muli %rem3A_374, %mul3A_379 : vector<16xi32>
        %add3A_381 = arith.addi %mul3A_377, %mul3A_380 : vector<16xi32>
        %lt3A_382 = arith.constant 0 : i32
        %lt3A_383 = vector.broadcast %lt3A_382 : i32 to vector<16xi32>
        %lt3A_384 = arith.cmpi slt, %broadcast_in_dim3A_106, %lt3A_383 : vector<16xi32>
        %add3A_385 = arith.constant 16 : i32
        %add3A_386 = vector.broadcast %add3A_385 : i32 to vector<16xi32>
        %add3A_387 = arith.addi %broadcast_in_dim3A_106, %add3A_386 : vector<16xi32>
        %select_n3A = arith.select %lt3A_384, %add3A_387, %broadcast_in_dim3A_106 : vector<16xi1>, vector<16xi32>
        %broadcast_in_dim3A_388 = vector.shape_cast %select_n3A : vector<16xi32> to vector<16x1xi32>
        %gather3A = vector.shape_cast %broadcast_in_dim3A_388 : vector<16x1xi32> to vector<16xi32>
        %gather3A_389 = tpu.dynamic_gather %add3A_381[%gather3A] in [0] : vector<16xi32>, vector<16xi32> -> vector<16xi32>
        %mul3A_390 = arith.constant 16 : i32
        %mul3A_391 = arith.muli %scan3A_363, %mul3A_390 : i32
        %add3A_392 = arith.constant 0 : i32
        %add3A_393 = arith.addi %mul3A_391, %add3A_392 : i32
        %add3A_394 = arith.addi %gather3A_389, %add3A_96 : vector<16xi32>
        %gather3A_395 = tpu.vector_load_idx %arg14[%add3A_394] : memref<38400xf32, #tpu.memory_space<vmem>>[vector<16xi32>], vector<16xf32>,
        %swap3A = arith.index_cast %add3A_393 : i32 to index
        %swap3A_396 = arith.constant 0 : index
        %swap3A_397 = tpu.vector_load %arg11[%swap3A, %swap3A_396] {strides = array<i32>} : memref<400x64xf32, #tpu.memory_space<vmem>>, vector<16xf32>,
        tpu.vector_store %arg11[%swap3A, %swap3A_396], %gather3A_395 {add = true, strides = array<i32>} : memref<400x64xf32, #tpu.memory_space<vmem>>, vector<16xf32>,
        %add3A_398 = arith.addi %gather3A_389, %add3A_99 : vector<16xi32>
        %gather3A_399 = tpu.vector_load_idx %arg14[%add3A_398] : memref<38400xf32, #tpu.memory_space<vmem>>[vector<16xi32>], vector<16xf32>,
        %swap3A_400 = arith.index_cast %add3A_393 : i32 to index
        %swap3A_401 = arith.constant 16 : index
        %swap3A_402 = tpu.vector_load %arg11[%swap3A_400, %swap3A_401] {strides = array<i32>} : memref<400x64xf32, #tpu.memory_space<vmem>>, vector<16xf32>,
        tpu.vector_store %arg11[%swap3A_400, %swap3A_401], %gather3A_399 {add = true, strides = array<i32>} : memref<400x64xf32, #tpu.memory_space<vmem>>, vector<16xf32>,
        %add3A_403 = arith.addi %gather3A_389, %add3A_102 : vector<16xi32>
        %gather3A_404 = tpu.vector_load_idx %arg14[%add3A_403] : memref<38400xf32, #tpu.memory_space<vmem>>[vector<16xi32>], vector<16xf32>,
        %swap3A_405 = arith.index_cast %add3A_393 : i32 to index
        %swap3A_406 = arith.constant 32 : index
        %swap3A_407 = tpu.vector_load %arg11[%swap3A_405, %swap3A_406] {strides = array<i32>} : memref<400x64xf32, #tpu.memory_space<vmem>>, vector<16xf32>,
        tpu.vector_store %arg11[%swap3A_405, %swap3A_406], %gather3A_404 {add = true, strides = array<i32>} : memref<400x64xf32, #tpu.memory_space<vmem>>, vector<16xf32>,
        %add3A_408 = arith.addi %gather3A_389, %add3A_105 : vector<16xi32>
        %gather3A_409 = tpu.vector_load_idx %arg14[%add3A_408] : memref<38400xf32, #tpu.memory_space<vmem>>[vector<16xi32>], vector<16xf32>,
        %swap3A_410 = arith.index_cast %add3A_393 : i32 to index
        %swap3A_411 = arith.constant 48 : index
        %swap3A_412 = tpu.vector_load %arg11[%swap3A_410, %swap3A_411] {strides = array<i32>} : memref<400x64xf32, #tpu.memory_space<vmem>>, vector<16xf32>,
        tpu.vector_store %arg11[%swap3A_410, %swap3A_411], %gather3A_409 {add = true, strides = array<i32>} : memref<400x64xf32, #tpu.memory_space<vmem>>, vector<16xf32>,
        %lt3A_413 = arith.constant 0 : i32
        %lt3A_414 = vector.broadcast %lt3A_413 : i32 to vector<16xi32>
        %lt3A_415 = arith.cmpi slt, %broadcast_in_dim3A_108, %lt3A_414 : vector<16xi32>
        %add3A_416 = arith.constant 16 : i32
        %add3A_417 = vector.broadcast %add3A_416 : i32 to vector<16xi32>
        %add3A_418 = arith.addi %broadcast_in_dim3A_108, %add3A_417 : vector<16xi32>
        %select_n3A_419 = arith.select %lt3A_415, %add3A_418, %broadcast_in_dim3A_108 : vector<16xi1>, vector<16xi32>
        %broadcast_in_dim3A_420 = vector.shape_cast %select_n3A_419 : vector<16xi32> to vector<16x1xi32>
        %gather3A_421 = vector.shape_cast %broadcast_in_dim3A_420 : vector<16x1xi32> to vector<16xi32>
        %gather3A_422 = tpu.dynamic_gather %add3A_381[%gather3A_421] in [0] : vector<16xi32>, vector<16xi32> -> vector<16xi32>
        %mul3A_423 = arith.constant 16 : i32
        %mul3A_424 = arith.muli %scan3A_363, %mul3A_423 : i32
        %add3A_425 = arith.constant 1 : i32
        %add3A_426 = arith.addi %mul3A_424, %add3A_425 : i32
        %add3A_427 = arith.addi %gather3A_422, %add3A_96 : vector<16xi32>
        %gather3A_428 = tpu.vector_load_idx %arg14[%add3A_427] : memref<38400xf32, #tpu.memory_space<vmem>>[vector<16xi32>], vector<16xf32>,
        %swap3A_429 = arith.index_cast %add3A_426 : i32 to index
        %swap3A_430 = arith.constant 0 : index
        %swap3A_431 = tpu.vector_load %arg11[%swap3A_429, %swap3A_430] {strides = array<i32>} : memref<400x64xf32, #tpu.memory_space<vmem>>, vector<16xf32>,
        tpu.vector_store %arg11[%swap3A_429, %swap3A_430], %gather3A_428 {add = true, strides = array<i32>} : memref<400x64xf32, #tpu.memory_space<vmem>>, vector<16xf32>,
        %add3A_432 = arith.addi %gather3A_422, %add3A_99 : vector<16xi32>
        %gather3A_433 = tpu.vector_load_idx %arg14[%add3A_432] : memref<38400xf32, #tpu.memory_space<vmem>>[vector<16xi32>], vector<16xf32>,
        %swap3A_434 = arith.index_cast %add3A_426 : i32 to index
        %swap3A_435 = arith.constant 16 : index
        %swap3A_436 = tpu.vector_load %arg11[%swap3A_434, %swap3A_435] {strides = array<i32>} : memref<400x64xf32, #tpu.memory_space<vmem>>, vector<16xf32>,
        tpu.vector_store %arg11[%swap3A_434, %swap3A_435], %gather3A_433 {add = true, strides = array<i32>} : memref<400x64xf32, #tpu.memory_space<vmem>>, vector<16xf32>,
        %add3A_437 = arith.addi %gather3A_422, %add3A_102 : vector<16xi32>
        %gather3A_438 = tpu.vector_load_idx %arg14[%add3A_437] : memref<38400xf32, #tpu.memory_space<vmem>>[vector<16xi32>], vector<16xf32>,
        %swap3A_439 = arith.index_cast %add3A_426 : i32 to index
        %swap3A_440 = arith.constant 32 : index
        %swap3A_441 = tpu.vector_load %arg11[%swap3A_439, %swap3A_440] {strides = array<i32>} : memref<400x64xf32, #tpu.memory_space<vmem>>, vector<16xf32>,
        tpu.vector_store %arg11[%swap3A_439, %swap3A_440], %gather3A_438 {add = true, strides = array<i32>} : memref<400x64xf32, #tpu.memory_space<vmem>>, vector<16xf32>,
        %add3A_442 = arith.addi %gather3A_422, %add3A_105 : vector<16xi32>
        %gather3A_443 = tpu.vector_load_idx %arg14[%add3A_442] : memref<38400xf32, #tpu.memory_space<vmem>>[vector<16xi32>], vector<16xf32>,
        %swap3A_444 = arith.index_cast %add3A_426 : i32 to index
        %swap3A_445 = arith.constant 48 : index
        %swap3A_446 = tpu.vector_load %arg11[%swap3A_444, %swap3A_445] {strides = array<i32>} : memref<400x64xf32, #tpu.memory_space<vmem>>, vector<16xf32>,
        tpu.vector_store %arg11[%swap3A_444, %swap3A_445], %gather3A_443 {add = true, strides = array<i32>} : memref<400x64xf32, #tpu.memory_space<vmem>>, vector<16xf32>,
        %lt3A_447 = arith.constant 0 : i32
        %lt3A_448 = vector.broadcast %lt3A_447 : i32 to vector<16xi32>
        %lt3A_449 = arith.cmpi slt, %broadcast_in_dim3A_110, %lt3A_448 : vector<16xi32>
        %add3A_450 = arith.constant 16 : i32
        %add3A_451 = vector.broadcast %add3A_450 : i32 to vector<16xi32>
        %add3A_452 = arith.addi %broadcast_in_dim3A_110, %add3A_451 : vector<16xi32>
        %select_n3A_453 = arith.select %lt3A_449, %add3A_452, %broadcast_in_dim3A_110 : vector<16xi1>, vector<16xi32>
        %broadcast_in_dim3A_454 = vector.shape_cast %select_n3A_453 : vector<16xi32> to vector<16x1xi32>
        %gather3A_455 = vector.shape_cast %broadcast_in_dim3A_454 : vector<16x1xi32> to vector<16xi32>
        %gather3A_456 = tpu.dynamic_gather %add3A_381[%gather3A_455] in [0] : vector<16xi32>, vector<16xi32> -> vector<16xi32>
        %mul3A_457 = arith.constant 16 : i32
        %mul3A_458 = arith.muli %scan3A_363, %mul3A_457 : i32
        %add3A_459 = arith.constant 2 : i32
        %add3A_460 = arith.addi %mul3A_458, %add3A_459 : i32
        %add3A_461 = arith.addi %gather3A_456, %add3A_96 : vector<16xi32>
        %gather3A_462 = tpu.vector_load_idx %arg14[%add3A_461] : memref<38400xf32, #tpu.memory_space<vmem>>[vector<16xi32>], vector<16xf32>,
        %swap3A_463 = arith.index_cast %add3A_460 : i32 to index
        %swap3A_464 = arith.constant 0 : index
        %swap3A_465 = tpu.vector_load %arg11[%swap3A_463, %swap3A_464] {strides = array<i32>} : memref<400x64xf32, #tpu.memory_space<vmem>>, vector<16xf32>,
        tpu.vector_store %arg11[%swap3A_463, %swap3A_464], %gather3A_462 {add = true, strides = array<i32>} : memref<400x64xf32, #tpu.memory_space<vmem>>, vector<16xf32>,
        %add3A_466 = arith.addi %gather3A_456, %add3A_99 : vector<16xi32>
        %gather3A_467 = tpu.vector_load_idx %arg14[%add3A_466] : memref<38400xf32, #tpu.memory_space<vmem>>[vector<16xi32>], vector<16xf32>,
        %swap3A_468 = arith.index_cast %add3A_460 : i32 to index
        %swap3A_469 = arith.constant 16 : index
        %swap3A_470 = tpu.vector_load %arg11[%swap3A_468, %swap3A_469] {strides = array<i32>} : memref<400x64xf32, #tpu.memory_space<vmem>>, vector<16xf32>,
        tpu.vector_store %arg11[%swap3A_468, %swap3A_469], %gather3A_467 {add = true, strides = array<i32>} : memref<400x64xf32, #tpu.memory_space<vmem>>, vector<16xf32>,
        %add3A_471 = arith.addi %gather3A_456, %add3A_102 : vector<16xi32>
        %gather3A_472 = tpu.vector_load_idx %arg14[%add3A_471] : memref<38400xf32, #tpu.memory_space<vmem>>[vector<16xi32>], vector<16xf32>,
        %swap3A_473 = arith.index_cast %add3A_460 : i32 to index
        %swap3A_474 = arith.constant 32 : index
        %swap3A_475 = tpu.vector_load %arg11[%swap3A_473, %swap3A_474] {strides = array<i32>} : memref<400x64xf32, #tpu.memory_space<vmem>>, vector<16xf32>,
        tpu.vector_store %arg11[%swap3A_473, %swap3A_474], %gather3A_472 {add = true, strides = array<i32>} : memref<400x64xf32, #tpu.memory_space<vmem>>, vector<16xf32>,
        %add3A_476 = arith.addi %gather3A_456, %add3A_105 : vector<16xi32>
        %gather3A_477 = tpu.vector_load_idx %arg14[%add3A_476] : memref<38400xf32, #tpu.memory_space<vmem>>[vector<16xi32>], vector<16xf32>,
        %swap3A_478 = arith.index_cast %add3A_460 : i32 to index
        %swap3A_479 = arith.constant 48 : index
        %swap3A_480 = tpu.vector_load %arg11[%swap3A_478, %swap3A_479] {strides = array<i32>} : memref<400x64xf32, #tpu.memory_space<vmem>>, vector<16xf32>,
        tpu.vector_store %arg11[%swap3A_478, %swap3A_479], %gather3A_477 {add = true, strides = array<i32>} : memref<400x64xf32, #tpu.memory_space<vmem>>, vector<16xf32>,
        %lt3A_481 = arith.constant 0 : i32
        %lt3A_482 = vector.broadcast %lt3A_481 : i32 to vector<16xi32>
        %lt3A_483 = arith.cmpi slt, %broadcast_in_dim3A_112, %lt3A_482 : vector<16xi32>
        %add3A_484 = arith.constant 16 : i32
        %add3A_485 = vector.broadcast %add3A_484 : i32 to vector<16xi32>
        %add3A_486 = arith.addi %broadcast_in_dim3A_112, %add3A_485 : vector<16xi32>
        %select_n3A_487 = arith.select %lt3A_483, %add3A_486, %broadcast_in_dim3A_112 : vector<16xi1>, vector<16xi32>
        %broadcast_in_dim3A_488 = vector.shape_cast %select_n3A_487 : vector<16xi32> to vector<16x1xi32>
        %gather3A_489 = vector.shape_cast %broadcast_in_dim3A_488 : vector<16x1xi32> to vector<16xi32>
        %gather3A_490 = tpu.dynamic_gather %add3A_381[%gather3A_489] in [0] : vector<16xi32>, vector<16xi32> -> vector<16xi32>
        %mul3A_491 = arith.constant 16 : i32
        %mul3A_492 = arith.muli %scan3A_363, %mul3A_491 : i32
        %add3A_493 = arith.constant 3 : i32
        %add3A_494 = arith.addi %mul3A_492, %add3A_493 : i32
        %add3A_495 = arith.addi %gather3A_490, %add3A_96 : vector<16xi32>
        %gather3A_496 = tpu.vector_load_idx %arg14[%add3A_495] : memref<38400xf32, #tpu.memory_space<vmem>>[vector<16xi32>], vector<16xf32>,
        %swap3A_497 = arith.index_cast %add3A_494 : i32 to index
        %swap3A_498 = arith.constant 0 : index
        %swap3A_499 = tpu.vector_load %arg11[%swap3A_497, %swap3A_498] {strides = array<i32>} : memref<400x64xf32, #tpu.memory_space<vmem>>, vector<16xf32>,
        tpu.vector_store %arg11[%swap3A_497, %swap3A_498], %gather3A_496 {add = true, strides = array<i32>} : memref<400x64xf32, #tpu.memory_space<vmem>>, vector<16xf32>,
        %add3A_500 = arith.addi %gather3A_490, %add3A_99 : vector<16xi32>
        %gather3A_501 = tpu.vector_load_idx %arg14[%add3A_500] : memref<38400xf32, #tpu.memory_space<vmem>>[vector<16xi32>], vector<16xf32>,
        %swap3A_502 = arith.index_cast %add3A_494 : i32 to index
        %swap3A_503 = arith.constant 16 : index
        %swap3A_504 = tpu.vector_load %arg11[%swap3A_502, %swap3A_503] {strides = array<i32>} : memref<400x64xf32, #tpu.memory_space<vmem>>, vector<16xf32>,
        tpu.vector_store %arg11[%swap3A_502, %swap3A_503], %gather3A_501 {add = true, strides = array<i32>} : memref<400x64xf32, #tpu.memory_space<vmem>>, vector<16xf32>,
        %add3A_505 = arith.addi %gather3A_490, %add3A_102 : vector<16xi32>
        %gather3A_506 = tpu.vector_load_idx %arg14[%add3A_505] : memref<38400xf32, #tpu.memory_space<vmem>>[vector<16xi32>], vector<16xf32>,
        %swap3A_507 = arith.index_cast %add3A_494 : i32 to index
        %swap3A_508 = arith.constant 32 : index
        %swap3A_509 = tpu.vector_load %arg11[%swap3A_507, %swap3A_508] {strides = array<i32>} : memref<400x64xf32, #tpu.memory_space<vmem>>, vector<16xf32>,
        tpu.vector_store %arg11[%swap3A_507, %swap3A_508], %gather3A_506 {add = true, strides = array<i32>} : memref<400x64xf32, #tpu.memory_space<vmem>>, vector<16xf32>,
        %add3A_510 = arith.addi %gather3A_490, %add3A_105 : vector<16xi32>
        %gather3A_511 = tpu.vector_load_idx %arg14[%add3A_510] : memref<38400xf32, #tpu.memory_space<vmem>>[vector<16xi32>], vector<16xf32>,
        %swap3A_512 = arith.index_cast %add3A_494 : i32 to index
        %swap3A_513 = arith.constant 48 : index
        %swap3A_514 = tpu.vector_load %arg11[%swap3A_512, %swap3A_513] {strides = array<i32>} : memref<400x64xf32, #tpu.memory_space<vmem>>, vector<16xf32>,
        tpu.vector_store %arg11[%swap3A_512, %swap3A_513], %gather3A_511 {add = true, strides = array<i32>} : memref<400x64xf32, #tpu.memory_space<vmem>>, vector<16xf32>,
        %lt3A_515 = arith.constant 0 : i32
        %lt3A_516 = vector.broadcast %lt3A_515 : i32 to vector<16xi32>
        %lt3A_517 = arith.cmpi slt, %broadcast_in_dim3A_114, %lt3A_516 : vector<16xi32>
        %add3A_518 = arith.constant 16 : i32
        %add3A_519 = vector.broadcast %add3A_518 : i32 to vector<16xi32>
        %add3A_520 = arith.addi %broadcast_in_dim3A_114, %add3A_519 : vector<16xi32>
        %select_n3A_521 = arith.select %lt3A_517, %add3A_520, %broadcast_in_dim3A_114 : vector<16xi1>, vector<16xi32>
        %broadcast_in_dim3A_522 = vector.shape_cast %select_n3A_521 : vector<16xi32> to vector<16x1xi32>
        %gather3A_523 = vector.shape_cast %broadcast_in_dim3A_522 : vector<16x1xi32> to vector<16xi32>
        %gather3A_524 = tpu.dynamic_gather %add3A_381[%gather3A_523] in [0] : vector<16xi32>, vector<16xi32> -> vector<16xi32>
        %mul3A_525 = arith.constant 16 : i32
        %mul3A_526 = arith.muli %scan3A_363, %mul3A_525 : i32
        %add3A_527 = arith.constant 4 : i32
        %add3A_528 = arith.addi %mul3A_526, %add3A_527 : i32
        %add3A_529 = arith.addi %gather3A_524, %add3A_96 : vector<16xi32>
        %gather3A_530 = tpu.vector_load_idx %arg14[%add3A_529] : memref<38400xf32, #tpu.memory_space<vmem>>[vector<16xi32>], vector<16xf32>,
        %swap3A_531 = arith.index_cast %add3A_528 : i32 to index
        %swap3A_532 = arith.constant 0 : index
        %swap3A_533 = tpu.vector_load %arg11[%swap3A_531, %swap3A_532] {strides = array<i32>} : memref<400x64xf32, #tpu.memory_space<vmem>>, vector<16xf32>,
        tpu.vector_store %arg11[%swap3A_531, %swap3A_532], %gather3A_530 {add = true, strides = array<i32>} : memref<400x64xf32, #tpu.memory_space<vmem>>, vector<16xf32>,
        %add3A_534 = arith.addi %gather3A_524, %add3A_99 : vector<16xi32>
        %gather3A_535 = tpu.vector_load_idx %arg14[%add3A_534] : memref<38400xf32, #tpu.memory_space<vmem>>[vector<16xi32>], vector<16xf32>,
        %swap3A_536 = arith.index_cast %add3A_528 : i32 to index
        %swap3A_537 = arith.constant 16 : index
        %swap3A_538 = tpu.vector_load %arg11[%swap3A_536, %swap3A_537] {strides = array<i32>} : memref<400x64xf32, #tpu.memory_space<vmem>>, vector<16xf32>,
        tpu.vector_store %arg11[%swap3A_536, %swap3A_537], %gather3A_535 {add = true, strides = array<i32>} : memref<400x64xf32, #tpu.memory_space<vmem>>, vector<16xf32>,
        %add3A_539 = arith.addi %gather3A_524, %add3A_102 : vector<16xi32>
        %gather3A_540 = tpu.vector_load_idx %arg14[%add3A_539] : memref<38400xf32, #tpu.memory_space<vmem>>[vector<16xi32>], vector<16xf32>,
        %swap3A_541 = arith.index_cast %add3A_528 : i32 to index
        %swap3A_542 = arith.constant 32 : index
        %swap3A_543 = tpu.vector_load %arg11[%swap3A_541, %swap3A_542] {strides = array<i32>} : memref<400x64xf32, #tpu.memory_space<vmem>>, vector<16xf32>,
        tpu.vector_store %arg11[%swap3A_541, %swap3A_542], %gather3A_540 {add = true, strides = array<i32>} : memref<400x64xf32, #tpu.memory_space<vmem>>, vector<16xf32>,
        %add3A_544 = arith.addi %gather3A_524, %add3A_105 : vector<16xi32>
        %gather3A_545 = tpu.vector_load_idx %arg14[%add3A_544] : memref<38400xf32, #tpu.memory_space<vmem>>[vector<16xi32>], vector<16xf32>,
        %swap3A_546 = arith.index_cast %add3A_528 : i32 to index
        %swap3A_547 = arith.constant 48 : index
        %swap3A_548 = tpu.vector_load %arg11[%swap3A_546, %swap3A_547] {strides = array<i32>} : memref<400x64xf32, #tpu.memory_space<vmem>>, vector<16xf32>,
        tpu.vector_store %arg11[%swap3A_546, %swap3A_547], %gather3A_545 {add = true, strides = array<i32>} : memref<400x64xf32, #tpu.memory_space<vmem>>, vector<16xf32>,
        %lt3A_549 = arith.constant 0 : i32
        %lt3A_550 = vector.broadcast %lt3A_549 : i32 to vector<16xi32>
        %lt3A_551 = arith.cmpi slt, %broadcast_in_dim3A_116, %lt3A_550 : vector<16xi32>
        %add3A_552 = arith.constant 16 : i32
        %add3A_553 = vector.broadcast %add3A_552 : i32 to vector<16xi32>
        %add3A_554 = arith.addi %broadcast_in_dim3A_116, %add3A_553 : vector<16xi32>
        %select_n3A_555 = arith.select %lt3A_551, %add3A_554, %broadcast_in_dim3A_116 : vector<16xi1>, vector<16xi32>
        %broadcast_in_dim3A_556 = vector.shape_cast %select_n3A_555 : vector<16xi32> to vector<16x1xi32>
        %gather3A_557 = vector.shape_cast %broadcast_in_dim3A_556 : vector<16x1xi32> to vector<16xi32>
        %gather3A_558 = tpu.dynamic_gather %add3A_381[%gather3A_557] in [0] : vector<16xi32>, vector<16xi32> -> vector<16xi32>
        %mul3A_559 = arith.constant 16 : i32
        %mul3A_560 = arith.muli %scan3A_363, %mul3A_559 : i32
        %add3A_561 = arith.constant 5 : i32
        %add3A_562 = arith.addi %mul3A_560, %add3A_561 : i32
        %add3A_563 = arith.addi %gather3A_558, %add3A_96 : vector<16xi32>
        %gather3A_564 = tpu.vector_load_idx %arg14[%add3A_563] : memref<38400xf32, #tpu.memory_space<vmem>>[vector<16xi32>], vector<16xf32>,
        %swap3A_565 = arith.index_cast %add3A_562 : i32 to index
        %swap3A_566 = arith.constant 0 : index
        %swap3A_567 = tpu.vector_load %arg11[%swap3A_565, %swap3A_566] {strides = array<i32>} : memref<400x64xf32, #tpu.memory_space<vmem>>, vector<16xf32>,
        tpu.vector_store %arg11[%swap3A_565, %swap3A_566], %gather3A_564 {add = true, strides = array<i32>} : memref<400x64xf32, #tpu.memory_space<vmem>>, vector<16xf32>,
        %add3A_568 = arith.addi %gather3A_558, %add3A_99 : vector<16xi32>
        %gather3A_569 = tpu.vector_load_idx %arg14[%add3A_568] : memref<38400xf32, #tpu.memory_space<vmem>>[vector<16xi32>], vector<16xf32>,
        %swap3A_570 = arith.index_cast %add3A_562 : i32 to index
        %swap3A_571 = arith.constant 16 : index
        %swap3A_572 = tpu.vector_load %arg11[%swap3A_570, %swap3A_571] {strides = array<i32>} : memref<400x64xf32, #tpu.memory_space<vmem>>, vector<16xf32>,
        tpu.vector_store %arg11[%swap3A_570, %swap3A_571], %gather3A_569 {add = true, strides = array<i32>} : memref<400x64xf32, #tpu.memory_space<vmem>>, vector<16xf32>,
        %add3A_573 = arith.addi %gather3A_558, %add3A_102 : vector<16xi32>
        %gather3A_574 = tpu.vector_load_idx %arg14[%add3A_573] : memref<38400xf32, #tpu.memory_space<vmem>>[vector<16xi32>], vector<16xf32>,
        %swap3A_575 = arith.index_cast %add3A_562 : i32 to index
        %swap3A_576 = arith.constant 32 : index
        %swap3A_577 = tpu.vector_load %arg11[%swap3A_575, %swap3A_576] {strides = array<i32>} : memref<400x64xf32, #tpu.memory_space<vmem>>, vector<16xf32>,
        tpu.vector_store %arg11[%swap3A_575, %swap3A_576], %gather3A_574 {add = true, strides = array<i32>} : memref<400x64xf32, #tpu.memory_space<vmem>>, vector<16xf32>,
        %add3A_578 = arith.addi %gather3A_558, %add3A_105 : vector<16xi32>
        %gather3A_579 = tpu.vector_load_idx %arg14[%add3A_578] : memref<38400xf32, #tpu.memory_space<vmem>>[vector<16xi32>], vector<16xf32>,
        %swap3A_580 = arith.index_cast %add3A_562 : i32 to index
        %swap3A_581 = arith.constant 48 : index
        %swap3A_582 = tpu.vector_load %arg11[%swap3A_580, %swap3A_581] {strides = array<i32>} : memref<400x64xf32, #tpu.memory_space<vmem>>, vector<16xf32>,
        tpu.vector_store %arg11[%swap3A_580, %swap3A_581], %gather3A_579 {add = true, strides = array<i32>} : memref<400x64xf32, #tpu.memory_space<vmem>>, vector<16xf32>,
        %lt3A_583 = arith.constant 0 : i32
        %lt3A_584 = vector.broadcast %lt3A_583 : i32 to vector<16xi32>
        %lt3A_585 = arith.cmpi slt, %broadcast_in_dim3A_118, %lt3A_584 : vector<16xi32>
        %add3A_586 = arith.constant 16 : i32
        %add3A_587 = vector.broadcast %add3A_586 : i32 to vector<16xi32>
        %add3A_588 = arith.addi %broadcast_in_dim3A_118, %add3A_587 : vector<16xi32>
        %select_n3A_589 = arith.select %lt3A_585, %add3A_588, %broadcast_in_dim3A_118 : vector<16xi1>, vector<16xi32>
        %broadcast_in_dim3A_590 = vector.shape_cast %select_n3A_589 : vector<16xi32> to vector<16x1xi32>
        %gather3A_591 = vector.shape_cast %broadcast_in_dim3A_590 : vector<16x1xi32> to vector<16xi32>
        %gather3A_592 = tpu.dynamic_gather %add3A_381[%gather3A_591] in [0] : vector<16xi32>, vector<16xi32> -> vector<16xi32>
        %mul3A_593 = arith.constant 16 : i32
        %mul3A_594 = arith.muli %scan3A_363, %mul3A_593 : i32
        %add3A_595 = arith.constant 6 : i32
        %add3A_596 = arith.addi %mul3A_594, %add3A_595 : i32
        %add3A_597 = arith.addi %gather3A_592, %add3A_96 : vector<16xi32>
        %gather3A_598 = tpu.vector_load_idx %arg14[%add3A_597] : memref<38400xf32, #tpu.memory_space<vmem>>[vector<16xi32>], vector<16xf32>,
        %swap3A_599 = arith.index_cast %add3A_596 : i32 to index
        %swap3A_600 = arith.constant 0 : index
        %swap3A_601 = tpu.vector_load %arg11[%swap3A_599, %swap3A_600] {strides = array<i32>} : memref<400x64xf32, #tpu.memory_space<vmem>>, vector<16xf32>,
        tpu.vector_store %arg11[%swap3A_599, %swap3A_600], %gather3A_598 {add = true, strides = array<i32>} : memref<400x64xf32, #tpu.memory_space<vmem>>, vector<16xf32>,
        %add3A_602 = arith.addi %gather3A_592, %add3A_99 : vector<16xi32>
        %gather3A_603 = tpu.vector_load_idx %arg14[%add3A_602] : memref<38400xf32, #tpu.memory_space<vmem>>[vector<16xi32>], vector<16xf32>,
        %swap3A_604 = arith.index_cast %add3A_596 : i32 to index
        %swap3A_605 = arith.constant 16 : index
        %swap3A_606 = tpu.vector_load %arg11[%swap3A_604, %swap3A_605] {strides = array<i32>} : memref<400x64xf32, #tpu.memory_space<vmem>>, vector<16xf32>,
        tpu.vector_store %arg11[%swap3A_604, %swap3A_605], %gather3A_603 {add = true, strides = array<i32>} : memref<400x64xf32, #tpu.memory_space<vmem>>, vector<16xf32>,
        %add3A_607 = arith.addi %gather3A_592, %add3A_102 : vector<16xi32>
        %gather3A_608 = tpu.vector_load_idx %arg14[%add3A_607] : memref<38400xf32, #tpu.memory_space<vmem>>[vector<16xi32>], vector<16xf32>,
        %swap3A_609 = arith.index_cast %add3A_596 : i32 to index
        %swap3A_610 = arith.constant 32 : index
        %swap3A_611 = tpu.vector_load %arg11[%swap3A_609, %swap3A_610] {strides = array<i32>} : memref<400x64xf32, #tpu.memory_space<vmem>>, vector<16xf32>,
        tpu.vector_store %arg11[%swap3A_609, %swap3A_610], %gather3A_608 {add = true, strides = array<i32>} : memref<400x64xf32, #tpu.memory_space<vmem>>, vector<16xf32>,
        %add3A_612 = arith.addi %gather3A_592, %add3A_105 : vector<16xi32>
        %gather3A_613 = tpu.vector_load_idx %arg14[%add3A_612] : memref<38400xf32, #tpu.memory_space<vmem>>[vector<16xi32>], vector<16xf32>,
        %swap3A_614 = arith.index_cast %add3A_596 : i32 to index
        %swap3A_615 = arith.constant 48 : index
        %swap3A_616 = tpu.vector_load %arg11[%swap3A_614, %swap3A_615] {strides = array<i32>} : memref<400x64xf32, #tpu.memory_space<vmem>>, vector<16xf32>,
        tpu.vector_store %arg11[%swap3A_614, %swap3A_615], %gather3A_613 {add = true, strides = array<i32>} : memref<400x64xf32, #tpu.memory_space<vmem>>, vector<16xf32>,
        %lt3A_617 = arith.constant 0 : i32
        %lt3A_618 = vector.broadcast %lt3A_617 : i32 to vector<16xi32>
        %lt3A_619 = arith.cmpi slt, %broadcast_in_dim3A_120, %lt3A_618 : vector<16xi32>
        %add3A_620 = arith.constant 16 : i32
        %add3A_621 = vector.broadcast %add3A_620 : i32 to vector<16xi32>
        %add3A_622 = arith.addi %broadcast_in_dim3A_120, %add3A_621 : vector<16xi32>
        %select_n3A_623 = arith.select %lt3A_619, %add3A_622, %broadcast_in_dim3A_120 : vector<16xi1>, vector<16xi32>
        %broadcast_in_dim3A_624 = vector.shape_cast %select_n3A_623 : vector<16xi32> to vector<16x1xi32>
        %gather3A_625 = vector.shape_cast %broadcast_in_dim3A_624 : vector<16x1xi32> to vector<16xi32>
        %gather3A_626 = tpu.dynamic_gather %add3A_381[%gather3A_625] in [0] : vector<16xi32>, vector<16xi32> -> vector<16xi32>
        %mul3A_627 = arith.constant 16 : i32
        %mul3A_628 = arith.muli %scan3A_363, %mul3A_627 : i32
        %add3A_629 = arith.constant 7 : i32
        %add3A_630 = arith.addi %mul3A_628, %add3A_629 : i32
        %add3A_631 = arith.addi %gather3A_626, %add3A_96 : vector<16xi32>
        %gather3A_632 = tpu.vector_load_idx %arg14[%add3A_631] : memref<38400xf32, #tpu.memory_space<vmem>>[vector<16xi32>], vector<16xf32>,
        %swap3A_633 = arith.index_cast %add3A_630 : i32 to index
        %swap3A_634 = arith.constant 0 : index
        %swap3A_635 = tpu.vector_load %arg11[%swap3A_633, %swap3A_634] {strides = array<i32>} : memref<400x64xf32, #tpu.memory_space<vmem>>, vector<16xf32>,
        tpu.vector_store %arg11[%swap3A_633, %swap3A_634], %gather3A_632 {add = true, strides = array<i32>} : memref<400x64xf32, #tpu.memory_space<vmem>>, vector<16xf32>,
        %add3A_636 = arith.addi %gather3A_626, %add3A_99 : vector<16xi32>
        %gather3A_637 = tpu.vector_load_idx %arg14[%add3A_636] : memref<38400xf32, #tpu.memory_space<vmem>>[vector<16xi32>], vector<16xf32>,
        %swap3A_638 = arith.index_cast %add3A_630 : i32 to index
        %swap3A_639 = arith.constant 16 : index
        %swap3A_640 = tpu.vector_load %arg11[%swap3A_638, %swap3A_639] {strides = array<i32>} : memref<400x64xf32, #tpu.memory_space<vmem>>, vector<16xf32>,
        tpu.vector_store %arg11[%swap3A_638, %swap3A_639], %gather3A_637 {add = true, strides = array<i32>} : memref<400x64xf32, #tpu.memory_space<vmem>>, vector<16xf32>,
        %add3A_641 = arith.addi %gather3A_626, %add3A_102 : vector<16xi32>
        %gather3A_642 = tpu.vector_load_idx %arg14[%add3A_641] : memref<38400xf32, #tpu.memory_space<vmem>>[vector<16xi32>], vector<16xf32>,
        %swap3A_643 = arith.index_cast %add3A_630 : i32 to index
        %swap3A_644 = arith.constant 32 : index
        %swap3A_645 = tpu.vector_load %arg11[%swap3A_643, %swap3A_644] {strides = array<i32>} : memref<400x64xf32, #tpu.memory_space<vmem>>, vector<16xf32>,
        tpu.vector_store %arg11[%swap3A_643, %swap3A_644], %gather3A_642 {add = true, strides = array<i32>} : memref<400x64xf32, #tpu.memory_space<vmem>>, vector<16xf32>,
        %add3A_646 = arith.addi %gather3A_626, %add3A_105 : vector<16xi32>
        %gather3A_647 = tpu.vector_load_idx %arg14[%add3A_646] : memref<38400xf32, #tpu.memory_space<vmem>>[vector<16xi32>], vector<16xf32>,
        %swap3A_648 = arith.index_cast %add3A_630 : i32 to index
        %swap3A_649 = arith.constant 48 : index
        %swap3A_650 = tpu.vector_load %arg11[%swap3A_648, %swap3A_649] {strides = array<i32>} : memref<400x64xf32, #tpu.memory_space<vmem>>, vector<16xf32>,
        tpu.vector_store %arg11[%swap3A_648, %swap3A_649], %gather3A_647 {add = true, strides = array<i32>} : memref<400x64xf32, #tpu.memory_space<vmem>>, vector<16xf32>,
        %lt3A_651 = arith.constant 0 : i32
        %lt3A_652 = vector.broadcast %lt3A_651 : i32 to vector<16xi32>
        %lt3A_653 = arith.cmpi slt, %broadcast_in_dim3A_122, %lt3A_652 : vector<16xi32>
        %add3A_654 = arith.constant 16 : i32
        %add3A_655 = vector.broadcast %add3A_654 : i32 to vector<16xi32>
        %add3A_656 = arith.addi %broadcast_in_dim3A_122, %add3A_655 : vector<16xi32>
        %select_n3A_657 = arith.select %lt3A_653, %add3A_656, %broadcast_in_dim3A_122 : vector<16xi1>, vector<16xi32>
        %broadcast_in_dim3A_658 = vector.shape_cast %select_n3A_657 : vector<16xi32> to vector<16x1xi32>
        %gather3A_659 = vector.shape_cast %broadcast_in_dim3A_658 : vector<16x1xi32> to vector<16xi32>
        %gather3A_660 = tpu.dynamic_gather %add3A_381[%gather3A_659] in [0] : vector<16xi32>, vector<16xi32> -> vector<16xi32>
        %mul3A_661 = arith.constant 16 : i32
        %mul3A_662 = arith.muli %scan3A_363, %mul3A_661 : i32
        %add3A_663 = arith.constant 8 : i32
        %add3A_664 = arith.addi %mul3A_662, %add3A_663 : i32
        %add3A_665 = arith.addi %gather3A_660, %add3A_96 : vector<16xi32>
        %gather3A_666 = tpu.vector_load_idx %arg14[%add3A_665] : memref<38400xf32, #tpu.memory_space<vmem>>[vector<16xi32>], vector<16xf32>,
        %swap3A_667 = arith.index_cast %add3A_664 : i32 to index
        %swap3A_668 = arith.constant 0 : index
        %swap3A_669 = tpu.vector_load %arg11[%swap3A_667, %swap3A_668] {strides = array<i32>} : memref<400x64xf32, #tpu.memory_space<vmem>>, vector<16xf32>,
        tpu.vector_store %arg11[%swap3A_667, %swap3A_668], %gather3A_666 {add = true, strides = array<i32>} : memref<400x64xf32, #tpu.memory_space<vmem>>, vector<16xf32>,
        %add3A_670 = arith.addi %gather3A_660, %add3A_99 : vector<16xi32>
        %gather3A_671 = tpu.vector_load_idx %arg14[%add3A_670] : memref<38400xf32, #tpu.memory_space<vmem>>[vector<16xi32>], vector<16xf32>,
        %swap3A_672 = arith.index_cast %add3A_664 : i32 to index
        %swap3A_673 = arith.constant 16 : index
        %swap3A_674 = tpu.vector_load %arg11[%swap3A_672, %swap3A_673] {strides = array<i32>} : memref<400x64xf32, #tpu.memory_space<vmem>>, vector<16xf32>,
        tpu.vector_store %arg11[%swap3A_672, %swap3A_673], %gather3A_671 {add = true, strides = array<i32>} : memref<400x64xf32, #tpu.memory_space<vmem>>, vector<16xf32>,
        %add3A_675 = arith.addi %gather3A_660, %add3A_102 : vector<16xi32>
        %gather3A_676 = tpu.vector_load_idx %arg14[%add3A_675] : memref<38400xf32, #tpu.memory_space<vmem>>[vector<16xi32>], vector<16xf32>,
        %swap3A_677 = arith.index_cast %add3A_664 : i32 to index
        %swap3A_678 = arith.constant 32 : index
        %swap3A_679 = tpu.vector_load %arg11[%swap3A_677, %swap3A_678] {strides = array<i32>} : memref<400x64xf32, #tpu.memory_space<vmem>>, vector<16xf32>,
        tpu.vector_store %arg11[%swap3A_677, %swap3A_678], %gather3A_676 {add = true, strides = array<i32>} : memref<400x64xf32, #tpu.memory_space<vmem>>, vector<16xf32>,
        %add3A_680 = arith.addi %gather3A_660, %add3A_105 : vector<16xi32>
        %gather3A_681 = tpu.vector_load_idx %arg14[%add3A_680] : memref<38400xf32, #tpu.memory_space<vmem>>[vector<16xi32>], vector<16xf32>,
        %swap3A_682 = arith.index_cast %add3A_664 : i32 to index
        %swap3A_683 = arith.constant 48 : index
        %swap3A_684 = tpu.vector_load %arg11[%swap3A_682, %swap3A_683] {strides = array<i32>} : memref<400x64xf32, #tpu.memory_space<vmem>>, vector<16xf32>,
        tpu.vector_store %arg11[%swap3A_682, %swap3A_683], %gather3A_681 {add = true, strides = array<i32>} : memref<400x64xf32, #tpu.memory_space<vmem>>, vector<16xf32>,
        %lt3A_685 = arith.constant 0 : i32
        %lt3A_686 = vector.broadcast %lt3A_685 : i32 to vector<16xi32>
        %lt3A_687 = arith.cmpi slt, %broadcast_in_dim3A_124, %lt3A_686 : vector<16xi32>
        %add3A_688 = arith.constant 16 : i32
        %add3A_689 = vector.broadcast %add3A_688 : i32 to vector<16xi32>
        %add3A_690 = arith.addi %broadcast_in_dim3A_124, %add3A_689 : vector<16xi32>
        %select_n3A_691 = arith.select %lt3A_687, %add3A_690, %broadcast_in_dim3A_124 : vector<16xi1>, vector<16xi32>
        %broadcast_in_dim3A_692 = vector.shape_cast %select_n3A_691 : vector<16xi32> to vector<16x1xi32>
        %gather3A_693 = vector.shape_cast %broadcast_in_dim3A_692 : vector<16x1xi32> to vector<16xi32>
        %gather3A_694 = tpu.dynamic_gather %add3A_381[%gather3A_693] in [0] : vector<16xi32>, vector<16xi32> -> vector<16xi32>
        %mul3A_695 = arith.constant 16 : i32
        %mul3A_696 = arith.muli %scan3A_363, %mul3A_695 : i32
        %add3A_697 = arith.constant 9 : i32
        %add3A_698 = arith.addi %mul3A_696, %add3A_697 : i32
        %add3A_699 = arith.addi %gather3A_694, %add3A_96 : vector<16xi32>
        %gather3A_700 = tpu.vector_load_idx %arg14[%add3A_699] : memref<38400xf32, #tpu.memory_space<vmem>>[vector<16xi32>], vector<16xf32>,
        %swap3A_701 = arith.index_cast %add3A_698 : i32 to index
        %swap3A_702 = arith.constant 0 : index
        %swap3A_703 = tpu.vector_load %arg11[%swap3A_701, %swap3A_702] {strides = array<i32>} : memref<400x64xf32, #tpu.memory_space<vmem>>, vector<16xf32>,
        tpu.vector_store %arg11[%swap3A_701, %swap3A_702], %gather3A_700 {add = true, strides = array<i32>} : memref<400x64xf32, #tpu.memory_space<vmem>>, vector<16xf32>,
        %add3A_704 = arith.addi %gather3A_694, %add3A_99 : vector<16xi32>
        %gather3A_705 = tpu.vector_load_idx %arg14[%add3A_704] : memref<38400xf32, #tpu.memory_space<vmem>>[vector<16xi32>], vector<16xf32>,
        %swap3A_706 = arith.index_cast %add3A_698 : i32 to index
        %swap3A_707 = arith.constant 16 : index
        %swap3A_708 = tpu.vector_load %arg11[%swap3A_706, %swap3A_707] {strides = array<i32>} : memref<400x64xf32, #tpu.memory_space<vmem>>, vector<16xf32>,
        tpu.vector_store %arg11[%swap3A_706, %swap3A_707], %gather3A_705 {add = true, strides = array<i32>} : memref<400x64xf32, #tpu.memory_space<vmem>>, vector<16xf32>,
        %add3A_709 = arith.addi %gather3A_694, %add3A_102 : vector<16xi32>
        %gather3A_710 = tpu.vector_load_idx %arg14[%add3A_709] : memref<38400xf32, #tpu.memory_space<vmem>>[vector<16xi32>], vector<16xf32>,
        %swap3A_711 = arith.index_cast %add3A_698 : i32 to index
        %swap3A_712 = arith.constant 32 : index
        %swap3A_713 = tpu.vector_load %arg11[%swap3A_711, %swap3A_712] {strides = array<i32>} : memref<400x64xf32, #tpu.memory_space<vmem>>, vector<16xf32>,
        tpu.vector_store %arg11[%swap3A_711, %swap3A_712], %gather3A_710 {add = true, strides = array<i32>} : memref<400x64xf32, #tpu.memory_space<vmem>>, vector<16xf32>,
        %add3A_714 = arith.addi %gather3A_694, %add3A_105 : vector<16xi32>
        %gather3A_715 = tpu.vector_load_idx %arg14[%add3A_714] : memref<38400xf32, #tpu.memory_space<vmem>>[vector<16xi32>], vector<16xf32>,
        %swap3A_716 = arith.index_cast %add3A_698 : i32 to index
        %swap3A_717 = arith.constant 48 : index
        %swap3A_718 = tpu.vector_load %arg11[%swap3A_716, %swap3A_717] {strides = array<i32>} : memref<400x64xf32, #tpu.memory_space<vmem>>, vector<16xf32>,
        tpu.vector_store %arg11[%swap3A_716, %swap3A_717], %gather3A_715 {add = true, strides = array<i32>} : memref<400x64xf32, #tpu.memory_space<vmem>>, vector<16xf32>,
        %lt3A_719 = arith.constant 0 : i32
        %lt3A_720 = vector.broadcast %lt3A_719 : i32 to vector<16xi32>
        %lt3A_721 = arith.cmpi slt, %broadcast_in_dim3A_126, %lt3A_720 : vector<16xi32>
        %add3A_722 = arith.constant 16 : i32
        %add3A_723 = vector.broadcast %add3A_722 : i32 to vector<16xi32>
        %add3A_724 = arith.addi %broadcast_in_dim3A_126, %add3A_723 : vector<16xi32>
        %select_n3A_725 = arith.select %lt3A_721, %add3A_724, %broadcast_in_dim3A_126 : vector<16xi1>, vector<16xi32>
        %broadcast_in_dim3A_726 = vector.shape_cast %select_n3A_725 : vector<16xi32> to vector<16x1xi32>
        %gather3A_727 = vector.shape_cast %broadcast_in_dim3A_726 : vector<16x1xi32> to vector<16xi32>
        %gather3A_728 = tpu.dynamic_gather %add3A_381[%gather3A_727] in [0] : vector<16xi32>, vector<16xi32> -> vector<16xi32>
        %mul3A_729 = arith.constant 16 : i32
        %mul3A_730 = arith.muli %scan3A_363, %mul3A_729 : i32
        %add3A_731 = arith.constant 10 : i32
        %add3A_732 = arith.addi %mul3A_730, %add3A_731 : i32
        %add3A_733 = arith.addi %gather3A_728, %add3A_96 : vector<16xi32>
        %gather3A_734 = tpu.vector_load_idx %arg14[%add3A_733] : memref<38400xf32, #tpu.memory_space<vmem>>[vector<16xi32>], vector<16xf32>,
        %swap3A_735 = arith.index_cast %add3A_732 : i32 to index
        %swap3A_736 = arith.constant 0 : index
        %swap3A_737 = tpu.vector_load %arg11[%swap3A_735, %swap3A_736] {strides = array<i32>} : memref<400x64xf32, #tpu.memory_space<vmem>>, vector<16xf32>,
        tpu.vector_store %arg11[%swap3A_735, %swap3A_736], %gather3A_734 {add = true, strides = array<i32>} : memref<400x64xf32, #tpu.memory_space<vmem>>, vector<16xf32>,
        %add3A_738 = arith.addi %gather3A_728, %add3A_99 : vector<16xi32>
        %gather3A_739 = tpu.vector_load_idx %arg14[%add3A_738] : memref<38400xf32, #tpu.memory_space<vmem>>[vector<16xi32>], vector<16xf32>,
        %swap3A_740 = arith.index_cast %add3A_732 : i32 to index
        %swap3A_741 = arith.constant 16 : index
        %swap3A_742 = tpu.vector_load %arg11[%swap3A_740, %swap3A_741] {strides = array<i32>} : memref<400x64xf32, #tpu.memory_space<vmem>>, vector<16xf32>,
        tpu.vector_store %arg11[%swap3A_740, %swap3A_741], %gather3A_739 {add = true, strides = array<i32>} : memref<400x64xf32, #tpu.memory_space<vmem>>, vector<16xf32>,
        %add3A_743 = arith.addi %gather3A_728, %add3A_102 : vector<16xi32>
        %gather3A_744 = tpu.vector_load_idx %arg14[%add3A_743] : memref<38400xf32, #tpu.memory_space<vmem>>[vector<16xi32>], vector<16xf32>,
        %swap3A_745 = arith.index_cast %add3A_732 : i32 to index
        %swap3A_746 = arith.constant 32 : index
        %swap3A_747 = tpu.vector_load %arg11[%swap3A_745, %swap3A_746] {strides = array<i32>} : memref<400x64xf32, #tpu.memory_space<vmem>>, vector<16xf32>,
        tpu.vector_store %arg11[%swap3A_745, %swap3A_746], %gather3A_744 {add = true, strides = array<i32>} : memref<400x64xf32, #tpu.memory_space<vmem>>, vector<16xf32>,
        %add3A_748 = arith.addi %gather3A_728, %add3A_105 : vector<16xi32>
        %gather3A_749 = tpu.vector_load_idx %arg14[%add3A_748] : memref<38400xf32, #tpu.memory_space<vmem>>[vector<16xi32>], vector<16xf32>,
        %swap3A_750 = arith.index_cast %add3A_732 : i32 to index
        %swap3A_751 = arith.constant 48 : index
        %swap3A_752 = tpu.vector_load %arg11[%swap3A_750, %swap3A_751] {strides = array<i32>} : memref<400x64xf32, #tpu.memory_space<vmem>>, vector<16xf32>,
        tpu.vector_store %arg11[%swap3A_750, %swap3A_751], %gather3A_749 {add = true, strides = array<i32>} : memref<400x64xf32, #tpu.memory_space<vmem>>, vector<16xf32>,
        %lt3A_753 = arith.constant 0 : i32
        %lt3A_754 = vector.broadcast %lt3A_753 : i32 to vector<16xi32>
        %lt3A_755 = arith.cmpi slt, %broadcast_in_dim3A_128, %lt3A_754 : vector<16xi32>
        %add3A_756 = arith.constant 16 : i32
        %add3A_757 = vector.broadcast %add3A_756 : i32 to vector<16xi32>
        %add3A_758 = arith.addi %broadcast_in_dim3A_128, %add3A_757 : vector<16xi32>
        %select_n3A_759 = arith.select %lt3A_755, %add3A_758, %broadcast_in_dim3A_128 : vector<16xi1>, vector<16xi32>
        %broadcast_in_dim3A_760 = vector.shape_cast %select_n3A_759 : vector<16xi32> to vector<16x1xi32>
        %gather3A_761 = vector.shape_cast %broadcast_in_dim3A_760 : vector<16x1xi32> to vector<16xi32>
        %gather3A_762 = tpu.dynamic_gather %add3A_381[%gather3A_761] in [0] : vector<16xi32>, vector<16xi32> -> vector<16xi32>
        %mul3A_763 = arith.constant 16 : i32
        %mul3A_764 = arith.muli %scan3A_363, %mul3A_763 : i32
        %add3A_765 = arith.constant 11 : i32
        %add3A_766 = arith.addi %mul3A_764, %add3A_765 : i32
        %add3A_767 = arith.addi %gather3A_762, %add3A_96 : vector<16xi32>
        %gather3A_768 = tpu.vector_load_idx %arg14[%add3A_767] : memref<38400xf32, #tpu.memory_space<vmem>>[vector<16xi32>], vector<16xf32>,
        %swap3A_769 = arith.index_cast %add3A_766 : i32 to index
        %swap3A_770 = arith.constant 0 : index
        %swap3A_771 = tpu.vector_load %arg11[%swap3A_769, %swap3A_770] {strides = array<i32>} : memref<400x64xf32, #tpu.memory_space<vmem>>, vector<16xf32>,
        tpu.vector_store %arg11[%swap3A_769, %swap3A_770], %gather3A_768 {add = true, strides = array<i32>} : memref<400x64xf32, #tpu.memory_space<vmem>>, vector<16xf32>,
        %add3A_772 = arith.addi %gather3A_762, %add3A_99 : vector<16xi32>
        %gather3A_773 = tpu.vector_load_idx %arg14[%add3A_772] : memref<38400xf32, #tpu.memory_space<vmem>>[vector<16xi32>], vector<16xf32>,
        %swap3A_774 = arith.index_cast %add3A_766 : i32 to index
        %swap3A_775 = arith.constant 16 : index
        %swap3A_776 = tpu.vector_load %arg11[%swap3A_774, %swap3A_775] {strides = array<i32>} : memref<400x64xf32, #tpu.memory_space<vmem>>, vector<16xf32>,
        tpu.vector_store %arg11[%swap3A_774, %swap3A_775], %gather3A_773 {add = true, strides = array<i32>} : memref<400x64xf32, #tpu.memory_space<vmem>>, vector<16xf32>,
        %add3A_777 = arith.addi %gather3A_762, %add3A_102 : vector<16xi32>
        %gather3A_778 = tpu.vector_load_idx %arg14[%add3A_777] : memref<38400xf32, #tpu.memory_space<vmem>>[vector<16xi32>], vector<16xf32>,
        %swap3A_779 = arith.index_cast %add3A_766 : i32 to index
        %swap3A_780 = arith.constant 32 : index
        %swap3A_781 = tpu.vector_load %arg11[%swap3A_779, %swap3A_780] {strides = array<i32>} : memref<400x64xf32, #tpu.memory_space<vmem>>, vector<16xf32>,
        tpu.vector_store %arg11[%swap3A_779, %swap3A_780], %gather3A_778 {add = true, strides = array<i32>} : memref<400x64xf32, #tpu.memory_space<vmem>>, vector<16xf32>,
        %add3A_782 = arith.addi %gather3A_762, %add3A_105 : vector<16xi32>
        %gather3A_783 = tpu.vector_load_idx %arg14[%add3A_782] : memref<38400xf32, #tpu.memory_space<vmem>>[vector<16xi32>], vector<16xf32>,
        %swap3A_784 = arith.index_cast %add3A_766 : i32 to index
        %swap3A_785 = arith.constant 48 : index
        %swap3A_786 = tpu.vector_load %arg11[%swap3A_784, %swap3A_785] {strides = array<i32>} : memref<400x64xf32, #tpu.memory_space<vmem>>, vector<16xf32>,
        tpu.vector_store %arg11[%swap3A_784, %swap3A_785], %gather3A_783 {add = true, strides = array<i32>} : memref<400x64xf32, #tpu.memory_space<vmem>>, vector<16xf32>,
        %lt3A_787 = arith.constant 0 : i32
        %lt3A_788 = vector.broadcast %lt3A_787 : i32 to vector<16xi32>
        %lt3A_789 = arith.cmpi slt, %broadcast_in_dim3A_130, %lt3A_788 : vector<16xi32>
        %add3A_790 = arith.constant 16 : i32
        %add3A_791 = vector.broadcast %add3A_790 : i32 to vector<16xi32>
        %add3A_792 = arith.addi %broadcast_in_dim3A_130, %add3A_791 : vector<16xi32>
        %select_n3A_793 = arith.select %lt3A_789, %add3A_792, %broadcast_in_dim3A_130 : vector<16xi1>, vector<16xi32>
        %broadcast_in_dim3A_794 = vector.shape_cast %select_n3A_793 : vector<16xi32> to vector<16x1xi32>
        %gather3A_795 = vector.shape_cast %broadcast_in_dim3A_794 : vector<16x1xi32> to vector<16xi32>
        %gather3A_796 = tpu.dynamic_gather %add3A_381[%gather3A_795] in [0] : vector<16xi32>, vector<16xi32> -> vector<16xi32>
        %mul3A_797 = arith.constant 16 : i32
        %mul3A_798 = arith.muli %scan3A_363, %mul3A_797 : i32
        %add3A_799 = arith.constant 12 : i32
        %add3A_800 = arith.addi %mul3A_798, %add3A_799 : i32
        %add3A_801 = arith.addi %gather3A_796, %add3A_96 : vector<16xi32>
        %gather3A_802 = tpu.vector_load_idx %arg14[%add3A_801] : memref<38400xf32, #tpu.memory_space<vmem>>[vector<16xi32>], vector<16xf32>,
        %swap3A_803 = arith.index_cast %add3A_800 : i32 to index
        %swap3A_804 = arith.constant 0 : index
        %swap3A_805 = tpu.vector_load %arg11[%swap3A_803, %swap3A_804] {strides = array<i32>} : memref<400x64xf32, #tpu.memory_space<vmem>>, vector<16xf32>,
        tpu.vector_store %arg11[%swap3A_803, %swap3A_804], %gather3A_802 {add = true, strides = array<i32>} : memref<400x64xf32, #tpu.memory_space<vmem>>, vector<16xf32>,
        %add3A_806 = arith.addi %gather3A_796, %add3A_99 : vector<16xi32>
        %gather3A_807 = tpu.vector_load_idx %arg14[%add3A_806] : memref<38400xf32, #tpu.memory_space<vmem>>[vector<16xi32>], vector<16xf32>,
        %swap3A_808 = arith.index_cast %add3A_800 : i32 to index
        %swap3A_809 = arith.constant 16 : index
        %swap3A_810 = tpu.vector_load %arg11[%swap3A_808, %swap3A_809] {strides = array<i32>} : memref<400x64xf32, #tpu.memory_space<vmem>>, vector<16xf32>,
        tpu.vector_store %arg11[%swap3A_808, %swap3A_809], %gather3A_807 {add = true, strides = array<i32>} : memref<400x64xf32, #tpu.memory_space<vmem>>, vector<16xf32>,
        %add3A_811 = arith.addi %gather3A_796, %add3A_102 : vector<16xi32>
        %gather3A_812 = tpu.vector_load_idx %arg14[%add3A_811] : memref<38400xf32, #tpu.memory_space<vmem>>[vector<16xi32>], vector<16xf32>,
        %swap3A_813 = arith.index_cast %add3A_800 : i32 to index
        %swap3A_814 = arith.constant 32 : index
        %swap3A_815 = tpu.vector_load %arg11[%swap3A_813, %swap3A_814] {strides = array<i32>} : memref<400x64xf32, #tpu.memory_space<vmem>>, vector<16xf32>,
        tpu.vector_store %arg11[%swap3A_813, %swap3A_814], %gather3A_812 {add = true, strides = array<i32>} : memref<400x64xf32, #tpu.memory_space<vmem>>, vector<16xf32>,
        %add3A_816 = arith.addi %gather3A_796, %add3A_105 : vector<16xi32>
        %gather3A_817 = tpu.vector_load_idx %arg14[%add3A_816] : memref<38400xf32, #tpu.memory_space<vmem>>[vector<16xi32>], vector<16xf32>,
        %swap3A_818 = arith.index_cast %add3A_800 : i32 to index
        %swap3A_819 = arith.constant 48 : index
        %swap3A_820 = tpu.vector_load %arg11[%swap3A_818, %swap3A_819] {strides = array<i32>} : memref<400x64xf32, #tpu.memory_space<vmem>>, vector<16xf32>,
        tpu.vector_store %arg11[%swap3A_818, %swap3A_819], %gather3A_817 {add = true, strides = array<i32>} : memref<400x64xf32, #tpu.memory_space<vmem>>, vector<16xf32>,
        %lt3A_821 = arith.constant 0 : i32
        %lt3A_822 = vector.broadcast %lt3A_821 : i32 to vector<16xi32>
        %lt3A_823 = arith.cmpi slt, %broadcast_in_dim3A_132, %lt3A_822 : vector<16xi32>
        %add3A_824 = arith.constant 16 : i32
        %add3A_825 = vector.broadcast %add3A_824 : i32 to vector<16xi32>
        %add3A_826 = arith.addi %broadcast_in_dim3A_132, %add3A_825 : vector<16xi32>
        %select_n3A_827 = arith.select %lt3A_823, %add3A_826, %broadcast_in_dim3A_132 : vector<16xi1>, vector<16xi32>
        %broadcast_in_dim3A_828 = vector.shape_cast %select_n3A_827 : vector<16xi32> to vector<16x1xi32>
        %gather3A_829 = vector.shape_cast %broadcast_in_dim3A_828 : vector<16x1xi32> to vector<16xi32>
        %gather3A_830 = tpu.dynamic_gather %add3A_381[%gather3A_829] in [0] : vector<16xi32>, vector<16xi32> -> vector<16xi32>
        %mul3A_831 = arith.constant 16 : i32
        %mul3A_832 = arith.muli %scan3A_363, %mul3A_831 : i32
        %add3A_833 = arith.constant 13 : i32
        %add3A_834 = arith.addi %mul3A_832, %add3A_833 : i32
        %add3A_835 = arith.addi %gather3A_830, %add3A_96 : vector<16xi32>
        %gather3A_836 = tpu.vector_load_idx %arg14[%add3A_835] : memref<38400xf32, #tpu.memory_space<vmem>>[vector<16xi32>], vector<16xf32>,
        %swap3A_837 = arith.index_cast %add3A_834 : i32 to index
        %swap3A_838 = arith.constant 0 : index
        %swap3A_839 = tpu.vector_load %arg11[%swap3A_837, %swap3A_838] {strides = array<i32>} : memref<400x64xf32, #tpu.memory_space<vmem>>, vector<16xf32>,
        tpu.vector_store %arg11[%swap3A_837, %swap3A_838], %gather3A_836 {add = true, strides = array<i32>} : memref<400x64xf32, #tpu.memory_space<vmem>>, vector<16xf32>,
        %add3A_840 = arith.addi %gather3A_830, %add3A_99 : vector<16xi32>
        %gather3A_841 = tpu.vector_load_idx %arg14[%add3A_840] : memref<38400xf32, #tpu.memory_space<vmem>>[vector<16xi32>], vector<16xf32>,
        %swap3A_842 = arith.index_cast %add3A_834 : i32 to index
        %swap3A_843 = arith.constant 16 : index
        %swap3A_844 = tpu.vector_load %arg11[%swap3A_842, %swap3A_843] {strides = array<i32>} : memref<400x64xf32, #tpu.memory_space<vmem>>, vector<16xf32>,
        tpu.vector_store %arg11[%swap3A_842, %swap3A_843], %gather3A_841 {add = true, strides = array<i32>} : memref<400x64xf32, #tpu.memory_space<vmem>>, vector<16xf32>,
        %add3A_845 = arith.addi %gather3A_830, %add3A_102 : vector<16xi32>
        %gather3A_846 = tpu.vector_load_idx %arg14[%add3A_845] : memref<38400xf32, #tpu.memory_space<vmem>>[vector<16xi32>], vector<16xf32>,
        %swap3A_847 = arith.index_cast %add3A_834 : i32 to index
        %swap3A_848 = arith.constant 32 : index
        %swap3A_849 = tpu.vector_load %arg11[%swap3A_847, %swap3A_848] {strides = array<i32>} : memref<400x64xf32, #tpu.memory_space<vmem>>, vector<16xf32>,
        tpu.vector_store %arg11[%swap3A_847, %swap3A_848], %gather3A_846 {add = true, strides = array<i32>} : memref<400x64xf32, #tpu.memory_space<vmem>>, vector<16xf32>,
        %add3A_850 = arith.addi %gather3A_830, %add3A_105 : vector<16xi32>
        %gather3A_851 = tpu.vector_load_idx %arg14[%add3A_850] : memref<38400xf32, #tpu.memory_space<vmem>>[vector<16xi32>], vector<16xf32>,
        %swap3A_852 = arith.index_cast %add3A_834 : i32 to index
        %swap3A_853 = arith.constant 48 : index
        %swap3A_854 = tpu.vector_load %arg11[%swap3A_852, %swap3A_853] {strides = array<i32>} : memref<400x64xf32, #tpu.memory_space<vmem>>, vector<16xf32>,
        tpu.vector_store %arg11[%swap3A_852, %swap3A_853], %gather3A_851 {add = true, strides = array<i32>} : memref<400x64xf32, #tpu.memory_space<vmem>>, vector<16xf32>,
        %lt3A_855 = arith.constant 0 : i32
        %lt3A_856 = vector.broadcast %lt3A_855 : i32 to vector<16xi32>
        %lt3A_857 = arith.cmpi slt, %broadcast_in_dim3A_134, %lt3A_856 : vector<16xi32>
        %add3A_858 = arith.constant 16 : i32
        %add3A_859 = vector.broadcast %add3A_858 : i32 to vector<16xi32>
        %add3A_860 = arith.addi %broadcast_in_dim3A_134, %add3A_859 : vector<16xi32>
        %select_n3A_861 = arith.select %lt3A_857, %add3A_860, %broadcast_in_dim3A_134 : vector<16xi1>, vector<16xi32>
        %broadcast_in_dim3A_862 = vector.shape_cast %select_n3A_861 : vector<16xi32> to vector<16x1xi32>
        %gather3A_863 = vector.shape_cast %broadcast_in_dim3A_862 : vector<16x1xi32> to vector<16xi32>
        %gather3A_864 = tpu.dynamic_gather %add3A_381[%gather3A_863] in [0] : vector<16xi32>, vector<16xi32> -> vector<16xi32>
        %mul3A_865 = arith.constant 16 : i32
        %mul3A_866 = arith.muli %scan3A_363, %mul3A_865 : i32
        %add3A_867 = arith.constant 14 : i32
        %add3A_868 = arith.addi %mul3A_866, %add3A_867 : i32
        %add3A_869 = arith.addi %gather3A_864, %add3A_96 : vector<16xi32>
        %gather3A_870 = tpu.vector_load_idx %arg14[%add3A_869] : memref<38400xf32, #tpu.memory_space<vmem>>[vector<16xi32>], vector<16xf32>,
        %swap3A_871 = arith.index_cast %add3A_868 : i32 to index
        %swap3A_872 = arith.constant 0 : index
        %swap3A_873 = tpu.vector_load %arg11[%swap3A_871, %swap3A_872] {strides = array<i32>} : memref<400x64xf32, #tpu.memory_space<vmem>>, vector<16xf32>,
        tpu.vector_store %arg11[%swap3A_871, %swap3A_872], %gather3A_870 {add = true, strides = array<i32>} : memref<400x64xf32, #tpu.memory_space<vmem>>, vector<16xf32>,
        %add3A_874 = arith.addi %gather3A_864, %add3A_99 : vector<16xi32>
        %gather3A_875 = tpu.vector_load_idx %arg14[%add3A_874] : memref<38400xf32, #tpu.memory_space<vmem>>[vector<16xi32>], vector<16xf32>,
        %swap3A_876 = arith.index_cast %add3A_868 : i32 to index
        %swap3A_877 = arith.constant 16 : index
        %swap3A_878 = tpu.vector_load %arg11[%swap3A_876, %swap3A_877] {strides = array<i32>} : memref<400x64xf32, #tpu.memory_space<vmem>>, vector<16xf32>,
        tpu.vector_store %arg11[%swap3A_876, %swap3A_877], %gather3A_875 {add = true, strides = array<i32>} : memref<400x64xf32, #tpu.memory_space<vmem>>, vector<16xf32>,
        %add3A_879 = arith.addi %gather3A_864, %add3A_102 : vector<16xi32>
        %gather3A_880 = tpu.vector_load_idx %arg14[%add3A_879] : memref<38400xf32, #tpu.memory_space<vmem>>[vector<16xi32>], vector<16xf32>,
        %swap3A_881 = arith.index_cast %add3A_868 : i32 to index
        %swap3A_882 = arith.constant 32 : index
        %swap3A_883 = tpu.vector_load %arg11[%swap3A_881, %swap3A_882] {strides = array<i32>} : memref<400x64xf32, #tpu.memory_space<vmem>>, vector<16xf32>,
        tpu.vector_store %arg11[%swap3A_881, %swap3A_882], %gather3A_880 {add = true, strides = array<i32>} : memref<400x64xf32, #tpu.memory_space<vmem>>, vector<16xf32>,
        %add3A_884 = arith.addi %gather3A_864, %add3A_105 : vector<16xi32>
        %gather3A_885 = tpu.vector_load_idx %arg14[%add3A_884] : memref<38400xf32, #tpu.memory_space<vmem>>[vector<16xi32>], vector<16xf32>,
        %swap3A_886 = arith.index_cast %add3A_868 : i32 to index
        %swap3A_887 = arith.constant 48 : index
        %swap3A_888 = tpu.vector_load %arg11[%swap3A_886, %swap3A_887] {strides = array<i32>} : memref<400x64xf32, #tpu.memory_space<vmem>>, vector<16xf32>,
        tpu.vector_store %arg11[%swap3A_886, %swap3A_887], %gather3A_885 {add = true, strides = array<i32>} : memref<400x64xf32, #tpu.memory_space<vmem>>, vector<16xf32>,
        %lt3A_889 = arith.constant 0 : i32
        %lt3A_890 = vector.broadcast %lt3A_889 : i32 to vector<16xi32>
        %lt3A_891 = arith.cmpi slt, %broadcast_in_dim3A_136, %lt3A_890 : vector<16xi32>
        %add3A_892 = arith.constant 16 : i32
        %add3A_893 = vector.broadcast %add3A_892 : i32 to vector<16xi32>
        %add3A_894 = arith.addi %broadcast_in_dim3A_136, %add3A_893 : vector<16xi32>
        %select_n3A_895 = arith.select %lt3A_891, %add3A_894, %broadcast_in_dim3A_136 : vector<16xi1>, vector<16xi32>
        %broadcast_in_dim3A_896 = vector.shape_cast %select_n3A_895 : vector<16xi32> to vector<16x1xi32>
        %gather3A_897 = vector.shape_cast %broadcast_in_dim3A_896 : vector<16x1xi32> to vector<16xi32>
        %gather3A_898 = tpu.dynamic_gather %add3A_381[%gather3A_897] in [0] : vector<16xi32>, vector<16xi32> -> vector<16xi32>
        %mul3A_899 = arith.constant 16 : i32
        %mul3A_900 = arith.muli %scan3A_363, %mul3A_899 : i32
        %add3A_901 = arith.constant 15 : i32
        %add3A_902 = arith.addi %mul3A_900, %add3A_901 : i32
        %add3A_903 = arith.addi %gather3A_898, %add3A_96 : vector<16xi32>
        %gather3A_904 = tpu.vector_load_idx %arg14[%add3A_903] : memref<38400xf32, #tpu.memory_space<vmem>>[vector<16xi32>], vector<16xf32>,
        %swap3A_905 = arith.index_cast %add3A_902 : i32 to index
        %swap3A_906 = arith.constant 0 : index
        %swap3A_907 = tpu.vector_load %arg11[%swap3A_905, %swap3A_906] {strides = array<i32>} : memref<400x64xf32, #tpu.memory_space<vmem>>, vector<16xf32>,
        tpu.vector_store %arg11[%swap3A_905, %swap3A_906], %gather3A_904 {add = true, strides = array<i32>} : memref<400x64xf32, #tpu.memory_space<vmem>>, vector<16xf32>,
        %add3A_908 = arith.addi %gather3A_898, %add3A_99 : vector<16xi32>
        %gather3A_909 = tpu.vector_load_idx %arg14[%add3A_908] : memref<38400xf32, #tpu.memory_space<vmem>>[vector<16xi32>], vector<16xf32>,
        %swap3A_910 = arith.index_cast %add3A_902 : i32 to index
        %swap3A_911 = arith.constant 16 : index
        %swap3A_912 = tpu.vector_load %arg11[%swap3A_910, %swap3A_911] {strides = array<i32>} : memref<400x64xf32, #tpu.memory_space<vmem>>, vector<16xf32>,
        tpu.vector_store %arg11[%swap3A_910, %swap3A_911], %gather3A_909 {add = true, strides = array<i32>} : memref<400x64xf32, #tpu.memory_space<vmem>>, vector<16xf32>,
        %add3A_913 = arith.addi %gather3A_898, %add3A_102 : vector<16xi32>
        %gather3A_914 = tpu.vector_load_idx %arg14[%add3A_913] : memref<38400xf32, #tpu.memory_space<vmem>>[vector<16xi32>], vector<16xf32>,
        %swap3A_915 = arith.index_cast %add3A_902 : i32 to index
        %swap3A_916 = arith.constant 32 : index
        %swap3A_917 = tpu.vector_load %arg11[%swap3A_915, %swap3A_916] {strides = array<i32>} : memref<400x64xf32, #tpu.memory_space<vmem>>, vector<16xf32>,
        tpu.vector_store %arg11[%swap3A_915, %swap3A_916], %gather3A_914 {add = true, strides = array<i32>} : memref<400x64xf32, #tpu.memory_space<vmem>>, vector<16xf32>,
        %add3A_918 = arith.addi %gather3A_898, %add3A_105 : vector<16xi32>
        %gather3A_919 = tpu.vector_load_idx %arg14[%add3A_918] : memref<38400xf32, #tpu.memory_space<vmem>>[vector<16xi32>], vector<16xf32>,
        %swap3A_920 = arith.index_cast %add3A_902 : i32 to index
        %swap3A_921 = arith.constant 48 : index
        %swap3A_922 = tpu.vector_load %arg11[%swap3A_920, %swap3A_921] {strides = array<i32>} : memref<400x64xf32, #tpu.memory_space<vmem>>, vector<16xf32>,
        tpu.vector_store %arg11[%swap3A_920, %swap3A_921], %gather3A_919 {add = true, strides = array<i32>} : memref<400x64xf32, #tpu.memory_space<vmem>>, vector<16xf32>,
      }
      %scan3A_355 = arith.constant 25 : i32
      %mul3A_356 = arith.constant 400 : i32
      %mul3A_357 = arith.muli %add3A_281, %mul3A_356 : i32
      %add3A_358 = arith.addi %mul3A_2, %mul3A_357 : i32
      %dma_start3A_359 = arith.constant 0 : i32
      %dma_start3A_360 = tpu.memref_slice %arg7[%add3A_358, %dma_start3A_359] : memref<204800x64xf32, #tpu.memory_space<hbm>> -> memref<400x64xf32, #tpu.memory_space<hbm>>
      %dma_start3A_361 = arith.constant 0 : i32
      %dma_start3A_362 = tpu.memref_slice %arg7[%add3A_358, %dma_start3A_361] : memref<204800x64xf32, #tpu.memory_space<hbm>> -> memref<400x64xf32, #tpu.memory_space<hbm>>
      tpu.enqueue_dma source(%arg11 : memref<400x64xf32, #tpu.memory_space<vmem>>) target(%dma_start3A_362 : memref<400x64xf32, #tpu.memory_space<hbm>>) target_semaphore(%arg16 : memref<!tpu.dma_semaphore, #tpu.memory_space<semaphore_mem>>)
    }
    %scan3A_142 = arith.constant 8 : i32
    %add3A_143 = arith.constant 6000 : i32
    %add3A_144 = arith.addi %mul3A_2, %add3A_143 : i32
    %dma_wait3A = arith.constant 0 : i32
    %dma_wait3A_145 = tpu.memref_slice %arg7[%add3A_144, %dma_wait3A] : memref<204800x64xf32, #tpu.memory_space<hbm>> -> memref<400x64xf32, #tpu.memory_space<hbm>>
    %dma_wait3A_146 = arith.constant 0 : i32
    %dma_wait3A_147 = tpu.memref_slice %arg7[%add3A_144, %dma_wait3A_146] : memref<204800x64xf32, #tpu.memory_space<hbm>> -> memref<400x64xf32, #tpu.memory_space<hbm>>
    tpu.wait_dma2 semaphore(%arg16 : memref<!tpu.dma_semaphore, #tpu.memory_space<semaphore_mem>>) src(%arg11 : memref<400x64xf32, #tpu.memory_space<vmem>>) dst(%dma_wait3A_147 : memref<400x64xf32, #tpu.memory_space<hbm>>)
    return
  }
}

</mosaic_0001>

<sc_bundles>
// kernel: kernel.3.cloned.1.call-start
scs
__scs_entry_jumppad:
0x0: {  	(pc) =	sbr.rel $0x88, $3  }
0x1: {  	(tag) =	ssettag $0x0;
	lr =	simm.s32 $0x1  }
0x2: {  	[smem:$0x3F9C] =	sst lr;
	_ =	strace $0xD0000000  }
0x3: {  	_ = 	snop  }
0x4: {  	_ = 	snop  }
0x5: {  	_ = 	snop  }
0x6: {  	_ = 	snop  }
0x7: {  	_ = 	snop  }
__scs_overlays_trampoline_lowered:
0x8: {  	[smem:$0x3FAB] =	sst s0  }
0x9: {  	[smem:$0x3FAC] =	sst s1  }
0xa: {  	[smem:$0x3FAD] =	sst s2  }
0xb: {  	[smem:$0x3FAE] =	sst s3  }
0xc: {  	[smem:$0x3FAF] =	sst s4  }
0xd: {  	[smem:$0x3FB0] =	sst s5  }
0xe: {  	[smem:$0x3FB1] =	sst s6  }
0xf: {  	[smem:$0x3FB2] =	sst s7  }
0x10: {  	[smem:$0x3FB3] =	sst s8  }
0x11: {  	[smem:$0x3FB4] =	sst s9;
	s0 =	simm.s32 @!p0 $0x0  }
0x12: {  	s1 =	sld [smem:$0x3F9A];
	s0 =	simm.s32 @p0 $0x1  }
0x13: {  	[smem:$0x3FB5] =	sst s0;
	s0 =	simm.s32 @!p1 $0x0  }
0x14: {  	s2 =	sld [smem:$0x3F99];
	s0 =	simm.s32 @p1 $0x1  }
0x15: {  	[smem:$0x3FB6] =	sst s0;
	s0 =	simm.s32 @!p2 $0x0  }
0x16: {  	s3 =	sld [smem:$0x3FDB];
	s0 =	simm.s32 @p2 $0x1  }
0x17: {  	s4 =	simm.s32 $0x1BF5;
	[smem:$0x3FB8] =	sst s0  }
0x18: {  	s0 =	sld [smem:$0x3F9B];
	_ =	swait.ge [sflag:s4], $0x0  }
0x19: {  	s7 =	sld [smem:$0x3F9C]  }
0x1a: {  	s8 =	sadd.s32 $0xFFFFE003, lr  }
0x1b: {  	s9 =	sadd.s32 $0xFFFFFEF7, lr;
	s5 =	simm.s32 $0xFFFFFFFF;
	p2 =	slt.u32 s8, $0xFFFFF086  }
0x1c: {  	p1 =	slt.u32 s9, $0xF7A;
	s5 =	simm.s32 @!p2 $0x0  }
0x1d: {  	s5 =	simm.s32 @p1 $0x1;
	p0 =	seq.s32 s7, s2  }
0x1e: {  	s7 =	smul.u32 @!p0 $0xF7A, s2;
	p2 =	seq.s32 @!p0 s5, $0x0  }
0x1f: {  	s9 =	smul.u32 $0xF7A, s1;
	s8 =	simm.s32 @!p0 $0x1BF5;
	p2 =	por !p2, p0  }
0x20: {  	[sflag:s8] =	ssyncset.s32 @!p0 $0xFFFFF086;
	s6 =	sadd.s32 @!p0 s3, s7;
	s7 =	simm.s32 @!p0 $0x108  }
0x21: {  	s3 =	sadd.s32 s3, s9;
	s6 =	sadd.s32 @!p0 $0x88, s6;
	s7 =	simm.s32 @p2 $0x1082  }
0x22: {  	[simem:s7], [sflag:s8] =	dma.local @!p0 [hbm:s6], $0xF7A  }
0x23: {  	s9 =	sor.u32 $0xD0000000, s2;
	s6 =	simm.s32 $0x108;
	_ =	swait.ge @!p0 [sflag:s8], $0x0  }
0x24: {  	s3 =	sadd.s32 $0x88, s3;
	s6 =	simm.s32 @!p1 $0x1082;
	[sflag:s4] =	ssyncset.s32 $0xFFFFF086  }
0x25: {  	[simem:s6], [sflag:s4] =	dma.local [hbm:s3], $0xF7A  }
0x26: {  	[smem:$0x3F9C] =	sst s1;
	(tag) =	ssettag s2;
	_ =	strace s9  }
0x27: {  	s1 =	sld [smem:$0x3FAC]  }
0x28: {  	s2 =	sld [smem:$0x3FAD]  }
0x29: {  	s4 =	sld [smem:$0x3FAF]  }
0x2a: {  	p0 =	seq.s32 s5, $0x0;
	s5 =	sld [smem:$0x3FB0]  }
0x2b: {  	s6 =	sld [smem:$0x3FB1]  }
0x2c: {  	s7 =	sld [smem:$0x3FB2]  }
0x2d: {  	s3 =	simm.s32 $0x108;
	s8 =	sld [smem:$0x3FB3]  }
0x2e: {  	s3 =	simm.s32 @!p0 $0x1082;
	s9 =	sld [smem:$0x3FB4]  }
0x2f: {  	lr =	sadd.s32 s0, s3;
	s0 =	sld [smem:$0x3FAB]  }
0x30: {  	s3 =	sld [smem:$0x3FAE]  }
0x31: {  	[smem:$0x3FB7] =	sst s10  }
0x32: {  	s10 =	sld [smem:$0x3FB5];
	_ =	sdelay $0x3  }
0x33: {  	p0 =	seq.s32 s10, $0x1;
	s10 =	sld [smem:$0x3FB7];
	_ =	sdelay $0x3  }
0x34: {  	[smem:$0x3FB7] =	sst s10  }
0x35: {  	s10 =	sld [smem:$0x3FB6];
	_ =	sdelay $0x3  }
0x36: {  	p1 =	seq.s32 s10, $0x1;
	s10 =	sld [smem:$0x3FB7];
	_ =	sdelay $0x3  }
0x37: {  	[smem:$0x3FB7] =	sst s10  }
0x38: {  	s10 =	sld [smem:$0x3FB8]  }
0x39: {  	_ = 	snop;
	(pc) =	sbr.ind lr, $3  }
0x3a: {  	_ = 	snop  }
0x3b: {  	_ = 	snop  }
0x3c: {  	p2 =	seq.s32 s10, $0x1;
	s10 =	sld [smem:$0x3FB7]  }
0x3d: {  	_ =	shalt  }
0x3e: {  	_ =	shalt  }
0x3f: {  	_ =	shalt  }
0x40: {  	_ =	shalt  }
0x41: {  	_ =	shalt  }
0x42: {  	_ =	shalt  }
0x43: {  	_ =	shalt  }
0x44: {  	_ =	shalt  }
0x45: {  	_ =	shalt  }
0x46: {  	_ =	shalt  }
0x47: {  	_ =	shalt  }
0x48: {  	_ =	shalt  }
0x49: {  	_ =	shalt  }
0x4a: {  	_ =	shalt  }
0x4b: {  	_ =	shalt  }
0x4c: {  	_ =	shalt  }
0x4d: {  	_ =	shalt  }
0x4e: {  	_ =	shalt  }
0x4f: {  	_ =	shalt  }
0x50: {  	_ =	shalt  }
0x51: {  	_ =	shalt  }
0x52: {  	_ =	shalt  }
0x53: {  	_ =	shalt  }
0x54: {  	_ =	shalt  }
0x55: {  	_ =	shalt  }
0x56: {  	_ =	shalt  }
0x57: {  	_ =	shalt  }
0x58: {  	_ =	shalt  }
0x59: {  	_ =	shalt  }
0x5a: {  	_ =	shalt  }
0x5b: {  	_ =	shalt  }
0x5c: {  	_ =	shalt  }
0x5d: {  	_ =	shalt  }
0x5e: {  	_ =	shalt  }
0x5f: {  	_ =	shalt  }
0x60: {  	_ =	shalt  }
0x61: {  	_ =	shalt  }
0x62: {  	_ =	shalt  }
0x63: {  	_ =	shalt  }
0x64: {  	_ =	shalt  }
0x65: {  	_ =	shalt  }
0x66: {  	_ =	shalt  }
0x67: {  	_ =	shalt  }
0x68: {  	_ =	shalt  }
0x69: {  	_ =	shalt  }
0x6a: {  	_ =	shalt  }
0x6b: {  	_ =	shalt  }
0x6c: {  	_ =	shalt  }
0x6d: {  	_ =	shalt  }
0x6e: {  	_ =	shalt  }
0x6f: {  	_ =	shalt  }
0x70: {  	_ =	shalt  }
0x71: {  	_ =	shalt  }
0x72: {  	_ =	shalt  }
0x73: {  	_ =	shalt  }
0x74: {  	_ =	shalt  }
0x75: {  	_ =	shalt  }
0x76: {  	_ =	shalt  }
0x77: {  	_ =	shalt  }
0x78: {  	_ =	shalt  }
0x79: {  	_ =	shalt  }
0x7a: {  	_ =	shalt  }
0x7b: {  	_ =	shalt  }
0x7c: {  	_ =	shalt  }
0x7d: {  	_ =	shalt  }
0x7e: {  	_ =	shalt  }
0x7f: {  	_ =	shalt  }
0x80: {  	_ =	shalt  }
0x81: {  	_ =	shalt  }
0x82: {  	_ =	shalt  }
0x83: {  	_ =	shalt  }
0x84: {  	_ =	shalt  }
0x85: {  	_ =	shalt  }
0x86: {  	_ =	shalt  }
0x87: {  	_ =	shalt  }
.Lfunc_end0:
.L_simem_size_0:
called_computation.1_lowered:
.L_overlay_start_0:
0x88: {  	s2 =	sld [smem:$0x3FD9]  }
0x89: {  	s3 =	sld [smem:$0x3FFE];
	_ =	sdelay $0x1  }
0x8a: {  	s1 =	srdreg.scid  }
0x8b: {  	s0 =	sand.u32 $0x1, s1  }
0x8c: {  	s17 =	sshll.u32 s0, $0xA;
	s2 =	sadd.s32 s3, s2  }
0x8d: {  	s2 =	sadd.s32 s2, s17  }
0x8e: {  	[smem:$0x3FC3] =	sst s2  }
0x8f: {  	_ = 	snop  }
0x90: {  	s2 =	sld [smem:$0x3FD0];
	(tm) =	ssettm $0x1  }
0x91: {  	s18 =	sld [smem:$0x3FFB];
	_ =	sdelay $0x3  }
0x92: {  	_ =	strace s18  }
0x93: {  	s3 =	sld [smem:$0x3FFC];
	_ =	sdelay $0x3  }
0x94: {  	_ =	strace s3  }
0x95: {  	s3 =	sld [smem:$0x3FFD];
	_ =	sdelay $0x3  }
0x96: {  	_ =	strace s3  }
0x97: {  	_ =	strace $0x8FFFFFFF  }
0x98: {  	s19 =	sld [smem:$0x3FDB];
	_ =	sdelay $0x1  }
0x99: {  	s4 =	simm.s32 $_scs_section_size  }
0x9a: {  	s5 =	simm.s32 $_size__tile_overlayer_lowered;
	s6 =	simm.s32 $_tile_overlayer_lowered  }
0x9b: {  	s22 =	simm.s32 $0x1BFF;
	s21 =	sshll.u32 s6, $0x1;
	s3 =	sadd.s32 s4, s19  }
0x9c: {  	s7 =	simm.s32 $0x0;
	s20 =	sshll.u32 s5, $0x1;
	s5 =	sadd.s32 s21, s3  }
0x9d: {  	[timem:s7], [sflag:s22] =	dma.local [hbm:s5], s20  }
0x9e: {  	_ =	swait.ge [sflag:s22], s20  }
0x9f: {  	s4 =	ssub.s32 $0x0, s20;
	[sflag:s22] =	ssyncset.done $0x0  }
0xa0: {  	[sflag:s22] =	ssyncadd.s32 s4;
	_ =	sdelay $0x1  }
0xa1: {  	s23 =	simm.s32 $0x1B8B  }
0xa2: {  	_ =	swait.ge [sflag:s23], $0x1  }
0xa3: {  	[sflag:s23] =	ssyncset.done $0x0  }
0xa4: {  	s25 =	simm.s32 $0x1B8E;
	s24 =	sld [smem:$0x3FFE];
	[sflag:s23] =	ssyncadd.s32 $0xFFFFFFFF  }
0xa5: {  	s26 =	simm.s32 $execute0_lowered;
	[smem:$0x3FD2] =	sst s25  }
0xa6: {  	s5 =	sshll.u32 s26, $0x1;
	_ =	strace $0x80000046;
	[dreg:$0x1] =	wrdreg $0xFFFFFFFF  }
0xa7: {  	s28 =	simm.s32 $_size_execute0_lowered;
	s3 =	sadd.s32 s3, s5;
	[dreg:$0x0] =	wrdreg $0x0  }
0xa8: {  	s5 =	sshll.u32 s28, $0x1;
	[dreg:$0x2] =	wrdreg s3  }
0xa9: {  	[dreg:$0x3] =	wrdreg s5  }
0xaa: {  	[dreg:$0x4] =	wrdreg $0xC0  }
0xab: {  	_ =	task [dreg:s7], $0x5FFFF  }
0xac: {  	[dreg:$0x1] =	wrdreg $0xFFFFFFFF  }
0xad: {  	[dreg:$0x0] =	wrdreg $0x60  }
0xae: {  	[dreg:$0x2] =	wrdreg s24  }
0xaf: {  	[dreg:$0x3] =	wrdreg s2  }
0xb0: {  	[dreg:$0x4] =	wrdreg $0x9  }
0xb1: {  	_ =	task.clear_ibuf [dreg:s7], $0x5FFFF;
	_ =	strace $0x90000046  }
0xb2: {  	s29 =	simm.s32 $0x9;
	_ =	strace $0x80000048  }
0xb3: {  	_ =	swait.ge [sflag:s29], $0x1  }
0xb4: {  	[sflag:s29] =	ssyncadd.s32 $0xFFFFFFFF  }
0xb5: {  	_ =	strace $0x90000048  }
0xb6: {  	_ =	sfence  }
0xb7: {  	s30 =	sld [smem:$0x0];
	_ =	sdelay $0x2  }
0xb8: {  	s31 =	sshll.u32 s1, $0xD;
	s1 =	sshrl.u32 s1, $0x2  }
0xb9: {  	s3 =	sand.u32 $0x4000, s31;
	s1 =	sadd.s32 s1, s30  }
0xba: {  	s0 =	sor.u32 s3, s0;
	s1 =	sshll.u32 s1, $0x11  }
0xbb: {  	s0 =	sor.u32 s1, s0  }
0xbc: {  	s0 =	sadd.s32 $0x8F2B, s0  }
0xbd: {  	[sflag:s0] =	ssyncadd.remote.s32 $0x1  }
0xbe: {  	_ =	sfence.sel $0xFFFF  }
0xbf: {  	[dreg:$0x0] =	wrdreg $0xFFFFFFFF;
	(pc) =	sbr.abs _section_cstart, $3  }
0xc0: {  	[dreg:$0x1] =	wrdreg $0xFFFFFFFF  }
0xc1: {  	_ =	task.clear_ibuf [dreg:s7], $0x2FFFF;
	_ =	strace $0x9FFFFFFF  }
0xc2: {  	(tm) =	ssettm $0x7FFFFFFF  }
0xc3: {  	_ =	shalt  }
tec
execute0_lowered:
.L_overlay_start_1:
0x0: {  	(tag) =	ssettag $0x1  }
0x1: {  	s0 =	srdreg.scid;
	s7 =	rddreg [dreg:$0x0]  }
0x2: {  	s1 =	stileid.u32;
	s2 =	rddreg [dreg:$0x1];
	s4 =	simm.s32 $0x0  }
0x3: {  	s11 =	simm.s32 $0x3;
	s13 =	simm.s32 $0x50;
	s14 =	simm.s32 $0x3200  }
0x4: {  	s23 =	simm.s32 $0x12C00;
	s24 =	simm.s32 $0x9600;
	s25 =	simm.s32 $0xAA00  }
0x5: {  	s26 =	simm.s32 $0xBE00;
	s28 =	simm.s32 $0xD200;
	s29 =	simm.s32 $0xE600  }
0x6: {  	v0 =	vlaneseq.u32;
	v1 =	vimm.s32 $0x6;
	s30 =	simm.s32 $0x1;
	s0 =	sand.u32 $0x1, s0;
	s1 =	sshll.u32 s1, $0x1  }
0x7: {  	v2 =	vimm.s32 $0x0;
	v6 =	vimm.s32 $0x1;
	v7 =	vimm.s32 $0x2;
	s31 =	simm.s32 $0x12CC0;
	s1 =	sor.u32 s0, s1;
	s0 =	ssub.s32 $0x2, s0  }
0x8: {  	v8 =	vimm.s32 $0x3;
	v9 =	vimm.s32 $0x4;
	v10 =	vimm.s32 $0x5;
	[smem:$0x7FF] =	sst s4;
	s3 =	smul.u32 $0x1900, s1;
	s8 =	sshrl.u32 s0, $0x1  }
0x9: {  	v11 =	vimm.s32 $0x7;
	v12 =	vimm.s32 $0x8;
	v13 =	vimm.s32 $0x9;
	s5 =	sadd.s32 $0xF43600, s7;
	s6 =	sadd.s32 $0xE200, s7;
	s0 =	ssub.s32 s0, s8  }
0xa: {  	v14 =	vimm.s32 $0xA;
	v15 =	vimm.s32 $0xB;
	v16 =	vimm.s32 $0xC;
	_ =	strace $0x80000047;
	s1 =	sshrl.u32 s3, $0x3;
	s10 =	smax.u32 s0, $0x1  }
0xb: {  	v17 =	vimm.s32 $0xD;
	v18 =	vimm.s32 $0xE;
	v19 =	vimm.s32 $0xF;
	s0 =	simm.s32 $0x0;
	s1 =	sadd.s32 s1, s7;
	s7 =	sadd.s32 $0xDA00, s7  }
0xc: {  	v3 =	vor.u32 $0x10, v0;
	v4 =	vor.u32 $0x20, v0;
	v5 =	vor.u32 $0x30, v0;
	s8 =	sadd.s32 $0x7600, s1;
	s9 =	sadd.s32 $0x1200, s1;
	s1 =	simm.s32 $0x2  }
.LBB2_1:
0xd: {  	[tilespmem:s4], [sflag:$0x3] =	stream.linear.gather [hbm4b:s8+s4], $0x1900, $0x38;
	[tilespmem:$0x1C2C0] =	vst v63  }
0xe: {  	_ =	swait.ge [sflag:s11], $0x1900  }
0xf: {  	[sflag:s11] =	ssyncset.done $0x0  }
0x10: {  	s12 =	simm.s32 $0x1900;
	[sflag:s11] =	ssyncadd.s32 $0xFFFFE700  }
0x11: {  	[tilespmem:s12], [sflag:$0x3] =	stream.linear.gather [hbm4b:s9+s4], $0x1900, $0x38;
	[tilespmem:$0x1C2C0] =	vst v63  }
0x12: {  	_ =	swait.ge [sflag:s11], $0x1900  }
0x13: {  	[sflag:s11] =	ssyncset.done $0x0  }
0x14: {  	[sflag:s11] =	ssyncadd.s32 $0xFFFFE700  }
0x15: {  	[tilespmem:s14], [sflag:$0x1] =	stream.indirect.gather [hbm4b:s5+s13], $0x40, s4, s13, $0xb8;
	[tilespmem:$0x1C2C0] =	vst v63  }
0x16: {  	s16 =	simm.s32 $0x4600  }
0x17: {  	[tilespmem:s16], [sflag:$0x1] =	stream.indirect.gather [hbm4b:s5+s13], $0x40, s13, s13, $0xb8;
	[tilespmem:$0x1C2C0] =	vst v63  }
0x18: {  	s17 =	simm.s32 $0xA0;
	s15 =	simm.s32 $0x5A00  }
0x19: {  	[tilespmem:s15], [sflag:$0x1] =	stream.indirect.gather [hbm4b:s5+s13], $0x40, s17, s13, $0xb8;
	[tilespmem:$0x1C2C0] =	vst v63  }
0x1a: {  	s18 =	simm.s32 $0xF0;
	s19 =	simm.s32 $0x6E00  }
0x1b: {  	[tilespmem:s19], [sflag:$0x1] =	stream.indirect.gather [hbm4b:s5+s13], $0x40, s18, s13, $0xb8;
	[tilespmem:$0x1C2C0] =	vst v63  }
0x1c: {  	s20 =	simm.s32 $0x140;
	s21 =	simm.s32 $0x8200  }
0x1d: {  	[tilespmem:s21], [sflag:$0x1] =	stream.indirect.gather [hbm4b:s5+s13], $0x40, s20, s13, $0xb8;
	[tilespmem:$0x1C2C0] =	vst v63  }
0x1e: {  	s22 =	simm.s32 $0xFA00  }
0x1f: {  	[tilespmem:s22], [sflag:$0x3] =	stream.linear.gather [hbm4b:s7+s4], $0x3200, $0x38;
	[tilespmem:$0x1C2C0] =	vst v63  }
0x20: {  	_ =	swait.ge [sflag:s11], $0x3200  }
0x21: {  	[sflag:s11] =	ssyncset.done $0x0  }
0x22: {  	[sflag:s11] =	ssyncadd.s32 $0xFFFFCE00  }
0x23: {  	[tilespmem:s23], [sflag:$0x3] =	stream.linear.gather [hbm4b:s6+s4], $0xC0, $0x38;
	[tilespmem:$0x1C2C0] =	vst v63  }
0x24: {  	_ =	swait.ge [sflag:s11], $0xC0  }
0x25: {  	[sflag:s11] =	ssyncset.done $0x0  }
0x26: {  	[sflag:s11] =	ssyncadd.s32 $0xFFFFFF40  }
0x27: {  	v26 =	vld [tilespmem:$0x12C00]  }
0x28: {  	v24 =	vld [tilespmem:$0x12C10]  }
0x29: {  	v22 =	vld [tilespmem:$0x12C20]  }
0x2a: {  	v20 =	vld [tilespmem:$0x12C30]  }
0x2b: {  	v28 =	vld [tilespmem:$0x12C40]  }
0x2c: {  	v25 =	vld [tilespmem:$0x12C50]  }
0x2d: {  	v23 =	vld [tilespmem:$0x12C60]  }
0x2e: {  	v21 =	vld [tilespmem:$0x12C70]  }
0x2f: {  	s12 =	simm.s32 $0x0;
	v31 =	vld [tilespmem:$0x12CB0]  }
0x30: {  	v33 =	vld [tilespmem:s12+$0xFA30]  }
0x31: {  	v34 =	vld [tilespmem:s12+$0xFA00]  }
0x32: {  	v30 =	vld [tilespmem:$0x12C80]  }
0x33: {  	v35 =	vld [tilespmem:s12+$0xFA10]  }
0x34: {  	v39 =	vld [tilespmem:s12+$0xFA20]  }
0x35: {  	v29 =	vld [tilespmem:$0x12C90];
	v36 =	vadd.f32 v33, v31  }
0x36: {  	v27 =	vld [tilespmem:$0x12CA0];
	v37 =	vadd.f32 v34, v26  }
0x37: {  	v32 =	vadd.f32 v33, v20;
	v40 =	vadd.f32 v34, v28;
	[tilespmem:s12+$0x190F0] =	vst v36  }
0x38: {  	v41 =	vadd.f32 v34, v30;
	v42 =	vadd.f32 v35, v24;
	[tilespmem:s12+$0x12CC0] =	vst v37  }
0x39: {  	v38 =	vadd.f32 v35, v25;
	v34 =	vadd.f32 v39, v23;
	[tilespmem:s12+$0x15EC0] =	vst v40  }
0x3a: {  	v33 =	vadd.f32 v33, v21;
	v36 =	vadd.f32 v35, v29;
	[tilespmem:s12+$0x190C0] =	vst v41  }
0x3b: {  	s16 =	simm.s32 $0x200;
	s15 =	simm.s32 $0x40;
	v37 =	vadd.f32 v39, v22;
	v35 =	vadd.f32 v39, v27;
	[tilespmem:s12+$0x12CD0] =	vst v42  }
.LBB2_2:
0x3c: {  	p0 =	sne.s32 s16, $0xC700;
	v39 =	vld [tilespmem:s15+$0xFA30];
	[tilespmem:s12+$0x15ED0] =	vst v38  }
0x3d: {  	v38 =	vld [tilespmem:s15+$0xFA00];
	[tilespmem:s12+$0x190D0] =	vst v36  }
0x3e: {  	v36 =	vld [tilespmem:s15+$0xFA10];
	[tilespmem:s12+$0x12CE0] =	vst v37  }
0x3f: {  	v40 =	vld [tilespmem:s15+$0xFA20];
	[tilespmem:s12+$0x15EE0] =	vst v34  }
0x40: {  	[tilespmem:s12+$0x190E0] =	vst v35  }
0x41: {  	v34 =	vadd.f32 v39, v31;
	[tilespmem:s12+$0x12CF0] =	vst v32;
	v32 =	vadd.f32 v39, v20  }
0x42: {  	v35 =	vadd.f32 v38, v26;
	v37 =	vadd.f32 v38, v28;
	[tilespmem:s12+$0x15EF0] =	vst v33;
	s12 =	smov.u32 s15  }
.Ltmp0:
0x43: {  	v33 =	vadd.f32 v38, v30;
	v41 =	vadd.f32 v36, v24;
	[tilespmem:s12+$0x190F0] =	vst v34;
	(pc) =	sbr.rel @p0 .LBB2_2-.Ltmp0, $4  }
0x44: {  	v38 =	vadd.f32 v36, v25;
	v36 =	vadd.f32 v36, v29;
	[tilespmem:s12+$0x12CC0] =	vst v35  }
0x45: {  	v34 =	vadd.f32 v40, v23;
	[tilespmem:s12+$0x15EC0] =	vst v37;
	v37 =	vadd.f32 v40, v22  }
0x46: {  	v35 =	vadd.f32 v40, v27;
	[tilespmem:s12+$0x190C0] =	vst v33;
	v33 =	vadd.f32 v39, v21  }
0x47: {  	s15 =	sshra.s32 s16, $0x2;
	s16 =	sadd.s32 $0x100, s16;
	[tilespmem:s12+$0x12CD0] =	vst v41  }
0x48: {  	v39 =	vld [tilespmem:s15+$0xFA30];
	[tilespmem:s12+$0x15ED0] =	vst v38  }
0x49: {  	v38 =	vld [tilespmem:s15+$0xFA00];
	[tilespmem:s12+$0x190D0] =	vst v36  }
0x4a: {  	v36 =	vld [tilespmem:s15+$0xFA10];
	[tilespmem:s12+$0x12CE0] =	vst v37  }
0x4b: {  	v37 =	vld [tilespmem:s15+$0xFA20];
	[tilespmem:s12+$0x15EE0] =	vst v34  }
0x4c: {  	[tilespmem:s12+$0x190E0] =	vst v35  }
0x4d: {  	[tilespmem:s12+$0x12CF0] =	vst v32;
	v31 =	vadd.f32 v39, v31  }
0x4e: {  	[tilespmem:s12+$0x15EF0] =	vst v33;
	v20 =	vadd.f32 v39, v20  }
0x4f: {  	v21 =	vadd.f32 v39, v21;
	[tilespmem:s15+$0x190F0] =	vst v31  }
0x50: {  	v26 =	vadd.f32 v38, v26;
	[tilespmem:s15+$0x12CF0] =	vst v20  }
0x51: {  	v28 =	vadd.f32 v38, v28;
	[tilespmem:s15+$0x15EF0] =	vst v21  }
0x52: {  	v30 =	vadd.f32 v38, v30;
	[tilespmem:s15+$0x12CC0] =	vst v26  }
0x53: {  	v24 =	vadd.f32 v36, v24;
	[tilespmem:s15+$0x15EC0] =	vst v28  }
0x54: {  	v25 =	vadd.f32 v36, v25;
	[tilespmem:s15+$0x190C0] =	vst v30  }
0x55: {  	v62 =	vadd.f32 v36, v29;
	[tilespmem:s15+$0x12CD0] =	vst v24  }
0x56: {  	v22 =	vadd.f32 v37, v22;
	[tilespmem:s15+$0x15ED0] =	vst v25  }
0x57: {  	v23 =	vadd.f32 v37, v23;
	[tilespmem:s15+$0x190D0] =	vst v62  }
0x58: {  	v63 =	vadd.f32 v37, v27;
	[tilespmem:s15+$0x12CE0] =	vst v22  }
0x59: {  	[tilespmem:s15+$0x15EE0] =	vst v23  }
0x5a: {  	s20 =	simm.s32 $0x1900;
	s16 =	simm.s32 $0x1A90;
	s12 =	simm.s32 $0x0;
	[tilespmem:s15+$0x190E0] =	vst v63  }
.LBB2_4:
0x5b: {  	p0 =	seq.s32 s12, $0x0  }
0x5c: {  	s15 =	simm.s32 @!p0 $0x2  }
0x5d: {  	s18 =	smul.u32 $0x320, s12;
	_ =	swait.ge @!p0 [sflag:s15], $0x6400  }
0x5e: {  	[sflag:s15] =	ssyncset.done @!p0 $0x0  }
0x5f: {  	s17 =	sadd.s32 $0x190, s18;
	[sflag:s15] =	ssyncadd.s32 @!p0 $0xFFFF9C00  }
0x60: {  	[tilespmem:s24], [sflag:$0x1] =	stream.indirect.gather [hbm4b:s5+s13], $0x40, s17, s13, $0xb8;
	[tilespmem:$0x1C2C0] =	vst v63  }
0x61: {  	s22 =	sadd.s32 $0x1E0, s18  }
0x62: {  	[tilespmem:s25], [sflag:$0x1] =	stream.indirect.gather [hbm4b:s5+s13], $0x40, s22, s13, $0xb8;
	[tilespmem:$0x1C2C0] =	vst v63  }
0x63: {  	s19 =	sadd.s32 $0x230, s18  }
0x64: {  	[tilespmem:s26], [sflag:$0x1] =	stream.indirect.gather [hbm4b:s5+s13], $0x40, s19, s13, $0xb8;
	[tilespmem:$0x1C2C0] =	vst v63  }
0x65: {  	s21 =	sadd.s32 $0x280, s18  }
0x66: {  	[tilespmem:s28], [sflag:$0x1] =	stream.indirect.gather [hbm4b:s5+s13], $0x40, s21, s13, $0xb8;
	[tilespmem:$0x1C2C0] =	vst v63  }
0x67: {  	s22 =	sadd.s32 $0x2D0, s18  }
0x68: {  	[tilespmem:s29], [sflag:$0x1] =	stream.indirect.gather [hbm4b:s5+s13], $0x40, s22, s13, $0xb8;
	[tilespmem:$0x1C2C0] =	vst v63  }
0x69: {  	_ =	swait.ge [sflag:s30], $0x1400  }
0x6a: {  	[sflag:s30] =	ssyncset.done $0x0  }
0x6b: {  	[sflag:s30] =	ssyncadd.s32 $0xFFFFEC00  }
0x6c: {  	_ =	swait.ge [sflag:s30], $0x1400  }
0x6d: {  	[sflag:s30] =	ssyncset.done $0x0  }
0x6e: {  	[sflag:s30] =	ssyncadd.s32 $0xFFFFEC00  }
0x6f: {  	_ =	swait.ge [sflag:s30], $0x1400  }
0x70: {  	[sflag:s30] =	ssyncset.done $0x0  }
0x71: {  	[sflag:s30] =	ssyncadd.s32 $0xFFFFEC00  }
0x72: {  	_ =	swait.ge [sflag:s30], $0x1400  }
0x73: {  	[sflag:s30] =	ssyncset.done $0x0  }
0x74: {  	[sflag:s30] =	ssyncadd.s32 $0xFFFFEC00  }
0x75: {  	_ =	swait.ge [sflag:s30], $0x1400  }
0x76: {  	s15 =	smov.u32 s20;
	[sflag:s30] =	ssyncset.done $0x0  }
0x77: {  	s19 =	simm.s32 $0x0;
	s21 =	simm.s32 $0x0;
	[sflag:s30] =	ssyncadd.s32 $0xFFFFEC00  }
.LBB2_5:
0x78: {  	v20 =	vor.u32 s19, v0  }
0x79: {  	v21 =	vld [tilespmem:s15+$0x0];
	v22 =	vmulhi.u32 $0x51EB851F, v20;
	_ =	sdelay $0x1  }
0x7a: {  	v22 =	vshrl.u32 v22, $0x6  }
0x7b: {  	v22 =	vmul.u32 $0xC8, v22;
	_ =	sdelay $0x1  }
0x7c: {  	v21 =	vmul.u32 $0x3200, v21;
	v20 =	vsub.s32 v20, v22  }
0x7d: {  	v20 =	vshll.u32 v20, $0x6  }
0x7e: {  	v20 =	vadd.s32 v20, v21  }
0x7f: {  	v21 =	vperm.xlane v20, v2;
	_ =	sdelay $0x1  }
0x80: {  	v43 =	vadd.s32 v0, v21;
	_ =	sdelay $0x4  }
0x81: {  	v22 =	vld.idx.msk [tilespmem:v43+s31+$0x0], $0xffff  }
0x82: {  	v23 =	vadd.s32 v3, v21;
	_ =	sdelay $0x2  }
0x83: {  	s22 =	sshra.s32 s21, $0x2  }
0x84: {  	[tilespmem:s22+$0x3200] =	vst.add.f32.msk $0xffff, v22  }
0x85: {  	v22 =	vld.idx.msk [tilespmem:v23+s31+$0x0], $0xffff  }
0x86: {  	v44 =	vadd.s32 v4, v21;
	_ =	sdelay $0x3  }
0x87: {  	[tilespmem:s22+$0x3210] =	vst.add.f32.msk $0xffff, v22  }
0x88: {  	v22 =	vld.idx.msk [tilespmem:v44+s31+$0x0], $0xffff  }
0x89: {  	v21 =	vadd.s32 v5, v21;
	_ =	sdelay $0x3  }
0x8a: {  	v45 =	vperm.xlane v20, v6;
	[tilespmem:s22+$0x3220] =	vst.add.f32.msk $0xffff, v22  }
0x8b: {  	v21 =	vld.idx.msk [tilespmem:v21+s31+$0x0], $0xffff  }
0x8c: {  	v46 =	vadd.s32 v0, v45;
	_ =	sdelay $0x3  }
0x8d: {  	[tilespmem:s22+$0x3230] =	vst.add.f32.msk $0xffff, v21  }
0x8e: {  	v21 =	vld.idx.msk [tilespmem:v46+s31+$0x0], $0xffff  }
0x8f: {  	v47 =	vadd.s32 v3, v45;
	_ =	sdelay $0x3  }
0x90: {  	[tilespmem:s22+$0x3240] =	vst.add.f32.msk $0xffff, v21  }
0x91: {  	v21 =	vld.idx.msk [tilespmem:v47+s31+$0x0], $0xffff  }
0x92: {  	v48 =	vadd.s32 v4, v45;
	_ =	sdelay $0x3  }
0x93: {  	[tilespmem:s22+$0x3250] =	vst.add.f32.msk $0xffff, v21  }
0x94: {  	v21 =	vld.idx.msk [tilespmem:v48+s31+$0x0], $0xffff  }
0x95: {  	v22 =	vadd.s32 v5, v45;
	_ =	sdelay $0x3  }
0x96: {  	v49 =	vperm.xlane v20, v7;
	[tilespmem:s22+$0x3260] =	vst.add.f32.msk $0xffff, v21  }
0x97: {  	v22 =	vld.idx.msk [tilespmem:v22+s31+$0x0], $0xffff  }
0x98: {  	v50 =	vadd.s32 v0, v49;
	_ =	sdelay $0x3  }
0x99: {  	[tilespmem:s22+$0x3270] =	vst.add.f32.msk $0xffff, v22  }
0x9a: {  	v22 =	vld.idx.msk [tilespmem:v50+s31+$0x0], $0xffff  }
0x9b: {  	v51 =	vadd.s32 v3, v49;
	_ =	sdelay $0x3  }
0x9c: {  	[tilespmem:s22+$0x3280] =	vst.add.f32.msk $0xffff, v22  }
0x9d: {  	v22 =	vld.idx.msk [tilespmem:v51+s31+$0x0], $0xffff  }
0x9e: {  	v52 =	vadd.s32 v4, v49;
	_ =	sdelay $0x3  }
0x9f: {  	[tilespmem:s22+$0x3290] =	vst.add.f32.msk $0xffff, v22  }
0xa0: {  	v22 =	vld.idx.msk [tilespmem:v52+s31+$0x0], $0xffff  }
0xa1: {  	v21 =	vadd.s32 v5, v49;
	_ =	sdelay $0x3  }
0xa2: {  	v53 =	vperm.xlane v20, v8;
	[tilespmem:s22+$0x32A0] =	vst.add.f32.msk $0xffff, v22  }
0xa3: {  	v21 =	vld.idx.msk [tilespmem:v21+s31+$0x0], $0xffff  }
0xa4: {  	v54 =	vadd.s32 v0, v53;
	_ =	sdelay $0x3  }
0xa5: {  	[tilespmem:s22+$0x32B0] =	vst.add.f32.msk $0xffff, v21  }
0xa6: {  	v21 =	vld.idx.msk [tilespmem:v54+s31+$0x0], $0xffff  }
0xa7: {  	v55 =	vadd.s32 v3, v53;
	_ =	sdelay $0x3  }
0xa8: {  	[tilespmem:s22+$0x32C0] =	vst.add.f32.msk $0xffff, v21  }
0xa9: {  	v21 =	vld.idx.msk [tilespmem:v55+s31+$0x0], $0xffff  }
0xaa: {  	v56 =	vadd.s32 v4, v53;
	_ =	sdelay $0x3  }
0xab: {  	[tilespmem:s22+$0x32D0] =	vst.add.f32.msk $0xffff, v21  }
0xac: {  	v21 =	vld.idx.msk [tilespmem:v56+s31+$0x0], $0xffff  }
0xad: {  	v22 =	vadd.s32 v5, v53;
	_ =	sdelay $0x3  }
0xae: {  	v57 =	vperm.xlane v20, v9;
	[tilespmem:s22+$0x32E0] =	vst.add.f32.msk $0xffff, v21  }
0xaf: {  	v22 =	vld.idx.msk [tilespmem:v22+s31+$0x0], $0xffff  }
0xb0: {  	v58 =	vadd.s32 v0, v57;
	_ =	sdelay $0x3  }
0xb1: {  	[tilespmem:s22+$0x32F0] =	vst.add.f32.msk $0xffff, v22  }
0xb2: {  	v22 =	vld.idx.msk [tilespmem:v58+s31+$0x0], $0xffff  }
0xb3: {  	v59 =	vadd.s32 v3, v57;
	_ =	sdelay $0x3  }
0xb4: {  	[tilespmem:s22+$0x3300] =	vst.add.f32.msk $0xffff, v22  }
0xb5: {  	v22 =	vld.idx.msk [tilespmem:v59+s31+$0x0], $0xffff  }
0xb6: {  	v60 =	vadd.s32 v4, v57;
	_ =	sdelay $0x3  }
0xb7: {  	[tilespmem:s22+$0x3310] =	vst.add.f32.msk $0xffff, v22  }
0xb8: {  	v22 =	vld.idx.msk [tilespmem:v60+s31+$0x0], $0xffff  }
0xb9: {  	v21 =	vadd.s32 v5, v57;
	_ =	sdelay $0x3  }
0xba: {  	v61 =	vperm.xlane v20, v10;
	[tilespmem:s22+$0x3320] =	vst.add.f32.msk $0xffff, v22  }
0xbb: {  	v21 =	vld.idx.msk [tilespmem:v21+s31+$0x0], $0xffff  }
0xbc: {  	v62 =	vadd.s32 v0, v61;
	_ =	sdelay $0x3  }
0xbd: {  	[tilespmem:s22+$0x3330] =	vst.add.f32.msk $0xffff, v21  }
0xbe: {  	v21 =	vld.idx.msk [tilespmem:v62+s31+$0x0], $0xffff  }
0xbf: {  	v63 =	vadd.s32 v3, v61;
	_ =	sdelay $0x3  }
0xc0: {  	[tilespmem:s22+$0x3340] =	vst.add.f32.msk $0xffff, v21  }
0xc1: {  	v21 =	vld.idx.msk [tilespmem:v63+s31+$0x0], $0xffff  }
0xc2: {  	v24 =	vadd.s32 v4, v61;
	_ =	sdelay $0x3  }
0xc3: {  	[tilespmem:s22+$0x3350] =	vst.add.f32.msk $0xffff, v21  }
0xc4: {  	v21 =	vld.idx.msk [tilespmem:v24+s31+$0x0], $0xffff  }
0xc5: {  	v22 =	vadd.s32 v5, v61;
	_ =	sdelay $0x3  }
0xc6: {  	v25 =	vperm.xlane v20, v1;
	[tilespmem:s22+$0x3360] =	vst.add.f32.msk $0xffff, v21  }
0xc7: {  	v22 =	vld.idx.msk [tilespmem:v22+s31+$0x0], $0xffff  }
0xc8: {  	v26 =	vadd.s32 v0, v25;
	_ =	sdelay $0x3  }
0xc9: {  	[tilespmem:s22+$0x3370] =	vst.add.f32.msk $0xffff, v22  }
0xca: {  	v22 =	vld.idx.msk [tilespmem:v26+s31+$0x0], $0xffff  }
0xcb: {  	v27 =	vadd.s32 v3, v25;
	_ =	sdelay $0x3  }
0xcc: {  	[tilespmem:s22+$0x3380] =	vst.add.f32.msk $0xffff, v22  }
0xcd: {  	v22 =	vld.idx.msk [tilespmem:v27+s31+$0x0], $0xffff  }
0xce: {  	v28 =	vadd.s32 v4, v25;
	_ =	sdelay $0x3  }
0xcf: {  	[tilespmem:s22+$0x3390] =	vst.add.f32.msk $0xffff, v22  }
0xd0: {  	v22 =	vld.idx.msk [tilespmem:v28+s31+$0x0], $0xffff  }
0xd1: {  	v21 =	vadd.s32 v5, v25;
	_ =	sdelay $0x3  }
0xd2: {  	v29 =	vperm.xlane v20, v11;
	[tilespmem:s22+$0x33A0] =	vst.add.f32.msk $0xffff, v22  }
0xd3: {  	v21 =	vld.idx.msk [tilespmem:v21+s31+$0x0], $0xffff  }
0xd4: {  	v30 =	vadd.s32 v0, v29;
	_ =	sdelay $0x3  }
0xd5: {  	[tilespmem:s22+$0x33B0] =	vst.add.f32.msk $0xffff, v21  }
0xd6: {  	v21 =	vld.idx.msk [tilespmem:v30+s31+$0x0], $0xffff  }
0xd7: {  	v31 =	vadd.s32 v3, v29;
	_ =	sdelay $0x3  }
0xd8: {  	[tilespmem:s22+$0x33C0] =	vst.add.f32.msk $0xffff, v21  }
0xd9: {  	v21 =	vld.idx.msk [tilespmem:v31+s31+$0x0], $0xffff  }
0xda: {  	v32 =	vadd.s32 v4, v29;
	_ =	sdelay $0x3  }
0xdb: {  	[tilespmem:s22+$0x33D0] =	vst.add.f32.msk $0xffff, v21  }
0xdc: {  	v21 =	vld.idx.msk [tilespmem:v32+s31+$0x0], $0xffff  }
0xdd: {  	v22 =	vadd.s32 v5, v29;
	_ =	sdelay $0x3  }
0xde: {  	v33 =	vperm.xlane v20, v12;
	[tilespmem:s22+$0x33E0] =	vst.add.f32.msk $0xffff, v21  }
0xdf: {  	v22 =	vld.idx.msk [tilespmem:v22+s31+$0x0], $0xffff  }
0xe0: {  	v34 =	vadd.s32 v0, v33;
	_ =	sdelay $0x3  }
0xe1: {  	[tilespmem:s22+$0x33F0] =	vst.add.f32.msk $0xffff, v22  }
0xe2: {  	v22 =	vld.idx.msk [tilespmem:v34+s31+$0x0], $0xffff  }
0xe3: {  	v35 =	vadd.s32 v3, v33;
	_ =	sdelay $0x3  }
0xe4: {  	[tilespmem:s22+$0x3400] =	vst.add.f32.msk $0xffff, v22  }
0xe5: {  	v22 =	vld.idx.msk [tilespmem:v35+s31+$0x0], $0xffff  }
0xe6: {  	v36 =	vadd.s32 v4, v33;
	_ =	sdelay $0x3  }
0xe7: {  	[tilespmem:s22+$0x3410] =	vst.add.f32.msk $0xffff, v22  }
0xe8: {  	v22 =	vld.idx.msk [tilespmem:v36+s31+$0x0], $0xffff  }
0xe9: {  	v21 =	vadd.s32 v5, v33;
	_ =	sdelay $0x3  }
0xea: {  	v37 =	vperm.xlane v20, v13;
	[tilespmem:s22+$0x3420] =	vst.add.f32.msk $0xffff, v22  }
0xeb: {  	v21 =	vld.idx.msk [tilespmem:v21+s31+$0x0], $0xffff  }
0xec: {  	v38 =	vadd.s32 v0, v37;
	_ =	sdelay $0x3  }
0xed: {  	[tilespmem:s22+$0x3430] =	vst.add.f32.msk $0xffff, v21  }
0xee: {  	v21 =	vld.idx.msk [tilespmem:v38+s31+$0x0], $0xffff  }
0xef: {  	v39 =	vadd.s32 v3, v37;
	_ =	sdelay $0x3  }
0xf0: {  	[tilespmem:s22+$0x3440] =	vst.add.f32.msk $0xffff, v21  }
0xf1: {  	v21 =	vld.idx.msk [tilespmem:v39+s31+$0x0], $0xffff  }
0xf2: {  	v40 =	vadd.s32 v4, v37;
	_ =	sdelay $0x3  }
0xf3: {  	[tilespmem:s22+$0x3450] =	vst.add.f32.msk $0xffff, v21  }
0xf4: {  	v21 =	vld.idx.msk [tilespmem:v40+s31+$0x0], $0xffff  }
0xf5: {  	v22 =	vadd.s32 v5, v37;
	_ =	sdelay $0x3  }
0xf6: {  	v41 =	vperm.xlane v20, v14;
	[tilespmem:s22+$0x3460] =	vst.add.f32.msk $0xffff, v21  }
0xf7: {  	v22 =	vld.idx.msk [tilespmem:v22+s31+$0x0], $0xffff  }
0xf8: {  	v42 =	vadd.s32 v0, v41;
	_ =	sdelay $0x3  }
0xf9: {  	[tilespmem:s22+$0x3470] =	vst.add.f32.msk $0xffff, v22  }
0xfa: {  	v22 =	vld.idx.msk [tilespmem:v42+s31+$0x0], $0xffff  }
0xfb: {  	v43 =	vadd.s32 v3, v41;
	_ =	sdelay $0x3  }
0xfc: {  	[tilespmem:s22+$0x3480] =	vst.add.f32.msk $0xffff, v22  }
0xfd: {  	v22 =	vld.idx.msk [tilespmem:v43+s31+$0x0], $0xffff  }
0xfe: {  	v44 =	vadd.s32 v4, v41;
	_ =	sdelay $0x3  }
0xff: {  	[tilespmem:s22+$0x3490] =	vst.add.f32.msk $0xffff, v22  }
0x100: {  	v22 =	vld.idx.msk [tilespmem:v44+s31+$0x0], $0xffff  }
0x101: {  	v21 =	vadd.s32 v5, v41;
	_ =	sdelay $0x3  }
0x102: {  	v45 =	vperm.xlane v20, v15;
	[tilespmem:s22+$0x34A0] =	vst.add.f32.msk $0xffff, v22  }
0x103: {  	v21 =	vld.idx.msk [tilespmem:v21+s31+$0x0], $0xffff  }
0x104: {  	v46 =	vadd.s32 v0, v45;
	_ =	sdelay $0x3  }
0x105: {  	[tilespmem:s22+$0x34B0] =	vst.add.f32.msk $0xffff, v21  }
0x106: {  	v21 =	vld.idx.msk [tilespmem:v46+s31+$0x0], $0xffff  }
0x107: {  	v47 =	vadd.s32 v3, v45;
	_ =	sdelay $0x3  }
0x108: {  	[tilespmem:s22+$0x34C0] =	vst.add.f32.msk $0xffff, v21  }
0x109: {  	v21 =	vld.idx.msk [tilespmem:v47+s31+$0x0], $0xffff  }
0x10a: {  	v48 =	vadd.s32 v4, v45;
	_ =	sdelay $0x3  }
0x10b: {  	[tilespmem:s22+$0x34D0] =	vst.add.f32.msk $0xffff, v21  }
0x10c: {  	v21 =	vld.idx.msk [tilespmem:v48+s31+$0x0], $0xffff  }
0x10d: {  	v22 =	vadd.s32 v5, v45;
	_ =	sdelay $0x3  }
0x10e: {  	v49 =	vperm.xlane v20, v16;
	[tilespmem:s22+$0x34E0] =	vst.add.f32.msk $0xffff, v21  }
0x10f: {  	v22 =	vld.idx.msk [tilespmem:v22+s31+$0x0], $0xffff  }
0x110: {  	v50 =	vadd.s32 v0, v49;
	_ =	sdelay $0x3  }
0x111: {  	[tilespmem:s22+$0x34F0] =	vst.add.f32.msk $0xffff, v22  }
0x112: {  	v22 =	vld.idx.msk [tilespmem:v50+s31+$0x0], $0xffff  }
0x113: {  	v51 =	vadd.s32 v3, v49;
	_ =	sdelay $0x3  }
0x114: {  	[tilespmem:s22+$0x3500] =	vst.add.f32.msk $0xffff, v22  }
0x115: {  	v22 =	vld.idx.msk [tilespmem:v51+s31+$0x0], $0xffff  }
0x116: {  	v52 =	vadd.s32 v4, v49;
	_ =	sdelay $0x3  }
0x117: {  	[tilespmem:s22+$0x3510] =	vst.add.f32.msk $0xffff, v22  }
0x118: {  	v22 =	vld.idx.msk [tilespmem:v52+s31+$0x0], $0xffff  }
0x119: {  	v21 =	vadd.s32 v5, v49;
	_ =	sdelay $0x3  }
0x11a: {  	v53 =	vperm.xlane v20, v17;
	[tilespmem:s22+$0x3520] =	vst.add.f32.msk $0xffff, v22  }
0x11b: {  	v21 =	vld.idx.msk [tilespmem:v21+s31+$0x0], $0xffff  }
0x11c: {  	v54 =	vadd.s32 v0, v53;
	_ =	sdelay $0x3  }
0x11d: {  	[tilespmem:s22+$0x3530] =	vst.add.f32.msk $0xffff, v21  }
0x11e: {  	v21 =	vld.idx.msk [tilespmem:v54+s31+$0x0], $0xffff  }
0x11f: {  	v55 =	vadd.s32 v3, v53;
	_ =	sdelay $0x3  }
0x120: {  	[tilespmem:s22+$0x3540] =	vst.add.f32.msk $0xffff, v21  }
0x121: {  	v21 =	vld.idx.msk [tilespmem:v55+s31+$0x0], $0xffff  }
0x122: {  	v56 =	vadd.s32 v4, v53;
	_ =	sdelay $0x3  }
0x123: {  	[tilespmem:s22+$0x3550] =	vst.add.f32.msk $0xffff, v21  }
0x124: {  	v21 =	vld.idx.msk [tilespmem:v56+s31+$0x0], $0xffff  }
0x125: {  	v22 =	vadd.s32 v5, v53;
	_ =	sdelay $0x3  }
0x126: {  	v57 =	vperm.xlane v20, v18;
	[tilespmem:s22+$0x3560] =	vst.add.f32.msk $0xffff, v21  }
0x127: {  	v22 =	vld.idx.msk [tilespmem:v22+s31+$0x0], $0xffff  }
0x128: {  	v58 =	vadd.s32 v0, v57;
	_ =	sdelay $0x3  }
0x129: {  	[tilespmem:s22+$0x3570] =	vst.add.f32.msk $0xffff, v22  }
0x12a: {  	v22 =	vld.idx.msk [tilespmem:v58+s31+$0x0], $0xffff  }
0x12b: {  	v59 =	vadd.s32 v3, v57;
	_ =	sdelay $0x3  }
0x12c: {  	[tilespmem:s22+$0x3580] =	vst.add.f32.msk $0xffff, v22  }
0x12d: {  	v22 =	vld.idx.msk [tilespmem:v59+s31+$0x0], $0xffff  }
0x12e: {  	v60 =	vadd.s32 v4, v57;
	_ =	sdelay $0x3  }
0x12f: {  	[tilespmem:s22+$0x3590] =	vst.add.f32.msk $0xffff, v22  }
0x130: {  	v22 =	vld.idx.msk [tilespmem:v60+s31+$0x0], $0xffff  }
0x131: {  	v21 =	vadd.s32 v5, v57;
	_ =	sdelay $0x3  }
0x132: {  	v20 =	vperm.xlane v20, v19;
	[tilespmem:s22+$0x35A0] =	vst.add.f32.msk $0xffff, v22  }
0x133: {  	v21 =	vld.idx.msk [tilespmem:v21+s31+$0x0], $0xffff  }
0x134: {  	v61 =	vadd.s32 v0, v20;
	_ =	sdelay $0x3  }
0x135: {  	[tilespmem:s22+$0x35B0] =	vst.add.f32.msk $0xffff, v21  }
0x136: {  	v21 =	vld.idx.msk [tilespmem:v61+s31+$0x0], $0xffff  }
0x137: {  	v62 =	vadd.s32 v3, v20;
	_ =	sdelay $0x3  }
0x138: {  	[tilespmem:s22+$0x35C0] =	vst.add.f32.msk $0xffff, v21  }
0x139: {  	v21 =	vld.idx.msk [tilespmem:v62+s31+$0x0], $0xffff  }
0x13a: {  	v63 =	vadd.s32 v4, v20;
	_ =	sdelay $0x3  }
0x13b: {  	[tilespmem:s22+$0x35D0] =	vst.add.f32.msk $0xffff, v21  }
0x13c: {  	v21 =	vld.idx.msk [tilespmem:v63+s31+$0x0], $0xffff  }
0x13d: {  	v20 =	vadd.s32 v5, v20;
	_ =	sdelay $0x3  }
0x13e: {  	[tilespmem:s22+$0x35E0] =	vst.add.f32.msk $0xffff, v21  }
0x13f: {  	p0 =	sne.s32 s21, $0x18000;
	v20 =	vld.idx.msk [tilespmem:v20+s31+$0x0], $0xffff  }
.Ltmp1:
0x140: {  	_ = 	snop;
	(pc) =	sbr.rel @p0 .LBB2_5-.Ltmp1, $2  }
0x141: {  	_ =	sdelay $0x2  }
0x142: {  	s15 =	sadd.s32 $0x10, s15;
	s19 =	sadd.s32 $0x10, s19;
	s21 =	sadd.s32 $0x1000, s21;
	[tilespmem:s22+$0x35F0] =	vst.add.f32.msk $0xffff, v20  }
0x143: {  	s15 =	sadd.s32 s3, s18  }
0x144: {  	s15 =	sshll.u32 s15, $0x3  }
0x145: {  	s15 =	sadd.s32 s2, s15  }
0x146: {  	[hbm4b:s15+s4] =	stream.linear.scatter [tilespmem:s14], [sflag:$0x2], $0x6400, $0x38;
	[tilespmem:$0x1C2C0] =	vst v63  }
0x147: {  	p0 =	seq.s32 s12, $0x7;
	_ =	swait.ge [sflag:s1], $0x6400  }
0x148: {  	s19 =	simm.s32 @!p0 $0x50;
	[sflag:s1] =	ssyncset.done $0x0  }
0x149: {  	s21 =	simm.s32 @!p0 $0x3200;
	s15 =	sadd.s32 @!p0 $0x320, s18;
	[sflag:s1] =	ssyncadd.s32 $0xFFFF9C00  }
0x14a: {  	[tilespmem:s21], [sflag:$0x1] =	stream.indirect.gather @!p0 [hbm4b:s5+s19], $0x40, s15, s19, $0xb8;
	[tilespmem:$0x1C2C0] =	vst v63  }
0x14b: {  	s15 =	sadd.s32 @!p0 $0x370, s18;
	s21 =	simm.s32 @!p0 $0x4600  }
0x14c: {  	[tilespmem:s21], [sflag:$0x1] =	stream.indirect.gather @!p0 [hbm4b:s5+s19], $0x40, s15, s19, $0xb8;
	[tilespmem:$0x1C2C0] =	vst v63  }
0x14d: {  	s15 =	sadd.s32 @!p0 $0x3C0, s18;
	s21 =	simm.s32 @!p0 $0x5A00  }
0x14e: {  	[tilespmem:s21], [sflag:$0x1] =	stream.indirect.gather @!p0 [hbm4b:s5+s19], $0x40, s15, s19, $0xb8;
	[tilespmem:$0x1C2C0] =	vst v63  }
0x14f: {  	s15 =	sadd.s32 @!p0 $0x410, s18;
	s21 =	simm.s32 @!p0 $0x6E00  }
0x150: {  	[tilespmem:s21], [sflag:$0x1] =	stream.indirect.gather @!p0 [hbm4b:s5+s19], $0x40, s15, s19, $0xb8;
	[tilespmem:$0x1C2C0] =	vst v63  }
0x151: {  	s15 =	sadd.s32 @!p0 $0x460, s18;
	s18 =	simm.s32 @!p0 $0x8200  }
0x152: {  	[tilespmem:s18], [sflag:$0x1] =	stream.indirect.gather @!p0 [hbm4b:s5+s19], $0x40, s15, s19, $0xb8;
	[tilespmem:$0x1C2C0] =	vst v63  }
0x153: {  	_ =	swait.ge [sflag:s30], $0x1400  }
0x154: {  	[sflag:s30] =	ssyncset.done $0x0  }
0x155: {  	[sflag:s30] =	ssyncadd.s32 $0xFFFFEC00  }
0x156: {  	_ =	swait.ge [sflag:s30], $0x1400  }
0x157: {  	[sflag:s30] =	ssyncset.done $0x0  }
0x158: {  	[sflag:s30] =	ssyncadd.s32 $0xFFFFEC00  }
0x159: {  	_ =	swait.ge [sflag:s30], $0x1400  }
0x15a: {  	[sflag:s30] =	ssyncset.done $0x0  }
0x15b: {  	[sflag:s30] =	ssyncadd.s32 $0xFFFFEC00  }
0x15c: {  	_ =	swait.ge [sflag:s30], $0x1400  }
0x15d: {  	[sflag:s30] =	ssyncset.done $0x0  }
0x15e: {  	[sflag:s30] =	ssyncadd.s32 $0xFFFFEC00  }
0x15f: {  	_ =	swait.ge [sflag:s30], $0x1400  }
0x160: {  	s18 =	simm.s32 $0x0;
	[sflag:s30] =	ssyncset.done $0x0  }
0x161: {  	s15 =	smov.u32 s16;
	s19 =	simm.s32 $0x0;
	[sflag:s30] =	ssyncadd.s32 $0xFFFFEC00  }
.LBB2_7:
0x162: {  	v20 =	vor.u32 s18, v0  }
0x163: {  	v21 =	vld [tilespmem:s15+$0x0];
	v22 =	vmulhi.u32 $0x51EB851F, v20;
	_ =	sdelay $0x1  }
0x164: {  	v22 =	vshrl.u32 v22, $0x6  }
0x165: {  	v22 =	vmul.u32 $0xC8, v22;
	_ =	sdelay $0x1  }
0x166: {  	v21 =	vmul.u32 $0x3200, v21;
	v20 =	vsub.s32 v20, v22  }
0x167: {  	v20 =	vshll.u32 v20, $0x6  }
0x168: {  	v20 =	vadd.s32 v20, v21  }
0x169: {  	v21 =	vperm.xlane v20, v2;
	_ =	sdelay $0x1  }
0x16a: {  	v43 =	vadd.s32 v0, v21;
	_ =	sdelay $0x4  }
0x16b: {  	v22 =	vld.idx.msk [tilespmem:v43+s31+$0x0], $0xffff  }
0x16c: {  	v23 =	vadd.s32 v3, v21;
	_ =	sdelay $0x2  }
0x16d: {  	s21 =	sshra.s32 s19, $0x2  }
0x16e: {  	[tilespmem:s21+$0x9600] =	vst.add.f32.msk $0xffff, v22  }
0x16f: {  	v22 =	vld.idx.msk [tilespmem:v23+s31+$0x0], $0xffff  }
0x170: {  	v44 =	vadd.s32 v4, v21;
	_ =	sdelay $0x3  }
0x171: {  	[tilespmem:s21+$0x9610] =	vst.add.f32.msk $0xffff, v22  }
0x172: {  	v22 =	vld.idx.msk [tilespmem:v44+s31+$0x0], $0xffff  }
0x173: {  	v21 =	vadd.s32 v5, v21;
	_ =	sdelay $0x3  }
0x174: {  	v45 =	vperm.xlane v20, v6;
	[tilespmem:s21+$0x9620] =	vst.add.f32.msk $0xffff, v22  }
0x175: {  	v21 =	vld.idx.msk [tilespmem:v21+s31+$0x0], $0xffff  }
0x176: {  	v46 =	vadd.s32 v0, v45;
	_ =	sdelay $0x3  }
0x177: {  	[tilespmem:s21+$0x9630] =	vst.add.f32.msk $0xffff, v21  }
0x178: {  	v21 =	vld.idx.msk [tilespmem:v46+s31+$0x0], $0xffff  }
0x179: {  	v47 =	vadd.s32 v3, v45;
	_ =	sdelay $0x3  }
0x17a: {  	[tilespmem:s21+$0x9640] =	vst.add.f32.msk $0xffff, v21  }
0x17b: {  	v21 =	vld.idx.msk [tilespmem:v47+s31+$0x0], $0xffff  }
0x17c: {  	v48 =	vadd.s32 v4, v45;
	_ =	sdelay $0x3  }
0x17d: {  	[tilespmem:s21+$0x9650] =	vst.add.f32.msk $0xffff, v21  }
0x17e: {  	v21 =	vld.idx.msk [tilespmem:v48+s31+$0x0], $0xffff  }
0x17f: {  	v22 =	vadd.s32 v5, v45;
	_ =	sdelay $0x3  }
0x180: {  	v49 =	vperm.xlane v20, v7;
	[tilespmem:s21+$0x9660] =	vst.add.f32.msk $0xffff, v21  }
0x181: {  	v22 =	vld.idx.msk [tilespmem:v22+s31+$0x0], $0xffff  }
0x182: {  	v50 =	vadd.s32 v0, v49;
	_ =	sdelay $0x3  }
0x183: {  	[tilespmem:s21+$0x9670] =	vst.add.f32.msk $0xffff, v22  }
0x184: {  	v22 =	vld.idx.msk [tilespmem:v50+s31+$0x0], $0xffff  }
0x185: {  	v51 =	vadd.s32 v3, v49;
	_ =	sdelay $0x3  }
0x186: {  	[tilespmem:s21+$0x9680] =	vst.add.f32.msk $0xffff, v22  }
0x187: {  	v22 =	vld.idx.msk [tilespmem:v51+s31+$0x0], $0xffff  }
0x188: {  	v52 =	vadd.s32 v4, v49;
	_ =	sdelay $0x3  }
0x189: {  	[tilespmem:s21+$0x9690] =	vst.add.f32.msk $0xffff, v22  }
0x18a: {  	v22 =	vld.idx.msk [tilespmem:v52+s31+$0x0], $0xffff  }
0x18b: {  	v21 =	vadd.s32 v5, v49;
	_ =	sdelay $0x3  }
0x18c: {  	v53 =	vperm.xlane v20, v8;
	[tilespmem:s21+$0x96A0] =	vst.add.f32.msk $0xffff, v22  }
0x18d: {  	v21 =	vld.idx.msk [tilespmem:v21+s31+$0x0], $0xffff  }
0x18e: {  	v54 =	vadd.s32 v0, v53;
	_ =	sdelay $0x3  }
0x18f: {  	[tilespmem:s21+$0x96B0] =	vst.add.f32.msk $0xffff, v21  }
0x190: {  	v21 =	vld.idx.msk [tilespmem:v54+s31+$0x0], $0xffff  }
0x191: {  	v55 =	vadd.s32 v3, v53;
	_ =	sdelay $0x3  }
0x192: {  	[tilespmem:s21+$0x96C0] =	vst.add.f32.msk $0xffff, v21  }
0x193: {  	v21 =	vld.idx.msk [tilespmem:v55+s31+$0x0], $0xffff  }
0x194: {  	v56 =	vadd.s32 v4, v53;
	_ =	sdelay $0x3  }
0x195: {  	[tilespmem:s21+$0x96D0] =	vst.add.f32.msk $0xffff, v21  }
0x196: {  	v21 =	vld.idx.msk [tilespmem:v56+s31+$0x0], $0xffff  }
0x197: {  	v22 =	vadd.s32 v5, v53;
	_ =	sdelay $0x3  }
0x198: {  	v57 =	vperm.xlane v20, v9;
	[tilespmem:s21+$0x96E0] =	vst.add.f32.msk $0xffff, v21  }
0x199: {  	v22 =	vld.idx.msk [tilespmem:v22+s31+$0x0], $0xffff  }
0x19a: {  	v58 =	vadd.s32 v0, v57;
	_ =	sdelay $0x3  }
0x19b: {  	[tilespmem:s21+$0x96F0] =	vst.add.f32.msk $0xffff, v22  }
0x19c: {  	v22 =	vld.idx.msk [tilespmem:v58+s31+$0x0], $0xffff  }
0x19d: {  	v59 =	vadd.s32 v3, v57;
	_ =	sdelay $0x3  }
0x19e: {  	[tilespmem:s21+$0x9700] =	vst.add.f32.msk $0xffff, v22  }
0x19f: {  	v22 =	vld.idx.msk [tilespmem:v59+s31+$0x0], $0xffff  }
0x1a0: {  	v60 =	vadd.s32 v4, v57;
	_ =	sdelay $0x3  }
0x1a1: {  	[tilespmem:s21+$0x9710] =	vst.add.f32.msk $0xffff, v22  }
0x1a2: {  	v22 =	vld.idx.msk [tilespmem:v60+s31+$0x0], $0xffff  }
0x1a3: {  	v21 =	vadd.s32 v5, v57;
	_ =	sdelay $0x3  }
0x1a4: {  	v61 =	vperm.xlane v20, v10;
	[tilespmem:s21+$0x9720] =	vst.add.f32.msk $0xffff, v22  }
0x1a5: {  	v21 =	vld.idx.msk [tilespmem:v21+s31+$0x0], $0xffff  }
0x1a6: {  	v62 =	vadd.s32 v0, v61;
	_ =	sdelay $0x3  }
0x1a7: {  	[tilespmem:s21+$0x9730] =	vst.add.f32.msk $0xffff, v21  }
0x1a8: {  	v21 =	vld.idx.msk [tilespmem:v62+s31+$0x0], $0xffff  }
0x1a9: {  	v63 =	vadd.s32 v3, v61;
	_ =	sdelay $0x3  }
0x1aa: {  	[tilespmem:s21+$0x9740] =	vst.add.f32.msk $0xffff, v21  }
0x1ab: {  	v21 =	vld.idx.msk [tilespmem:v63+s31+$0x0], $0xffff  }
0x1ac: {  	v24 =	vadd.s32 v4, v61;
	_ =	sdelay $0x3  }
0x1ad: {  	[tilespmem:s21+$0x9750] =	vst.add.f32.msk $0xffff, v21  }
0x1ae: {  	v21 =	vld.idx.msk [tilespmem:v24+s31+$0x0], $0xffff  }
0x1af: {  	v22 =	vadd.s32 v5, v61;
	_ =	sdelay $0x3  }
0x1b0: {  	v25 =	vperm.xlane v20, v1;
	[tilespmem:s21+$0x9760] =	vst.add.f32.msk $0xffff, v21  }
0x1b1: {  	v22 =	vld.idx.msk [tilespmem:v22+s31+$0x0], $0xffff  }
0x1b2: {  	v26 =	vadd.s32 v0, v25;
	_ =	sdelay $0x3  }
0x1b3: {  	[tilespmem:s21+$0x9770] =	vst.add.f32.msk $0xffff, v22  }
0x1b4: {  	v22 =	vld.idx.msk [tilespmem:v26+s31+$0x0], $0xffff  }
0x1b5: {  	v27 =	vadd.s32 v3, v25;
	_ =	sdelay $0x3  }
0x1b6: {  	[tilespmem:s21+$0x9780] =	vst.add.f32.msk $0xffff, v22  }
0x1b7: {  	v22 =	vld.idx.msk [tilespmem:v27+s31+$0x0], $0xffff  }
0x1b8: {  	v28 =	vadd.s32 v4, v25;
	_ =	sdelay $0x3  }
0x1b9: {  	[tilespmem:s21+$0x9790] =	vst.add.f32.msk $0xffff, v22  }
0x1ba: {  	v22 =	vld.idx.msk [tilespmem:v28+s31+$0x0], $0xffff  }
0x1bb: {  	v21 =	vadd.s32 v5, v25;
	_ =	sdelay $0x3  }
0x1bc: {  	v29 =	vperm.xlane v20, v11;
	[tilespmem:s21+$0x97A0] =	vst.add.f32.msk $0xffff, v22  }
0x1bd: {  	v21 =	vld.idx.msk [tilespmem:v21+s31+$0x0], $0xffff  }
0x1be: {  	v30 =	vadd.s32 v0, v29;
	_ =	sdelay $0x3  }
0x1bf: {  	[tilespmem:s21+$0x97B0] =	vst.add.f32.msk $0xffff, v21  }
0x1c0: {  	v21 =	vld.idx.msk [tilespmem:v30+s31+$0x0], $0xffff  }
0x1c1: {  	v31 =	vadd.s32 v3, v29;
	_ =	sdelay $0x3  }
0x1c2: {  	[tilespmem:s21+$0x97C0] =	vst.add.f32.msk $0xffff, v21  }
0x1c3: {  	v21 =	vld.idx.msk [tilespmem:v31+s31+$0x0], $0xffff  }
0x1c4: {  	v32 =	vadd.s32 v4, v29;
	_ =	sdelay $0x3  }
0x1c5: {  	[tilespmem:s21+$0x97D0] =	vst.add.f32.msk $0xffff, v21  }
0x1c6: {  	v21 =	vld.idx.msk [tilespmem:v32+s31+$0x0], $0xffff  }
0x1c7: {  	v22 =	vadd.s32 v5, v29;
	_ =	sdelay $0x3  }
0x1c8: {  	v33 =	vperm.xlane v20, v12;
	[tilespmem:s21+$0x97E0] =	vst.add.f32.msk $0xffff, v21  }
0x1c9: {  	v22 =	vld.idx.msk [tilespmem:v22+s31+$0x0], $0xffff  }
0x1ca: {  	v34 =	vadd.s32 v0, v33;
	_ =	sdelay $0x3  }
0x1cb: {  	[tilespmem:s21+$0x97F0] =	vst.add.f32.msk $0xffff, v22  }
0x1cc: {  	v22 =	vld.idx.msk [tilespmem:v34+s31+$0x0], $0xffff  }
0x1cd: {  	v35 =	vadd.s32 v3, v33;
	_ =	sdelay $0x3  }
0x1ce: {  	[tilespmem:s21+$0x9800] =	vst.add.f32.msk $0xffff, v22  }
0x1cf: {  	v22 =	vld.idx.msk [tilespmem:v35+s31+$0x0], $0xffff  }
0x1d0: {  	v36 =	vadd.s32 v4, v33;
	_ =	sdelay $0x3  }
0x1d1: {  	[tilespmem:s21+$0x9810] =	vst.add.f32.msk $0xffff, v22  }
0x1d2: {  	v22 =	vld.idx.msk [tilespmem:v36+s31+$0x0], $0xffff  }
0x1d3: {  	v21 =	vadd.s32 v5, v33;
	_ =	sdelay $0x3  }
0x1d4: {  	v37 =	vperm.xlane v20, v13;
	[tilespmem:s21+$0x9820] =	vst.add.f32.msk $0xffff, v22  }
0x1d5: {  	v21 =	vld.idx.msk [tilespmem:v21+s31+$0x0], $0xffff  }
0x1d6: {  	v38 =	vadd.s32 v0, v37;
	_ =	sdelay $0x3  }
0x1d7: {  	[tilespmem:s21+$0x9830] =	vst.add.f32.msk $0xffff, v21  }
0x1d8: {  	v21 =	vld.idx.msk [tilespmem:v38+s31+$0x0], $0xffff  }
0x1d9: {  	v39 =	vadd.s32 v3, v37;
	_ =	sdelay $0x3  }
0x1da: {  	[tilespmem:s21+$0x9840] =	vst.add.f32.msk $0xffff, v21  }
0x1db: {  	v21 =	vld.idx.msk [tilespmem:v39+s31+$0x0], $0xffff  }
0x1dc: {  	v40 =	vadd.s32 v4, v37;
	_ =	sdelay $0x3  }
0x1dd: {  	[tilespmem:s21+$0x9850] =	vst.add.f32.msk $0xffff, v21  }
0x1de: {  	v21 =	vld.idx.msk [tilespmem:v40+s31+$0x0], $0xffff  }
0x1df: {  	v22 =	vadd.s32 v5, v37;
	_ =	sdelay $0x3  }
0x1e0: {  	v41 =	vperm.xlane v20, v14;
	[tilespmem:s21+$0x9860] =	vst.add.f32.msk $0xffff, v21  }
0x1e1: {  	v22 =	vld.idx.msk [tilespmem:v22+s31+$0x0], $0xffff  }
0x1e2: {  	v42 =	vadd.s32 v0, v41;
	_ =	sdelay $0x3  }
0x1e3: {  	[tilespmem:s21+$0x9870] =	vst.add.f32.msk $0xffff, v22  }
0x1e4: {  	v22 =	vld.idx.msk [tilespmem:v42+s31+$0x0], $0xffff  }
0x1e5: {  	v43 =	vadd.s32 v3, v41;
	_ =	sdelay $0x3  }
0x1e6: {  	[tilespmem:s21+$0x9880] =	vst.add.f32.msk $0xffff, v22  }
0x1e7: {  	v22 =	vld.idx.msk [tilespmem:v43+s31+$0x0], $0xffff  }
0x1e8: {  	v44 =	vadd.s32 v4, v41;
	_ =	sdelay $0x3  }
0x1e9: {  	[tilespmem:s21+$0x9890] =	vst.add.f32.msk $0xffff, v22  }
0x1ea: {  	v22 =	vld.idx.msk [tilespmem:v44+s31+$0x0], $0xffff  }
0x1eb: {  	v21 =	vadd.s32 v5, v41;
	_ =	sdelay $0x3  }
0x1ec: {  	v45 =	vperm.xlane v20, v15;
	[tilespmem:s21+$0x98A0] =	vst.add.f32.msk $0xffff, v22  }
0x1ed: {  	v21 =	vld.idx.msk [tilespmem:v21+s31+$0x0], $0xffff  }
0x1ee: {  	v46 =	vadd.s32 v0, v45;
	_ =	sdelay $0x3  }
0x1ef: {  	[tilespmem:s21+$0x98B0] =	vst.add.f32.msk $0xffff, v21  }
0x1f0: {  	v21 =	vld.idx.msk [tilespmem:v46+s31+$0x0], $0xffff  }
0x1f1: {  	v47 =	vadd.s32 v3, v45;
	_ =	sdelay $0x3  }
0x1f2: {  	[tilespmem:s21+$0x98C0] =	vst.add.f32.msk $0xffff, v21  }
0x1f3: {  	v21 =	vld.idx.msk [tilespmem:v47+s31+$0x0], $0xffff  }
0x1f4: {  	v48 =	vadd.s32 v4, v45;
	_ =	sdelay $0x3  }
0x1f5: {  	[tilespmem:s21+$0x98D0] =	vst.add.f32.msk $0xffff, v21  }
0x1f6: {  	v21 =	vld.idx.msk [tilespmem:v48+s31+$0x0], $0xffff  }
0x1f7: {  	v22 =	vadd.s32 v5, v45;
	_ =	sdelay $0x3  }
0x1f8: {  	v49 =	vperm.xlane v20, v16;
	[tilespmem:s21+$0x98E0] =	vst.add.f32.msk $0xffff, v21  }
0x1f9: {  	v22 =	vld.idx.msk [tilespmem:v22+s31+$0x0], $0xffff  }
0x1fa: {  	v50 =	vadd.s32 v0, v49;
	_ =	sdelay $0x3  }
0x1fb: {  	[tilespmem:s21+$0x98F0] =	vst.add.f32.msk $0xffff, v22  }
0x1fc: {  	v22 =	vld.idx.msk [tilespmem:v50+s31+$0x0], $0xffff  }
0x1fd: {  	v51 =	vadd.s32 v3, v49;
	_ =	sdelay $0x3  }
0x1fe: {  	[tilespmem:s21+$0x9900] =	vst.add.f32.msk $0xffff, v22  }
0x1ff: {  	v22 =	vld.idx.msk [tilespmem:v51+s31+$0x0], $0xffff  }
0x200: {  	v52 =	vadd.s32 v4, v49;
	_ =	sdelay $0x3  }
0x201: {  	[tilespmem:s21+$0x9910] =	vst.add.f32.msk $0xffff, v22  }
0x202: {  	v22 =	vld.idx.msk [tilespmem:v52+s31+$0x0], $0xffff  }
0x203: {  	v21 =	vadd.s32 v5, v49;
	_ =	sdelay $0x3  }
0x204: {  	v53 =	vperm.xlane v20, v17;
	[tilespmem:s21+$0x9920] =	vst.add.f32.msk $0xffff, v22  }
0x205: {  	v21 =	vld.idx.msk [tilespmem:v21+s31+$0x0], $0xffff  }
0x206: {  	v54 =	vadd.s32 v0, v53;
	_ =	sdelay $0x3  }
0x207: {  	[tilespmem:s21+$0x9930] =	vst.add.f32.msk $0xffff, v21  }
0x208: {  	v21 =	vld.idx.msk [tilespmem:v54+s31+$0x0], $0xffff  }
0x209: {  	v55 =	vadd.s32 v3, v53;
	_ =	sdelay $0x3  }
0x20a: {  	[tilespmem:s21+$0x9940] =	vst.add.f32.msk $0xffff, v21  }
0x20b: {  	v21 =	vld.idx.msk [tilespmem:v55+s31+$0x0], $0xffff  }
0x20c: {  	v56 =	vadd.s32 v4, v53;
	_ =	sdelay $0x3  }
0x20d: {  	[tilespmem:s21+$0x9950] =	vst.add.f32.msk $0xffff, v21  }
0x20e: {  	v21 =	vld.idx.msk [tilespmem:v56+s31+$0x0], $0xffff  }
0x20f: {  	v22 =	vadd.s32 v5, v53;
	_ =	sdelay $0x3  }
0x210: {  	v57 =	vperm.xlane v20, v18;
	[tilespmem:s21+$0x9960] =	vst.add.f32.msk $0xffff, v21  }
0x211: {  	v22 =	vld.idx.msk [tilespmem:v22+s31+$0x0], $0xffff  }
0x212: {  	v58 =	vadd.s32 v0, v57;
	_ =	sdelay $0x3  }
0x213: {  	[tilespmem:s21+$0x9970] =	vst.add.f32.msk $0xffff, v22  }
0x214: {  	v22 =	vld.idx.msk [tilespmem:v58+s31+$0x0], $0xffff  }
0x215: {  	v59 =	vadd.s32 v3, v57;
	_ =	sdelay $0x3  }
0x216: {  	[tilespmem:s21+$0x9980] =	vst.add.f32.msk $0xffff, v22  }
0x217: {  	v22 =	vld.idx.msk [tilespmem:v59+s31+$0x0], $0xffff  }
0x218: {  	v60 =	vadd.s32 v4, v57;
	_ =	sdelay $0x3  }
0x219: {  	[tilespmem:s21+$0x9990] =	vst.add.f32.msk $0xffff, v22  }
0x21a: {  	v22 =	vld.idx.msk [tilespmem:v60+s31+$0x0], $0xffff  }
0x21b: {  	v21 =	vadd.s32 v5, v57;
	_ =	sdelay $0x3  }
0x21c: {  	v20 =	vperm.xlane v20, v19;
	[tilespmem:s21+$0x99A0] =	vst.add.f32.msk $0xffff, v22  }
0x21d: {  	v21 =	vld.idx.msk [tilespmem:v21+s31+$0x0], $0xffff  }
0x21e: {  	v61 =	vadd.s32 v0, v20;
	_ =	sdelay $0x3  }
0x21f: {  	[tilespmem:s21+$0x99B0] =	vst.add.f32.msk $0xffff, v21  }
0x220: {  	v21 =	vld.idx.msk [tilespmem:v61+s31+$0x0], $0xffff  }
0x221: {  	v62 =	vadd.s32 v3, v20;
	_ =	sdelay $0x3  }
0x222: {  	[tilespmem:s21+$0x99C0] =	vst.add.f32.msk $0xffff, v21  }
0x223: {  	v21 =	vld.idx.msk [tilespmem:v62+s31+$0x0], $0xffff  }
0x224: {  	v63 =	vadd.s32 v4, v20;
	_ =	sdelay $0x3  }
0x225: {  	[tilespmem:s21+$0x99D0] =	vst.add.f32.msk $0xffff, v21  }
0x226: {  	v21 =	vld.idx.msk [tilespmem:v63+s31+$0x0], $0xffff  }
0x227: {  	v20 =	vadd.s32 v5, v20;
	_ =	sdelay $0x3  }
0x228: {  	[tilespmem:s21+$0x99E0] =	vst.add.f32.msk $0xffff, v21  }
0x229: {  	p0 =	sne.s32 s19, $0x18000;
	v20 =	vld.idx.msk [tilespmem:v20+s31+$0x0], $0xffff  }
.Ltmp2:
0x22a: {  	_ = 	snop;
	(pc) =	sbr.rel @p0 .LBB2_7-.Ltmp2, $2  }
0x22b: {  	_ =	sdelay $0x2  }
0x22c: {  	s15 =	sadd.s32 $0x10, s15;
	s18 =	sadd.s32 $0x10, s18;
	s19 =	sadd.s32 $0x1000, s19;
	[tilespmem:s21+$0x99F0] =	vst.add.f32.msk $0xffff, v20  }
0x22d: {  	s12 =	sadd.s32 $0x1, s12  }
0x22e: {  	p0 =	sne.s32 s12, $0x8  }
.Ltmp3:
0x22f: {  	s15 =	sadd.s32 s3, s17;
	(pc) =	sbr.rel @p0 .LBB2_4-.Ltmp3, $4  }
0x230: {  	s15 =	sshll.u32 s15, $0x3  }
0x231: {  	s15 =	sand.u32 $0x1FFFFF80, s15  }
0x232: {  	s20 =	sadd.s32 $0x320, s20;
	s16 =	sadd.s32 $0x320, s16;
	s15 =	sadd.s32 s2, s15  }
0x233: {  	[hbm4b:s15+s4] =	stream.linear.scatter [tilespmem:s24], [sflag:$0x2], $0x6400, $0x38;
	[tilespmem:$0x1C2C0] =	vst v63  }
0x234: {  	s0 =	sadd.s32 $0x1, s0  }
0x235: {  	p0 =	sne.s32 s0, s10  }
.Ltmp4:
0x236: {  	_ = 	snop;
	(pc) =	sbr.rel @p0 .LBB2_1-.Ltmp4, $4  }
0x237: {  	_ = 	snop  }
0x238: {  	_ =	swait.ge [sflag:s1], $0x6400  }
0x239: {  	[sflag:s1] =	ssyncset.done $0x0  }
0x23a: {  	[sflag:s1] =	ssyncadd.s32 $0xFFFF9C00  }
0x23b: {  	_ =	sfence.sel $0x180000  }
0x23c: {  	[bflag:$0x0] =	sbarrier.arrive $0xFFFF  }
0x23d: {  	_ =	strace $0x90000047  }
0x23e: {  	s0 =	stileid.u32;
	[bflag:$0x2] =	sbarrier.arrive $0xFFFF  }
0x23f: {  	p0 =	sne.s32 s0, $0x0;
	s0 =	rddreg [dreg:$0x2]  }
0x240: {  	s0 =	sadd.s32 @!p0 $0x100000, s0  }
0x241: {  	[sflag:s0] =	ssyncadd.tile.s32 @!p0 $0x1;
	_ =	shalt  }
.Lfunc_end2:
_tile_overlayer_lowered:
.L_overlay_start_2:
0x242: {  	(tag) =	ssettag $0x2  }
0x243: {  	s0 =	rddreg [dreg:$0x0];
	s2 =	stileid.u32  }
0x244: {  	s1 =	rddreg [dreg:$0x1];
	p0 =	sne.s32 s2, $0x0  }
0x245: {  	s3 =	rddreg [dreg:$0x2];
	[bflag:$0x3] =	sbarrier.arrive $0xFFFF;
	s2 =	simm.s32 @!p0 $0x1C03  }
0x246: {  	[timem:s3], [sflag:s2] =	dma.local @!p0 [hbm:s0], s1  }
0x247: {  	s0 =	simm.s32 @!p0 $0x3  }
0x248: {  	_ =	swait.ge @!p0 [sflag:s0], s1  }
0x249: {  	s1 =	ssub.s32 @!p0 $0x0, s1;
	[sflag:s0] =	ssyncset.done @!p0 $0x0  }
0x24a: {  	[sflag:s0] =	ssyncadd.s32 @!p0 s1  }
0x24b: {  	[bflag:$0x3] =	sbarrier.arrive $0xFFFF  }
0x24c: {  	_ =	shalt  }

// kernel: sparse-core-data-format-call.cloned.1.call-start
scs
called_computation_lowered:
.L_overlay_start_0:
0x0: {  	s2 =	sld [smem:$0x3FD9]  }
0x1: {  	s3 =	sld [smem:$0x3FFE];
	_ =	sdelay $0x1  }
0x2: {  	s1 =	srdreg.scid  }
0x3: {  	s0 =	sand.u32 $0x1, s1  }
0x4: {  	s18 =	sshll.u32 s0, $0xA;
	s2 =	sadd.s32 s3, s2  }
0x5: {  	s2 =	sadd.s32 s2, s18  }
0x6: {  	[smem:$0x3FC3] =	sst s2  }
0x7: {  	_ = 	snop  }
0x8: {  	s2 =	sld [smem:$0x3FD0];
	(tm) =	ssettm $0x1  }
0x9: {  	s19 =	sld [smem:$0x3FFB];
	_ =	sdelay $0x3  }
0xa: {  	_ =	strace s19  }
0xb: {  	s3 =	sld [smem:$0x3FFC];
	_ =	sdelay $0x3  }
0xc: {  	_ =	strace s3  }
0xd: {  	s3 =	sld [smem:$0x3FFD];
	_ =	sdelay $0x3  }
0xe: {  	_ =	strace s3  }
0xf: {  	_ =	strace $0x8FFFFFFF  }
0x10: {  	s20 =	sld [smem:$0x3FDB];
	_ =	sdelay $0x1  }
0x11: {  	s4 =	simm.s32 $_scs_section_size  }
0x12: {  	s5 =	simm.s32 $_size__tile_overlayer_lowered;
	s6 =	simm.s32 $_tile_overlayer_lowered  }
0x13: {  	s23 =	simm.s32 $0x1BFF;
	s22 =	sshll.u32 s6, $0x1;
	s3 =	sadd.s32 s4, s20  }
0x14: {  	s7 =	simm.s32 $0x0;
	s21 =	sshll.u32 s5, $0x1;
	s5 =	sadd.s32 s22, s3  }
0x15: {  	[timem:s7], [sflag:s23] =	dma.local [hbm:s5], s21  }
0x16: {  	_ =	swait.ge [sflag:s23], s21  }
0x17: {  	s4 =	ssub.s32 $0x0, s21;
	[sflag:s23] =	ssyncset.done $0x0  }
0x18: {  	[sflag:s23] =	ssyncadd.s32 s4;
	_ =	sdelay $0x1  }
0x19: {  	s24 =	simm.s32 $0x1B8B  }
0x1a: {  	_ =	swait.ge [sflag:s24], $0x1  }
0x1b: {  	[sflag:s24] =	ssyncset.done $0x0  }
0x1c: {  	s26 =	simm.s32 $0x1B8E;
	s25 =	sld [smem:$0x3FFE];
	[sflag:s24] =	ssyncadd.s32 $0xFFFFFFFF  }
0x1d: {  	s27 =	simm.s32 $execute0_lowered;
	[smem:$0x3FD2] =	sst s26  }
0x1e: {  	s5 =	sshll.u32 s27, $0x1;
	_ =	strace $0x80000049;
	[dreg:$0x1] =	wrdreg $0xFFFFFFFF  }
0x1f: {  	s28 =	simm.s32 $_size_execute0_lowered;
	s3 =	sadd.s32 s3, s5;
	[dreg:$0x0] =	wrdreg $0x0  }
0x20: {  	s5 =	sshll.u32 s28, $0x1;
	[dreg:$0x2] =	wrdreg s3  }
0x21: {  	[dreg:$0x3] =	wrdreg s5  }
0x22: {  	[dreg:$0x4] =	wrdreg $0xC0  }
0x23: {  	_ =	task [dreg:s7], $0x5FFFF  }
0x24: {  	[dreg:$0x1] =	wrdreg $0xFFFFFFFF  }
0x25: {  	[dreg:$0x0] =	wrdreg $0x60  }
0x26: {  	[dreg:$0x2] =	wrdreg s25  }
0x27: {  	[dreg:$0x3] =	wrdreg s2  }
0x28: {  	[dreg:$0x4] =	wrdreg $0x9  }
0x29: {  	_ =	task.clear_ibuf [dreg:s7], $0x5FFFF;
	_ =	strace $0x90000049  }
0x2a: {  	s29 =	simm.s32 $0x9;
	_ =	strace $0x8000004B  }
0x2b: {  	_ =	swait.ge [sflag:s29], $0x1  }
0x2c: {  	[sflag:s29] =	ssyncadd.s32 $0xFFFFFFFF  }
0x2d: {  	_ =	strace $0x9000004B  }
0x2e: {  	_ =	sfence  }
0x2f: {  	s30 =	sld [smem:$0x0];
	_ =	sdelay $0x2  }
0x30: {  	s31 =	sshll.u32 s1, $0xD;
	s1 =	sshrl.u32 s1, $0x2  }
0x31: {  	s3 =	sand.u32 $0x4000, s31;
	s1 =	sadd.s32 s1, s30  }
0x32: {  	s0 =	sor.u32 s3, s0;
	s1 =	sshll.u32 s1, $0x11  }
0x33: {  	s0 =	sor.u32 s1, s0  }
0x34: {  	s0 =	sadd.s32 $0x8F2B, s0  }
0x35: {  	[sflag:s0] =	ssyncadd.remote.s32 $0x1  }
0x36: {  	_ =	sfence.sel $0xFFFF  }
0x37: {  	[dreg:$0x0] =	wrdreg $0xFFFFFFFF;
	(pc) =	sbr.abs _section_cstart, $3  }
0x38: {  	[dreg:$0x1] =	wrdreg $0xFFFFFFFF  }
0x39: {  	_ =	task.clear_ibuf [dreg:s7], $0x2FFFF;
	_ =	strace $0x9FFFFFFF  }
0x3a: {  	(tm) =	ssettm $0x7FFFFFFF  }
0x3b: {  	_ =	shalt  }
tec
execute0_lowered:
.L_overlay_start_1:
0x0: {  	(tag) =	ssettag $0x1  }
0x1: {  	s0 =	stileid.u32;
	s6 =	rddreg [dreg:$0x0]  }
0x2: {  	s2 =	rddreg [dreg:$0x1];
	s5 =	srdreg.scid  }
0x3: {  	s31 =	simm.s32 $0x2;
	s13 =	simm.s32 $0x0;
	s1 =	sshll.u32 s0, $0x7  }
0x4: {  	s14 =	simm.s32 $0x0;
	s12 =	simm.s32 $0x0;
	s3 =	sand.u32 $0x380, s1  }
0x5: {  	s5 =	sshll.u32 s5, $0x4;
	s6 =	sadd.s32 $0x1200, s6;
	s4 =	ssub.s32 $0x400, s3  }
0x6: {  	s1 =	rddreg [dreg:$0x2];
	_ =	strace $0x8000004A;
	s7 =	sand.u32 $0x380, s4  }
0x7: {  	s5 =	sand.u32 $0x10, s5;
	p0 =	sne.s32 s7, $0x0;
	s7 =	simm.s32 $0x1  }
.Ltmp0:
0x8: {  	s8 =	sshrl.u32 s4, $0xA;
	s7 =	simm.s32 @!p0 $0x0;
	(pc) =	sbr.rel .LBB1_1-.Ltmp0, $4  }
0x9: {  	s9 =	sor.u32 s0, s5;
	s4 =	simm.s32 $0x1;
	s30 =	sadd.s32 s7, s8  }
0xa: {  	s11 =	smov.u32 s3;
	[sflag:s4] =	ssyncpa.u1 $0x0;
	s5 =	smul.u32 $0x32, s30  }
0xb: {  	[sflag:s31] =	ssyncpa.u1 $0x0;
	p0 =	por $0x0, $0x0;
	s7 =	sshrl.u32 s9, $0x3  }
0xc: {  	s9 =	simm.s32 $0x2000;
	s10 =	smov.u32 s7;
	s8 =	sor.u32 $0x1, s5  }
.LBB1_4:
0xd: {  	s17 =	sand.u32 $0x1F80, s14;
	s13 =	sshll.u32 s13, $0xD  }
0xe: {  	[tilespmem:s16+$0x810 ss:$0x81] =	vst.msk $0xffff, v2;
	s18 =	sshrl.u32 s14, $0x3;
	s31 =	sand.u32 $0x7, s14;
	s17 =	sadd.s32 s2, s17  }
0xf: {  	[tilespmem:s16+$0x1020 ss:$0x81] =	vst.msk $0xffff, v0;
	s18 =	sand.u32 $0xF, s18;
	s14 =	sshll.u32 s31, $0x12;
	s13 =	sadd.s32 s13, s17  }
0x10: {  	[tilespmem:s16+$0x0 ss:$0x81] =	vst.msk $0xffff, v1;
	s14 =	sor.u32 $0x400, s14;
	s13 =	sadd.s32 s18, s13  }
0x11: {  	[hbm4b:s13+s14] =	stream.strided.scatter [tilespmem:s15], [sflag:$0x2], $0x2000, s9, s14, $0x20;
	[tilespmem:$0x8080] =	vst v63  }
.LBB1_5:
0x12: {  	s15 =	sadd.s32 $0x4, s10  }
0x13: {  	s13 =	sadd.s32 $0x400, s11;
	s17 =	smov.u32 s11;
	p2 =	sgt.s32 s15, $0xC7  }
0x14: {  	s17 =	smov.u32 @p2 s13  }
0x15: {  	s15 =	smov.u32 @p2 s7;
	p2 =	sgt.s32 s17, $0x3FF  }
0x16: {  	s17 =	smov.u32 @p2 s3;
	p2 =	sne.s32 s12, s8  }
.Ltmp1:
0x17: {  	p1 =	slt.u32 s12, $0x2;
	(pc) =	sbr.rel @!p2 .LBB1_6-.Ltmp1, $4  }
0x18: {  	s16 =	simm.s32 @!p1 $0x2  }
0x19: {  	s14 =	smov.u32 s11;
	p0 =	por !p0, !p0;
	_ =	swait.ge @!p1 [sflag:s16], $0x2000  }
0x1a: {  	s13 =	smov.u32 s10;
	[sflag:s16] =	ssyncset.done @!p1 $0x0;
	s10 =	smov.u32 s15  }
0x1b: {  	s12 =	sadd.s32 $0x1, s12;
	[sflag:s16] =	ssyncadd.s32 @!p1 $0xFFFFE000;
	s11 =	smov.u32 s17  }
.LBB1_1:
0x1c: {  	p1 =	sge.u32 s12, s5  }
0x1d: {  	s15 =	sand.u32 @!p1 $0x1FFFFFF, s10  }
0x1e: {  	s16 =	smulhi.u32 @!p1 $0x147AE15, s15;
	_ =	sdelay $0x1  }
0x1f: {  	s16 =	smul.u32 @!p1 $0xC8, s16  }
0x20: {  	s17 =	sxor.u32 @!p1 $0xFFFFFFFF, s12;
	s18 =	smul.u32 @!p1 $0xC80, s11  }
0x21: {  	s31 =	sadd.s32 $0xFFFFFFFF, s12;
	s17 =	sshll.u32 @!p1 s17, $0xD;
	s15 =	ssub.s32 @!p1 s15, s16  }
0x22: {  	s16 =	sand.u32 @!p1 $0x2000, s17;
	s17 =	sadd.s32 @!p1 s6, s18;
	s15 =	sshll.u32 @!p1 s15, $0x4  }
0x23: {  	s18 =	simm.s32 @!p1 $0x6400;
	s15 =	sadd.s32 @!p1 s15, s17;
	s17 =	simm.s32 @!p1 $0x40  }
0x24: {  	[tilespmem:s16], [sflag:$0x1] =	stream.strided.gather @!p1 [hbm4b:s15+s17], $0x2000, s18, s17, $0x38;
	[tilespmem:$0x8080] =	vst v63  }
0x25: {  	p1 =	sge.u32 s31, s5  }
.Ltmp2:
0x26: {  	_ = 	snop;
	(pc) =	sbr.rel @p1 .LBB1_5-.Ltmp2, $1  }
0x27: {  	_ =	sdelay $0x3  }
0x28: {  	s15 =	simm.s32 $0x1  }
0x29: {  	_ =	swait.ge [sflag:s4], $0x2000;
	s15 =	simm.s32 @!p0 $0x0  }
0x2a: {  	[sflag:s4] =	ssyncset.done $0x0;
	s16 =	sshll.u32 s15, $0xD  }
0x2b: {  	[sflag:s4] =	ssyncadd.s32 $0xFFFFE000;
	s19 =	sor.u32 $0x20, s16  }
0x2c: {  	s15 =	smul.u32 $0x8100, s15;
	v3 =	vld [tilespmem:s19+$0x10]  }
0x2d: {  	s30 =	sand.u32 $0x1, s12;
	v2 =	vld [tilespmem:s19+$0xFFFFFFF0]  }
0x2e: {  	s16 =	smul.u32 $0x8100, s30;
	s15 =	sshrl.u32 s15, $0x2;
	v0 =	vld [tilespmem:s19+$0x0]  }
0x2f: {  	v1 =	vld [tilespmem:s19+$0xFFFFFFE0];
	s17 =	sor.u32 $0x4000, s15  }
0x30: {  	s31 =	sshrl.u32 s16, $0x2;
	s16 =	sadd.s32 $0x0, s17  }
0x31: {  	s18 =	simm.s32 $0x4;
	s19 =	sadd.s32 $0x40, s19;
	s15 =	sor.u32 $0x4000, s31;
	[tilespmem:s16+$0x1830 ss:$0x81] =	vst.msk $0xffff, v3  }
.LBB1_3:
0x32: {  	v3 =	vld [tilespmem:s19+$0x10];
	p1 =	sne.s32 s18, $0x1FC;
	[tilespmem:s16+$0x810 ss:$0x81] =	vst.msk $0xffff, v2;
	s20 =	smov.u32 s18;
	s18 =	sadd.s32 $0x4, s18  }
.Ltmp3:
0x33: {  	v2 =	vld [tilespmem:s19+$0xFFFFFFF0];
	[tilespmem:s16+$0x1020 ss:$0x81] =	vst.msk $0xffff, v0;
	(pc) =	sbr.rel @p1 .LBB1_3-.Ltmp3, $4  }
0x34: {  	v0 =	vld [tilespmem:s19+$0x0];
	[tilespmem:s16+$0x0 ss:$0x81] =	vst.msk $0xffff, v1  }
0x35: {  	s16 =	sshra.s32 s20, $0x2;
	v1 =	vld [tilespmem:s19+$0xFFFFFFE0]  }
0x36: {  	s16 =	sadd.s32 s16, s17  }
0x37: {  	s19 =	sadd.s32 $0x40, s19;
	[tilespmem:s16+$0x1830 ss:$0x81] =	vst.msk $0xffff, v3  }
.Ltmp4:
0x38: {  	_ = 	snop;
	(pc) =	sbr.rel .LBB1_4-.Ltmp4, $1  }
0x39: {  	_ =	sdelay $0x3  }
.LBB1_6:
0x3a: {  	_ =	sfence.sel $0x180000  }
0x3b: {  	s2 =	simm.s32 $0x1;
	[bflag:$0x0] =	sbarrier.arrive $0xFFFF  }
0x3c: {  	s31 =	simm.s32 $0x2;
	[sflag:s2] =	ssyncpa.u1 $0x1  }
0x3d: {  	[sflag:s31] =	ssyncpa.u1 $0x1  }
0x3e: {  	p0 =	sne.s32 s0, $0x0;
	_ =	strace $0x9000004A  }
0x3f: {  	s0 =	sadd.s32 @!p0 $0x100000, s1;
	[bflag:$0x2] =	sbarrier.arrive $0xFFFF  }
0x40: {  	[sflag:s0] =	ssyncadd.tile.s32 @!p0 $0x1;
	_ =	shalt  }
.Lfunc_end1:
_tile_overlayer_lowered:
.L_overlay_start_2:
0x41: {  	(tag) =	ssettag $0x2  }
0x42: {  	s0 =	rddreg [dreg:$0x0];
	s2 =	stileid.u32  }
0x43: {  	s1 =	rddreg [dreg:$0x1];
	p0 =	sne.s32 s2, $0x0  }
0x44: {  	s3 =	rddreg [dreg:$0x2];
	[bflag:$0x3] =	sbarrier.arrive $0xFFFF;
	s2 =	simm.s32 @!p0 $0x1C01  }
0x45: {  	[timem:s3], [sflag:s2] =	dma.local @!p0 [hbm:s0], s1  }
0x46: {  	s0 =	simm.s32 @!p0 $0x1  }
0x47: {  	_ =	swait.ge @!p0 [sflag:s0], s1  }
0x48: {  	s1 =	ssub.s32 @!p0 $0x0, s1;
	[sflag:s0] =	ssyncset.done @!p0 $0x0  }
0x49: {  	[sflag:s0] =	ssyncadd.s32 @!p0 s1  }
0x4a: {  	[bflag:$0x3] =	sbarrier.arrive $0xFFFF  }
0x4b: {  	_ =	shalt  }

</sc_bundles>
